<compile_context>
chip_gen: v7x
topology: tpu7x:2x2x1
jax: 0.10.2.dev20260603
libtpu: 0.0.44.dev20260713+nightly
codegen_flags: <defaults>
</compile_context>

<pallas_src>
import functools

import jax
import jax.numpy as jnp
from jax import lax
from jax.experimental import pallas as pl
from jax.experimental.pallas import tpu as pltpu
from jax.experimental.pallas import tpu_sc as plsc

_L = 128
_N = 32768
_K = 50
_NROWS = 384
_NTILES = 32
_RPT = _NROWS // _NTILES
_HBINS = 8192
_HSHIFT = 18
_CAP = 160
_FCAP = 272
_PAD = 80


def _sc_select_kernel(b_hbm, d_hbm, outb_hbm, outd_hbm,
                      bv, dv, hist, vm, flags, candv, candi, candb, candd,
                      selb, seld, semb, semd):
    wid = lax.axis_index("s") * 2 + lax.axis_index("c")
    iota = lax.iota(jnp.int32, 16)
    ones16 = jnp.ones((16,), jnp.int32)
    zeros16 = jnp.zeros((16,), jnp.int32)

    row0 = wid * _RPT
    pltpu.async_copy(b_hbm.at[row0], bv, semb)
    pltpu.async_copy(d_hbm.at[row0], dv, semd)

    def row_body(j, _):
        row = wid * _RPT + j
        pltpu.make_async_copy(b_hbm.at[row], bv, semb).wait()
        pltpu.make_async_copy(d_hbm.at[row], dv, semd).wait()

        def zh(g, _c):
            for u in range(8):
                hist[pl.ds((g * 8 + u) * 16, 16)] = zeros16
            return 0
        lax.fori_loop(0, _HBINS // (8 * 16), zh, 0)

        def p1(g, rmax):
            gm = zeros16
            for u in range(16):
                base = (g * 16 + u) * 16
                b16 = bv[pl.ds(base, 16)]
                d16 = dv[pl.ds(base, 16)]
                p = jnp.abs(d16 - b16)
                pb = plsc.bitcast(p, jnp.int32)
                gm = jnp.maximum(gm, pb)
            vm[pl.ds(g * 16, 16)] = gm
            return jnp.maximum(rmax, gm)
        rmax = lax.fori_loop(0, _N // 256, p1, zeros16)
        mbits = jnp.max(rmax)
        mb = lax.shift_right_arithmetic(mbits, _HSHIFT)

        def vh(g, _c):
            for u in range(4):
                vv = vm[pl.ds((g * 4 + u) * 16, 16)]
                binv = lax.shift_right_arithmetic(vv, _HSHIFT)
                plsc.addupdate_scatter(hist, [binv], ones16)
            return 0
        lax.fori_loop(0, (_N // 256) // 4, vh, 0)

        def walk(w, carry):
            cum, cross_base, cross_cum = carry
            hi_b = mb - 16 * w
            cbase = jnp.maximum(hi_b - 15, 0)
            v = hist[pl.ds(cbase, 16)]
            bins = cbase + iota
            m = (bins <= hi_b) & (bins >= hi_b - 15)
            tot = jnp.sum(jnp.where(m, v, 0))
            newcum = cum + tot
            cond = (newcum >= _K) & (cum < _K)
            cross_base = jnp.where(cond, cbase, cross_base)
            cross_cum = jnp.where(cond, cum, cross_cum)
            return newcum, cross_base, cross_cum
        _, cross_base, cross_cum = lax.fori_loop(
            0, 24, walk, (jnp.int32(0), jnp.int32(0), jnp.int32(0)))

        cvec = hist[pl.ds(cross_base, 16)]
        cum = jnp.int32(0)
        bbin = jnp.int32(-1)
        for i in range(16):
            lane = 15 - i
            cum = cum + cvec[lane]
            cond = (cross_cum + cum >= _K) & (bbin < 0)
            bbin = jnp.where(cond, cross_base + lane, bbin)
        tau = lax.shift_left(jnp.maximum(bbin, 0), _HSHIFT)

        def fs(g, nf):
            for u in range(4):
                base = (g * 4 + u) * 16
                vv = vm[pl.ds(base, 16)]
                m = vv >= tau
                nfc = jnp.minimum(nf, _FCAP - 16)
                plsc.store_compressed(flags.at[pl.ds(nfc, 16)], base + iota,
                                      mask=m)
                nf = nf + plsc.all_reduce_population_count(m)[0]
            return nf
        nf = lax.fori_loop(0, (_N // 256) // 4, fs, jnp.int32(0))
        nf = jnp.minimum(nf, _FCAP - 16)

        for h in range(_CAP // 16):
            candv[pl.ds(h * 16, 16)] = zeros16 - 1
            candi[pl.ds(h * 16, 16)] = zeros16

        def collect(i, off):
            fvec = flags[pl.ds(i, 16)]
            c = jnp.clip(fvec[0], 0, (_N // 16) - 1)
            idx16 = (lax.shift_left(lax.shift_right_arithmetic(c, 4), 8)
                     + lax.shift_left(iota, 4) + (c & 15))
            gb = plsc.load_gather(bv, [idx16])
            gd = plsc.load_gather(dv, [idx16])
            p = jnp.abs(gd - gb)
            pb = plsc.bitcast(p, jnp.int32)
            mvec = pb >= tau
            offc = jnp.minimum(off, _CAP - 16)
            plsc.store_compressed(candv.at[pl.ds(offc, 16)], pb, mask=mvec)
            plsc.store_compressed(candi.at[pl.ds(offc, 16)], idx16,
                                  mask=mvec)
            plsc.store_compressed(candb.at[pl.ds(offc, 16)], gb, mask=mvec)
            plsc.store_compressed(candd.at[pl.ds(offc, 16)], gd, mask=mvec)
            return off + plsc.all_reduce_population_count(mvec)[0]
        lax.fori_loop(0, nf, collect, jnp.int32(0))

        @pl.when(j < _RPT - 1)
        def _prefetch():
            pltpu.async_copy(b_hbm.at[row + 1], bv, semb)
            pltpu.async_copy(d_hbm.at[row + 1], dv, semd)

        def tb(i, carry):
            lo, hi = carry
            mid = lo + lax.shift_right_logical(hi - lo + 1, 1)
            acc = zeros16
            for h in range(_CAP // 16):
                cv = candv[pl.ds(h * 16, 16)]
                acc = acc + (cv >= mid).astype(jnp.int32)
            pred = jnp.sum(acc) >= _K
            lo = jnp.where(pred, mid, lo)
            hi = jnp.where(pred, hi, mid - 1)
            return lo, hi
        tbits, _ = lax.fori_loop(
            0, 28, tb, (jnp.full((16,), tau, jnp.int32),
                        jnp.full((16,), mbits, jnp.int32)))

        accg = zeros16
        for h in range(_CAP // 16):
            cv = candv[pl.ds(h * 16, 16)]
            accg = accg + (cv > tbits).astype(jnp.int32)
        need = _K - jnp.sum(accg)

        def ib(i, carry):
            lo2, hi2 = carry
            mid2 = lax.shift_right_arithmetic(lo2 + hi2, 1)
            acc = zeros16
            for h in range(_CAP // 16):
                cv = candv[pl.ds(h * 16, 16)]
                ci = candi[pl.ds(h * 16, 16)]
                acc = acc + ((cv == tbits) & (ci <= mid2)).astype(jnp.int32)
            pred = jnp.sum(acc) >= need
            lo2 = jnp.where(pred, lo2, mid2 + 1)
            hi2 = jnp.where(pred, mid2, hi2)
            return lo2, hi2
        idx_cut, _ = lax.fori_loop(
            0, 15, ib, (zeros16, jnp.full((16,), _N - 1, jnp.int32)))

        for h in range(_PAD // 16):
            selb[pl.ds(h * 16, 16)] = jnp.zeros((16,), jnp.float32)
            seld[pl.ds(h * 16, 16)] = jnp.zeros((16,), jnp.float32)
        off2 = jnp.int32(0)
        for h in range(_CAP // 16):
            cv = candv[pl.ds(h * 16, 16)]
            ci = candi[pl.ds(h * 16, 16)]
            cb = candb[pl.ds(h * 16, 16)]
            cd = candd[pl.ds(h * 16, 16)]
            selm = (cv > tbits) | ((cv == tbits) & (ci <= idx_cut))
            offc2 = jnp.minimum(off2, _PAD - 16)
            plsc.store_compressed(selb.at[pl.ds(offc2, 16)], cb, mask=selm)
            plsc.store_compressed(seld.at[pl.ds(offc2, 16)], cd, mask=selm)
            off2 = off2 + plsc.all_reduce_population_count(selm)[0]
        pltpu.sync_copy(selb, outb_hbm.at[row])
        pltpu.sync_copy(seld, outd_hbm.at[row])
        return 0

    lax.fori_loop(0, _RPT, row_body, 0)


def _sc_select(births, deaths):
    mesh = plsc.VectorSubcoreMesh(core_axis_name="c", subcore_axis_name="s")
    f = functools.partial(
        pl.kernel, mesh=mesh,
        compiler_params=pltpu.CompilerParams(needs_layout_passes=False),
        out_type=[jax.ShapeDtypeStruct((_NROWS, _PAD), jnp.float32),
                  jax.ShapeDtypeStruct((_NROWS, _PAD), jnp.float32)],
        scratch_types=[
            pltpu.VMEM((_N,), jnp.float32),
            pltpu.VMEM((_N,), jnp.float32),
            pltpu.VMEM((_HBINS,), jnp.int32),
            pltpu.VMEM((_N // 16 + 16,), jnp.int32),
            pltpu.VMEM((_FCAP,), jnp.int32),
            pltpu.VMEM((_CAP,), jnp.int32),
            pltpu.VMEM((_CAP,), jnp.int32),
            pltpu.VMEM((_CAP,), jnp.float32),
            pltpu.VMEM((_CAP,), jnp.float32),
            pltpu.VMEM((_PAD,), jnp.float32),
            pltpu.VMEM((_PAD,), jnp.float32),
            pltpu.SemaphoreType.DMA,
            pltpu.SemaphoreType.DMA,
        ],
    )(_sc_select_kernel)
    return f(births, deaths)


def _final_kernel(b_ref, d_ref, w_ref, bias_ref, o_ref):
    cols = []
    for s in range(3):
        b = b_ref[:, s * _PAD:(s + 1) * _PAD]
        d = d_ref[:, s * _PAD:(s + 1) * _PAD]
        p = jnp.abs(d - b)
        logp = jnp.log1p(p)
        f0 = jnp.sum(p, axis=1)
        f1 = jnp.sum(b * p, axis=1)
        f2 = jnp.sum(d * p, axis=1)
        f3 = jnp.sum(b * logp, axis=1)
        f4 = jnp.sum(d * logp, axis=1)
        s5 = jnp.sum(jnp.where(p > 0.0, jnp.exp(p - 1.0), 0.0), axis=1)
        f5 = jnp.log(jnp.exp(jnp.float32(-1.0)) + s5) + 1.0
        cols.append(jnp.stack([f0, f1, f2, f3, f4, f5], axis=1))
    feats = jnp.concatenate(cols, axis=1)
    mean = jnp.mean(feats, axis=0, keepdims=True)
    var = jnp.mean((feats - mean) ** 2, axis=0, keepdims=True)
    normed = (feats - mean) / jnp.sqrt(var + 1e-5)
    out = jnp.dot(normed, w_ref[...].reshape(18, 1),
                  preferred_element_type=jnp.float32) + bias_ref[0, 0]
    o_ref[...] = out


@jax.jit
def _run(births, deaths, W, bias):
    outb, outd = _sc_select(births, deaths)
    outb = outb.reshape(_L, 3 * _PAD)
    outd = outd.reshape(_L, 3 * _PAD)
    out = pl.pallas_call(
        _final_kernel,
        in_specs=[
            pl.BlockSpec((_L, 3 * _PAD), lambda: (0, 0)),
            pl.BlockSpec((_L, 3 * _PAD), lambda: (0, 0)),
            pl.BlockSpec((1, 18), lambda: (0, 0)),
            pl.BlockSpec((1, 1), lambda: (0, 0)),
        ],
        out_specs=pl.BlockSpec((_L, 1), lambda: (0, 0)),
        out_shape=jax.ShapeDtypeStruct((_L, 1), jnp.float32),
    )(outb, outd, W.reshape(1, 18), bias.reshape(1, 1))
    return out


def kernel(births, deaths, W, bias, k):
    return _run(births, deaths, W, bias)

# --- scband reference (transcript-rebuilt; emitter-appended) ---
"""Pipeline reference for scband-model-chebyshev-stats-83348135346732 (READ-ONLY COPY).

The authoritative reference and input builder live on the scoring server;
editing this copy changes nothing except your own understanding.
"""

import jax, jax.numpy as jnp
import numpy as np

L = 128
N = 32768
K = 50

def setup_inputs(seed: int = 0) -> dict:
    key = jax.random.key(seed)
    k1, k2, k3, k4 = jax.random.split(key, 4)
    births = jax.random.normal(k1, (L * 3, N), dtype=jnp.float32)
    deaths = jax.random.normal(k2, (L * 3, N), dtype=jnp.float32)
    W = jax.random.normal(k3, (18, 1), dtype=jnp.float32) * 0.1
    bias = jnp.zeros((1,), dtype=jnp.float32)
    return {"births": births, "deaths": deaths, "W": W, "bias": bias, "k": K}

def _diagram_stats(b, d):
    p = jnp.abs(d - b)
    logp = jnp.log1p(p)
    f0 = jnp.sum(p, axis=-1)
    f1 = jnp.sum(b * p, axis=-1)
    f2 = jnp.sum(d * p, axis=-1)
    f3 = jnp.sum(b * logp, axis=-1)
    f4 = jnp.sum(d * logp, axis=-1)
    f5 = jnp.log(jnp.exp(jnp.float32(-1.0)) + jnp.sum(jnp.exp(p - 1.0) * (p > 0).astype(p.dtype), axis=-1)) + 1.0
    return jnp.stack([f0, f1, f2, f3, f4, f5], axis=1)

def reference(births, deaths, W, bias, k):
    # top-k truncation by persistence |d - b| (largest=True), mirroring torch.topk masking
    p = jnp.abs(deaths - births)
    _, idx = jax.lax.top_k(p, K)
    idx = idx + (k - k)
    b = jnp.take_along_axis(births, idx, axis=1)
    d = jnp.take_along_axis(deaths, idx, axis=1)
    feats = _diagram_stats(b, d)          # [L*3, 6]
    feats = feats.reshape(L, 18)          # [L, 18]
    # BatchNorm1d(18, affine=False), training-mode batch stats, biased variance, eps=1e-5
    mean = jnp.mean(feats, axis=0)
    var = jnp.var(feats, axis=0)
    normed = (feats - mean) / jnp.sqrt(var + 1e-5)
    return normed @ W + bias

if __name__ == "__main__":
    import jax
    _d = setup_inputs()
    print(jax.jit(kernel)(*tuple(_d.values())))

</pallas_src>

<mosaic_0001>
#map = affine_map<(d0, d1) -> (0, 0)>
module attributes {stable_mosaic.version = 14 : i64} {
  func.func @_sc_select_kernel(%arg0: i32, %arg1: i32, %arg2: memref<384x32768xf32, #tpu.memory_space<hbm>>, %arg3: memref<384x32768xf32, #tpu.memory_space<hbm>>, %arg4: memref<384x80xf32, #tpu.memory_space<hbm>>, %arg5: memref<384x80xf32, #tpu.memory_space<hbm>>, %arg6: memref<32768xf32, #tpu.memory_space<vmem>>, %arg7: memref<32768xf32, #tpu.memory_space<vmem>>, %arg8: memref<8192xi32, #tpu.memory_space<vmem>>, %arg9: memref<2064xi32, #tpu.memory_space<vmem>>, %arg10: memref<272xi32, #tpu.memory_space<vmem>>, %arg11: memref<160xi32, #tpu.memory_space<vmem>>, %arg12: memref<160xi32, #tpu.memory_space<vmem>>, %arg13: memref<160xf32, #tpu.memory_space<vmem>>, %arg14: memref<160xf32, #tpu.memory_space<vmem>>, %arg15: memref<80xf32, #tpu.memory_space<vmem>>, %arg16: memref<80xf32, #tpu.memory_space<vmem>>, %arg17: memref<!tpu.dma_semaphore, #tpu.memory_space<semaphore_mem>>, %arg18: memref<!tpu.dma_semaphore, #tpu.memory_space<semaphore_mem>>) attributes {dimension_semantics = [#tpu.dimension_semantics<core_parallel>, #tpu.dimension_semantics<subcore_parallel>], iteration_bounds = array<i64: 2, 16>, scalar_prefetch = 0 : i64, scratch_operands = 13 : i64, tpu.core_type = #tpu.core_type<sc_vector_subcore>, window_params = [{transform_indices = #map}, {transform_indices = #map}, {transform_indices = #map}, {transform_indices = #map}]} {
    %mul3A = arith.constant 2 : i32
    %mul3A_0 = arith.muli %arg1, %mul3A : i32
    %add3A = arith.addi %mul3A_0, %arg0 : i32
    %iota3A = tpu.iota {dimensions = array<i32: 0>} : vector<16xi32>
    %broadcast_in_dim3A = arith.constant 1 : i32
    %broadcast_in_dim3A_1 = vector.broadcast %broadcast_in_dim3A : i32 to vector<16xi32>
    %broadcast_in_dim3A_2 = arith.constant 0 : i32
    %broadcast_in_dim3A_3 = vector.broadcast %broadcast_in_dim3A_2 : i32 to vector<16xi32>
    %mul3A_4 = arith.constant 12 : i32
    %mul3A_5 = arith.muli %add3A, %mul3A_4 : i32
    %dma_start3A = arith.constant 0 : i32
    %dma_start3A_6 = tpu.memref_slice %arg2[%mul3A_5, %dma_start3A] : memref<384x32768xf32, #tpu.memory_space<hbm>> -> memref<1x32768xf32, #tpu.memory_space<hbm>>
    %dma_start3A_7 = tpu.memref_squeeze %dma_start3A_6 : memref<1x32768xf32, #tpu.memory_space<hbm>> -> memref<32768xf32, #tpu.memory_space<hbm>>
    %dma_start3A_8 = arith.constant 0 : i32
    %dma_start3A_9 = tpu.memref_slice %arg2[%mul3A_5, %dma_start3A_8] : memref<384x32768xf32, #tpu.memory_space<hbm>> -> memref<1x32768xf32, #tpu.memory_space<hbm>>
    %dma_start3A_10 = tpu.memref_squeeze %dma_start3A_9 : memref<1x32768xf32, #tpu.memory_space<hbm>> -> memref<32768xf32, #tpu.memory_space<hbm>>
    tpu.enqueue_dma source(%dma_start3A_10 : memref<32768xf32, #tpu.memory_space<hbm>>) target(%arg6 : memref<32768xf32, #tpu.memory_space<vmem>>) target_semaphore(%arg17 : memref<!tpu.dma_semaphore, #tpu.memory_space<semaphore_mem>>)
    %dma_start3A_11 = arith.constant 0 : i32
    %dma_start3A_12 = tpu.memref_slice %arg3[%mul3A_5, %dma_start3A_11] : memref<384x32768xf32, #tpu.memory_space<hbm>> -> memref<1x32768xf32, #tpu.memory_space<hbm>>
    %dma_start3A_13 = tpu.memref_squeeze %dma_start3A_12 : memref<1x32768xf32, #tpu.memory_space<hbm>> -> memref<32768xf32, #tpu.memory_space<hbm>>
    %dma_start3A_14 = arith.constant 0 : i32
    %dma_start3A_15 = tpu.memref_slice %arg3[%mul3A_5, %dma_start3A_14] : memref<384x32768xf32, #tpu.memory_space<hbm>> -> memref<1x32768xf32, #tpu.memory_space<hbm>>
    %dma_start3A_16 = tpu.memref_squeeze %dma_start3A_15 : memref<1x32768xf32, #tpu.memory_space<hbm>> -> memref<32768xf32, #tpu.memory_space<hbm>>
    tpu.enqueue_dma source(%dma_start3A_16 : memref<32768xf32, #tpu.memory_space<hbm>>) target(%arg7 : memref<32768xf32, #tpu.memory_space<vmem>>) target_semaphore(%arg18 : memref<!tpu.dma_semaphore, #tpu.memory_space<semaphore_mem>>)
    %scan3A = arith.constant 0 : i32
    %scan3A_17 = arith.constant 0 : i32
    %scan3A_18 = arith.constant 12 : i32
    %scan3A_19 = arith.addi %scan3A_17, %scan3A_18 : i32
    %scan3A_20 = arith.constant 1 : i32
    %scan3A_21 = scf.for %scan3A_23 = %scan3A_17 to %scan3A_19 step %scan3A_20 iter_args(%scan3A_24 = %scan3A) -> (i32)  : i32 {
      %mul3A_25 = arith.constant 12 : i32
      %mul3A_26 = arith.muli %add3A, %mul3A_25 : i32
      %add3A_27 = arith.addi %mul3A_26, %scan3A_23 : i32
      %dma_wait3A = arith.constant 0 : i32
      %dma_wait3A_28 = tpu.memref_slice %arg2[%add3A_27, %dma_wait3A] : memref<384x32768xf32, #tpu.memory_space<hbm>> -> memref<1x32768xf32, #tpu.memory_space<hbm>>
      %dma_wait3A_29 = tpu.memref_squeeze %dma_wait3A_28 : memref<1x32768xf32, #tpu.memory_space<hbm>> -> memref<32768xf32, #tpu.memory_space<hbm>>
      %dma_wait3A_30 = arith.constant 0 : i32
      %dma_wait3A_31 = tpu.memref_slice %arg2[%add3A_27, %dma_wait3A_30] : memref<384x32768xf32, #tpu.memory_space<hbm>> -> memref<1x32768xf32, #tpu.memory_space<hbm>>
      %dma_wait3A_32 = tpu.memref_squeeze %dma_wait3A_31 : memref<1x32768xf32, #tpu.memory_space<hbm>> -> memref<32768xf32, #tpu.memory_space<hbm>>
      tpu.wait_dma2 semaphore(%arg17 : memref<!tpu.dma_semaphore, #tpu.memory_space<semaphore_mem>>) src(%dma_wait3A_32 : memref<32768xf32, #tpu.memory_space<hbm>>) dst(%arg6 : memref<32768xf32, #tpu.memory_space<vmem>>)
      %dma_wait3A_33 = arith.constant 0 : i32
      %dma_wait3A_34 = tpu.memref_slice %arg3[%add3A_27, %dma_wait3A_33] : memref<384x32768xf32, #tpu.memory_space<hbm>> -> memref<1x32768xf32, #tpu.memory_space<hbm>>
      %dma_wait3A_35 = tpu.memref_squeeze %dma_wait3A_34 : memref<1x32768xf32, #tpu.memory_space<hbm>> -> memref<32768xf32, #tpu.memory_space<hbm>>
      %dma_wait3A_36 = arith.constant 0 : i32
      %dma_wait3A_37 = tpu.memref_slice %arg3[%add3A_27, %dma_wait3A_36] : memref<384x32768xf32, #tpu.memory_space<hbm>> -> memref<1x32768xf32, #tpu.memory_space<hbm>>
      %dma_wait3A_38 = tpu.memref_squeeze %dma_wait3A_37 : memref<1x32768xf32, #tpu.memory_space<hbm>> -> memref<32768xf32, #tpu.memory_space<hbm>>
      tpu.wait_dma2 semaphore(%arg18 : memref<!tpu.dma_semaphore, #tpu.memory_space<semaphore_mem>>) src(%dma_wait3A_38 : memref<32768xf32, #tpu.memory_space<hbm>>) dst(%arg7 : memref<32768xf32, #tpu.memory_space<vmem>>)
      %scan3A_39 = arith.constant 0 : i32
      %scan3A_40 = arith.constant 0 : i32
      %scan3A_41 = arith.constant 64 : i32
      %scan3A_42 = arith.addi %scan3A_40, %scan3A_41 : i32
      %scan3A_43 = arith.constant 1 : i32
      %scan3A_44 = scf.for %scan3A_696 = %scan3A_40 to %scan3A_42 step %scan3A_43 iter_args(%scan3A_697 = %scan3A_39) -> (i32)  : i32 {
        %mul3A_698 = arith.constant 8 : i32
        %mul3A_699 = arith.muli %scan3A_696, %mul3A_698 : i32
        %add3A_700 = arith.constant 0 : i32
        %add3A_701 = arith.addi %mul3A_699, %add3A_700 : i32
        %mul3A_702 = arith.constant 16 : i32
        %mul3A_703 = arith.muli %add3A_701, %mul3A_702 : i32
        %swap3A_704 = arith.index_cast %mul3A_703 : i32 to index
        %swap3A_705 = tpu.vector_load %arg8[%swap3A_704] {strides = array<i32>} : memref<8192xi32, #tpu.memory_space<vmem>>, vector<16xi32>,
        tpu.vector_store %arg8[%swap3A_704], %broadcast_in_dim3A_3 {strides = array<i32>} : memref<8192xi32, #tpu.memory_space<vmem>>, vector<16xi32>,
        %mul3A_706 = arith.constant 8 : i32
        %mul3A_707 = arith.muli %scan3A_696, %mul3A_706 : i32
        %add3A_708 = arith.constant 1 : i32
        %add3A_709 = arith.addi %mul3A_707, %add3A_708 : i32
        %mul3A_710 = arith.constant 16 : i32
        %mul3A_711 = arith.muli %add3A_709, %mul3A_710 : i32
        %swap3A_712 = arith.index_cast %mul3A_711 : i32 to index
        %swap3A_713 = tpu.vector_load %arg8[%swap3A_712] {strides = array<i32>} : memref<8192xi32, #tpu.memory_space<vmem>>, vector<16xi32>,
        tpu.vector_store %arg8[%swap3A_712], %broadcast_in_dim3A_3 {strides = array<i32>} : memref<8192xi32, #tpu.memory_space<vmem>>, vector<16xi32>,
        %mul3A_714 = arith.constant 8 : i32
        %mul3A_715 = arith.muli %scan3A_696, %mul3A_714 : i32
        %add3A_716 = arith.constant 2 : i32
        %add3A_717 = arith.addi %mul3A_715, %add3A_716 : i32
        %mul3A_718 = arith.constant 16 : i32
        %mul3A_719 = arith.muli %add3A_717, %mul3A_718 : i32
        %swap3A_720 = arith.index_cast %mul3A_719 : i32 to index
        %swap3A_721 = tpu.vector_load %arg8[%swap3A_720] {strides = array<i32>} : memref<8192xi32, #tpu.memory_space<vmem>>, vector<16xi32>,
        tpu.vector_store %arg8[%swap3A_720], %broadcast_in_dim3A_3 {strides = array<i32>} : memref<8192xi32, #tpu.memory_space<vmem>>, vector<16xi32>,
        %mul3A_722 = arith.constant 8 : i32
        %mul3A_723 = arith.muli %scan3A_696, %mul3A_722 : i32
        %add3A_724 = arith.constant 3 : i32
        %add3A_725 = arith.addi %mul3A_723, %add3A_724 : i32
        %mul3A_726 = arith.constant 16 : i32
        %mul3A_727 = arith.muli %add3A_725, %mul3A_726 : i32
        %swap3A_728 = arith.index_cast %mul3A_727 : i32 to index
        %swap3A_729 = tpu.vector_load %arg8[%swap3A_728] {strides = array<i32>} : memref<8192xi32, #tpu.memory_space<vmem>>, vector<16xi32>,
        tpu.vector_store %arg8[%swap3A_728], %broadcast_in_dim3A_3 {strides = array<i32>} : memref<8192xi32, #tpu.memory_space<vmem>>, vector<16xi32>,
        %mul3A_730 = arith.constant 8 : i32
        %mul3A_731 = arith.muli %scan3A_696, %mul3A_730 : i32
        %add3A_732 = arith.constant 4 : i32
        %add3A_733 = arith.addi %mul3A_731, %add3A_732 : i32
        %mul3A_734 = arith.constant 16 : i32
        %mul3A_735 = arith.muli %add3A_733, %mul3A_734 : i32
        %swap3A_736 = arith.index_cast %mul3A_735 : i32 to index
        %swap3A_737 = tpu.vector_load %arg8[%swap3A_736] {strides = array<i32>} : memref<8192xi32, #tpu.memory_space<vmem>>, vector<16xi32>,
        tpu.vector_store %arg8[%swap3A_736], %broadcast_in_dim3A_3 {strides = array<i32>} : memref<8192xi32, #tpu.memory_space<vmem>>, vector<16xi32>,
        %mul3A_738 = arith.constant 8 : i32
        %mul3A_739 = arith.muli %scan3A_696, %mul3A_738 : i32
        %add3A_740 = arith.constant 5 : i32
        %add3A_741 = arith.addi %mul3A_739, %add3A_740 : i32
        %mul3A_742 = arith.constant 16 : i32
        %mul3A_743 = arith.muli %add3A_741, %mul3A_742 : i32
        %swap3A_744 = arith.index_cast %mul3A_743 : i32 to index
        %swap3A_745 = tpu.vector_load %arg8[%swap3A_744] {strides = array<i32>} : memref<8192xi32, #tpu.memory_space<vmem>>, vector<16xi32>,
        tpu.vector_store %arg8[%swap3A_744], %broadcast_in_dim3A_3 {strides = array<i32>} : memref<8192xi32, #tpu.memory_space<vmem>>, vector<16xi32>,
        %mul3A_746 = arith.constant 8 : i32
        %mul3A_747 = arith.muli %scan3A_696, %mul3A_746 : i32
        %add3A_748 = arith.constant 6 : i32
        %add3A_749 = arith.addi %mul3A_747, %add3A_748 : i32
        %mul3A_750 = arith.constant 16 : i32
        %mul3A_751 = arith.muli %add3A_749, %mul3A_750 : i32
        %swap3A_752 = arith.index_cast %mul3A_751 : i32 to index
        %swap3A_753 = tpu.vector_load %arg8[%swap3A_752] {strides = array<i32>} : memref<8192xi32, #tpu.memory_space<vmem>>, vector<16xi32>,
        tpu.vector_store %arg8[%swap3A_752], %broadcast_in_dim3A_3 {strides = array<i32>} : memref<8192xi32, #tpu.memory_space<vmem>>, vector<16xi32>,
        %mul3A_754 = arith.constant 8 : i32
        %mul3A_755 = arith.muli %scan3A_696, %mul3A_754 : i32
        %add3A_756 = arith.constant 7 : i32
        %add3A_757 = arith.addi %mul3A_755, %add3A_756 : i32
        %mul3A_758 = arith.constant 16 : i32
        %mul3A_759 = arith.muli %add3A_757, %mul3A_758 : i32
        %swap3A_760 = arith.index_cast %mul3A_759 : i32 to index
        %swap3A_761 = tpu.vector_load %arg8[%swap3A_760] {strides = array<i32>} : memref<8192xi32, #tpu.memory_space<vmem>>, vector<16xi32>,
        tpu.vector_store %arg8[%swap3A_760], %broadcast_in_dim3A_3 {strides = array<i32>} : memref<8192xi32, #tpu.memory_space<vmem>>, vector<16xi32>,
        %scan3A_762 = arith.constant 0 : i32
        scf.yield %scan3A_762 : i32
      }
      %scan3A_45 = arith.constant 64 : i32
      %scan3A_46 = arith.constant 0 : i32
      %scan3A_47 = arith.constant 128 : i32
      %scan3A_48 = arith.addi %scan3A_46, %scan3A_47 : i32
      %scan3A_49 = arith.constant 1 : i32
      %scan3A_50 = scf.for %scan3A_696 = %scan3A_46 to %scan3A_48 step %scan3A_49 iter_args(%scan3A_697 = %broadcast_in_dim3A_3) -> (vector<16xi32>)  : i32 {
        %mul3A_698 = arith.constant 16 : i32
        %mul3A_699 = arith.muli %scan3A_696, %mul3A_698 : i32
        %add3A_700 = arith.constant 0 : i32
        %add3A_701 = arith.addi %mul3A_699, %add3A_700 : i32
        %mul3A_702 = arith.constant 16 : i32
        %mul3A_703 = arith.muli %add3A_701, %mul3A_702 : i32
        %get3A_704 = arith.index_cast %mul3A_703 : i32 to index
        %get3A_705 = tpu.vector_load %arg6[%get3A_704] {strides = array<i32>} : memref<32768xf32, #tpu.memory_space<vmem>>, vector<16xf32>,
        %get3A_706 = arith.index_cast %mul3A_703 : i32 to index
        %get3A_707 = tpu.vector_load %arg7[%get3A_706] {strides = array<i32>} : memref<32768xf32, #tpu.memory_space<vmem>>, vector<16xf32>,
        %sub3A_708 = arith.subf %get3A_707, %get3A_705 : vector<16xf32>
        %abs3A = math.absf %sub3A_708 : vector<16xf32>
        %bitcast3A = vector.bitcast %abs3A : vector<16xf32> to vector<16xi32>
        %max3A_709 = arith.maxsi %broadcast_in_dim3A_3, %bitcast3A : vector<16xi32>
        %mul3A_710 = arith.constant 16 : i32
        %mul3A_711 = arith.muli %scan3A_696, %mul3A_710 : i32
        %add3A_712 = arith.constant 1 : i32
        %add3A_713 = arith.addi %mul3A_711, %add3A_712 : i32
        %mul3A_714 = arith.constant 16 : i32
        %mul3A_715 = arith.muli %add3A_713, %mul3A_714 : i32
        %get3A_716 = arith.index_cast %mul3A_715 : i32 to index
        %get3A_717 = tpu.vector_load %arg6[%get3A_716] {strides = array<i32>} : memref<32768xf32, #tpu.memory_space<vmem>>, vector<16xf32>,
        %get3A_718 = arith.index_cast %mul3A_715 : i32 to index
        %get3A_719 = tpu.vector_load %arg7[%get3A_718] {strides = array<i32>} : memref<32768xf32, #tpu.memory_space<vmem>>, vector<16xf32>,
        %sub3A_720 = arith.subf %get3A_719, %get3A_717 : vector<16xf32>
        %abs3A_721 = math.absf %sub3A_720 : vector<16xf32>
        %bitcast3A_722 = vector.bitcast %abs3A_721 : vector<16xf32> to vector<16xi32>
        %max3A_723 = arith.maxsi %max3A_709, %bitcast3A_722 : vector<16xi32>
        %mul3A_724 = arith.constant 16 : i32
        %mul3A_725 = arith.muli %scan3A_696, %mul3A_724 : i32
        %add3A_726 = arith.constant 2 : i32
        %add3A_727 = arith.addi %mul3A_725, %add3A_726 : i32
        %mul3A_728 = arith.constant 16 : i32
        %mul3A_729 = arith.muli %add3A_727, %mul3A_728 : i32
        %get3A_730 = arith.index_cast %mul3A_729 : i32 to index
        %get3A_731 = tpu.vector_load %arg6[%get3A_730] {strides = array<i32>} : memref<32768xf32, #tpu.memory_space<vmem>>, vector<16xf32>,
        %get3A_732 = arith.index_cast %mul3A_729 : i32 to index
        %get3A_733 = tpu.vector_load %arg7[%get3A_732] {strides = array<i32>} : memref<32768xf32, #tpu.memory_space<vmem>>, vector<16xf32>,
        %sub3A_734 = arith.subf %get3A_733, %get3A_731 : vector<16xf32>
        %abs3A_735 = math.absf %sub3A_734 : vector<16xf32>
        %bitcast3A_736 = vector.bitcast %abs3A_735 : vector<16xf32> to vector<16xi32>
        %max3A_737 = arith.maxsi %max3A_723, %bitcast3A_736 : vector<16xi32>
        %mul3A_738 = arith.constant 16 : i32
        %mul3A_739 = arith.muli %scan3A_696, %mul3A_738 : i32
        %add3A_740 = arith.constant 3 : i32
        %add3A_741 = arith.addi %mul3A_739, %add3A_740 : i32
        %mul3A_742 = arith.constant 16 : i32
        %mul3A_743 = arith.muli %add3A_741, %mul3A_742 : i32
        %get3A_744 = arith.index_cast %mul3A_743 : i32 to index
        %get3A_745 = tpu.vector_load %arg6[%get3A_744] {strides = array<i32>} : memref<32768xf32, #tpu.memory_space<vmem>>, vector<16xf32>,
        %get3A_746 = arith.index_cast %mul3A_743 : i32 to index
        %get3A_747 = tpu.vector_load %arg7[%get3A_746] {strides = array<i32>} : memref<32768xf32, #tpu.memory_space<vmem>>, vector<16xf32>,
        %sub3A_748 = arith.subf %get3A_747, %get3A_745 : vector<16xf32>
        %abs3A_749 = math.absf %sub3A_748 : vector<16xf32>
        %bitcast3A_750 = vector.bitcast %abs3A_749 : vector<16xf32> to vector<16xi32>
        %max3A_751 = arith.maxsi %max3A_737, %bitcast3A_750 : vector<16xi32>
        %mul3A_752 = arith.constant 16 : i32
        %mul3A_753 = arith.muli %scan3A_696, %mul3A_752 : i32
        %add3A_754 = arith.constant 4 : i32
        %add3A_755 = arith.addi %mul3A_753, %add3A_754 : i32
        %mul3A_756 = arith.constant 16 : i32
        %mul3A_757 = arith.muli %add3A_755, %mul3A_756 : i32
        %get3A_758 = arith.index_cast %mul3A_757 : i32 to index
        %get3A_759 = tpu.vector_load %arg6[%get3A_758] {strides = array<i32>} : memref<32768xf32, #tpu.memory_space<vmem>>, vector<16xf32>,
        %get3A_760 = arith.index_cast %mul3A_757 : i32 to index
        %get3A_761 = tpu.vector_load %arg7[%get3A_760] {strides = array<i32>} : memref<32768xf32, #tpu.memory_space<vmem>>, vector<16xf32>,
        %sub3A_762 = arith.subf %get3A_761, %get3A_759 : vector<16xf32>
        %abs3A_763 = math.absf %sub3A_762 : vector<16xf32>
        %bitcast3A_764 = vector.bitcast %abs3A_763 : vector<16xf32> to vector<16xi32>
        %max3A_765 = arith.maxsi %max3A_751, %bitcast3A_764 : vector<16xi32>
        %mul3A_766 = arith.constant 16 : i32
        %mul3A_767 = arith.muli %scan3A_696, %mul3A_766 : i32
        %add3A_768 = arith.constant 5 : i32
        %add3A_769 = arith.addi %mul3A_767, %add3A_768 : i32
        %mul3A_770 = arith.constant 16 : i32
        %mul3A_771 = arith.muli %add3A_769, %mul3A_770 : i32
        %get3A_772 = arith.index_cast %mul3A_771 : i32 to index
        %get3A_773 = tpu.vector_load %arg6[%get3A_772] {strides = array<i32>} : memref<32768xf32, #tpu.memory_space<vmem>>, vector<16xf32>,
        %get3A_774 = arith.index_cast %mul3A_771 : i32 to index
        %get3A_775 = tpu.vector_load %arg7[%get3A_774] {strides = array<i32>} : memref<32768xf32, #tpu.memory_space<vmem>>, vector<16xf32>,
        %sub3A_776 = arith.subf %get3A_775, %get3A_773 : vector<16xf32>
        %abs3A_777 = math.absf %sub3A_776 : vector<16xf32>
        %bitcast3A_778 = vector.bitcast %abs3A_777 : vector<16xf32> to vector<16xi32>
        %max3A_779 = arith.maxsi %max3A_765, %bitcast3A_778 : vector<16xi32>
        %mul3A_780 = arith.constant 16 : i32
        %mul3A_781 = arith.muli %scan3A_696, %mul3A_780 : i32
        %add3A_782 = arith.constant 6 : i32
        %add3A_783 = arith.addi %mul3A_781, %add3A_782 : i32
        %mul3A_784 = arith.constant 16 : i32
        %mul3A_785 = arith.muli %add3A_783, %mul3A_784 : i32
        %get3A_786 = arith.index_cast %mul3A_785 : i32 to index
        %get3A_787 = tpu.vector_load %arg6[%get3A_786] {strides = array<i32>} : memref<32768xf32, #tpu.memory_space<vmem>>, vector<16xf32>,
        %get3A_788 = arith.index_cast %mul3A_785 : i32 to index
        %get3A_789 = tpu.vector_load %arg7[%get3A_788] {strides = array<i32>} : memref<32768xf32, #tpu.memory_space<vmem>>, vector<16xf32>,
        %sub3A_790 = arith.subf %get3A_789, %get3A_787 : vector<16xf32>
        %abs3A_791 = math.absf %sub3A_790 : vector<16xf32>
        %bitcast3A_792 = vector.bitcast %abs3A_791 : vector<16xf32> to vector<16xi32>
        %max3A_793 = arith.maxsi %max3A_779, %bitcast3A_792 : vector<16xi32>
        %mul3A_794 = arith.constant 16 : i32
        %mul3A_795 = arith.muli %scan3A_696, %mul3A_794 : i32
        %add3A_796 = arith.constant 7 : i32
        %add3A_797 = arith.addi %mul3A_795, %add3A_796 : i32
        %mul3A_798 = arith.constant 16 : i32
        %mul3A_799 = arith.muli %add3A_797, %mul3A_798 : i32
        %get3A_800 = arith.index_cast %mul3A_799 : i32 to index
        %get3A_801 = tpu.vector_load %arg6[%get3A_800] {strides = array<i32>} : memref<32768xf32, #tpu.memory_space<vmem>>, vector<16xf32>,
        %get3A_802 = arith.index_cast %mul3A_799 : i32 to index
        %get3A_803 = tpu.vector_load %arg7[%get3A_802] {strides = array<i32>} : memref<32768xf32, #tpu.memory_space<vmem>>, vector<16xf32>,
        %sub3A_804 = arith.subf %get3A_803, %get3A_801 : vector<16xf32>
        %abs3A_805 = math.absf %sub3A_804 : vector<16xf32>
        %bitcast3A_806 = vector.bitcast %abs3A_805 : vector<16xf32> to vector<16xi32>
        %max3A_807 = arith.maxsi %max3A_793, %bitcast3A_806 : vector<16xi32>
        %mul3A_808 = arith.constant 16 : i32
        %mul3A_809 = arith.muli %scan3A_696, %mul3A_808 : i32
        %add3A_810 = arith.constant 8 : i32
        %add3A_811 = arith.addi %mul3A_809, %add3A_810 : i32
        %mul3A_812 = arith.constant 16 : i32
        %mul3A_813 = arith.muli %add3A_811, %mul3A_812 : i32
        %get3A_814 = arith.index_cast %mul3A_813 : i32 to index
        %get3A_815 = tpu.vector_load %arg6[%get3A_814] {strides = array<i32>} : memref<32768xf32, #tpu.memory_space<vmem>>, vector<16xf32>,
        %get3A_816 = arith.index_cast %mul3A_813 : i32 to index
        %get3A_817 = tpu.vector_load %arg7[%get3A_816] {strides = array<i32>} : memref<32768xf32, #tpu.memory_space<vmem>>, vector<16xf32>,
        %sub3A_818 = arith.subf %get3A_817, %get3A_815 : vector<16xf32>
        %abs3A_819 = math.absf %sub3A_818 : vector<16xf32>
        %bitcast3A_820 = vector.bitcast %abs3A_819 : vector<16xf32> to vector<16xi32>
        %max3A_821 = arith.maxsi %max3A_807, %bitcast3A_820 : vector<16xi32>
        %mul3A_822 = arith.constant 16 : i32
        %mul3A_823 = arith.muli %scan3A_696, %mul3A_822 : i32
        %add3A_824 = arith.constant 9 : i32
        %add3A_825 = arith.addi %mul3A_823, %add3A_824 : i32
        %mul3A_826 = arith.constant 16 : i32
        %mul3A_827 = arith.muli %add3A_825, %mul3A_826 : i32
        %get3A_828 = arith.index_cast %mul3A_827 : i32 to index
        %get3A_829 = tpu.vector_load %arg6[%get3A_828] {strides = array<i32>} : memref<32768xf32, #tpu.memory_space<vmem>>, vector<16xf32>,
        %get3A_830 = arith.index_cast %mul3A_827 : i32 to index
        %get3A_831 = tpu.vector_load %arg7[%get3A_830] {strides = array<i32>} : memref<32768xf32, #tpu.memory_space<vmem>>, vector<16xf32>,
        %sub3A_832 = arith.subf %get3A_831, %get3A_829 : vector<16xf32>
        %abs3A_833 = math.absf %sub3A_832 : vector<16xf32>
        %bitcast3A_834 = vector.bitcast %abs3A_833 : vector<16xf32> to vector<16xi32>
        %max3A_835 = arith.maxsi %max3A_821, %bitcast3A_834 : vector<16xi32>
        %mul3A_836 = arith.constant 16 : i32
        %mul3A_837 = arith.muli %scan3A_696, %mul3A_836 : i32
        %add3A_838 = arith.constant 10 : i32
        %add3A_839 = arith.addi %mul3A_837, %add3A_838 : i32
        %mul3A_840 = arith.constant 16 : i32
        %mul3A_841 = arith.muli %add3A_839, %mul3A_840 : i32
        %get3A_842 = arith.index_cast %mul3A_841 : i32 to index
        %get3A_843 = tpu.vector_load %arg6[%get3A_842] {strides = array<i32>} : memref<32768xf32, #tpu.memory_space<vmem>>, vector<16xf32>,
        %get3A_844 = arith.index_cast %mul3A_841 : i32 to index
        %get3A_845 = tpu.vector_load %arg7[%get3A_844] {strides = array<i32>} : memref<32768xf32, #tpu.memory_space<vmem>>, vector<16xf32>,
        %sub3A_846 = arith.subf %get3A_845, %get3A_843 : vector<16xf32>
        %abs3A_847 = math.absf %sub3A_846 : vector<16xf32>
        %bitcast3A_848 = vector.bitcast %abs3A_847 : vector<16xf32> to vector<16xi32>
        %max3A_849 = arith.maxsi %max3A_835, %bitcast3A_848 : vector<16xi32>
        %mul3A_850 = arith.constant 16 : i32
        %mul3A_851 = arith.muli %scan3A_696, %mul3A_850 : i32
        %add3A_852 = arith.constant 11 : i32
        %add3A_853 = arith.addi %mul3A_851, %add3A_852 : i32
        %mul3A_854 = arith.constant 16 : i32
        %mul3A_855 = arith.muli %add3A_853, %mul3A_854 : i32
        %get3A_856 = arith.index_cast %mul3A_855 : i32 to index
        %get3A_857 = tpu.vector_load %arg6[%get3A_856] {strides = array<i32>} : memref<32768xf32, #tpu.memory_space<vmem>>, vector<16xf32>,
        %get3A_858 = arith.index_cast %mul3A_855 : i32 to index
        %get3A_859 = tpu.vector_load %arg7[%get3A_858] {strides = array<i32>} : memref<32768xf32, #tpu.memory_space<vmem>>, vector<16xf32>,
        %sub3A_860 = arith.subf %get3A_859, %get3A_857 : vector<16xf32>
        %abs3A_861 = math.absf %sub3A_860 : vector<16xf32>
        %bitcast3A_862 = vector.bitcast %abs3A_861 : vector<16xf32> to vector<16xi32>
        %max3A_863 = arith.maxsi %max3A_849, %bitcast3A_862 : vector<16xi32>
        %mul3A_864 = arith.constant 16 : i32
        %mul3A_865 = arith.muli %scan3A_696, %mul3A_864 : i32
        %add3A_866 = arith.constant 12 : i32
        %add3A_867 = arith.addi %mul3A_865, %add3A_866 : i32
        %mul3A_868 = arith.constant 16 : i32
        %mul3A_869 = arith.muli %add3A_867, %mul3A_868 : i32
        %get3A_870 = arith.index_cast %mul3A_869 : i32 to index
        %get3A_871 = tpu.vector_load %arg6[%get3A_870] {strides = array<i32>} : memref<32768xf32, #tpu.memory_space<vmem>>, vector<16xf32>,
        %get3A_872 = arith.index_cast %mul3A_869 : i32 to index
        %get3A_873 = tpu.vector_load %arg7[%get3A_872] {strides = array<i32>} : memref<32768xf32, #tpu.memory_space<vmem>>, vector<16xf32>,
        %sub3A_874 = arith.subf %get3A_873, %get3A_871 : vector<16xf32>
        %abs3A_875 = math.absf %sub3A_874 : vector<16xf32>
        %bitcast3A_876 = vector.bitcast %abs3A_875 : vector<16xf32> to vector<16xi32>
        %max3A_877 = arith.maxsi %max3A_863, %bitcast3A_876 : vector<16xi32>
        %mul3A_878 = arith.constant 16 : i32
        %mul3A_879 = arith.muli %scan3A_696, %mul3A_878 : i32
        %add3A_880 = arith.constant 13 : i32
        %add3A_881 = arith.addi %mul3A_879, %add3A_880 : i32
        %mul3A_882 = arith.constant 16 : i32
        %mul3A_883 = arith.muli %add3A_881, %mul3A_882 : i32
        %get3A_884 = arith.index_cast %mul3A_883 : i32 to index
        %get3A_885 = tpu.vector_load %arg6[%get3A_884] {strides = array<i32>} : memref<32768xf32, #tpu.memory_space<vmem>>, vector<16xf32>,
        %get3A_886 = arith.index_cast %mul3A_883 : i32 to index
        %get3A_887 = tpu.vector_load %arg7[%get3A_886] {strides = array<i32>} : memref<32768xf32, #tpu.memory_space<vmem>>, vector<16xf32>,
        %sub3A_888 = arith.subf %get3A_887, %get3A_885 : vector<16xf32>
        %abs3A_889 = math.absf %sub3A_888 : vector<16xf32>
        %bitcast3A_890 = vector.bitcast %abs3A_889 : vector<16xf32> to vector<16xi32>
        %max3A_891 = arith.maxsi %max3A_877, %bitcast3A_890 : vector<16xi32>
        %mul3A_892 = arith.constant 16 : i32
        %mul3A_893 = arith.muli %scan3A_696, %mul3A_892 : i32
        %add3A_894 = arith.constant 14 : i32
        %add3A_895 = arith.addi %mul3A_893, %add3A_894 : i32
        %mul3A_896 = arith.constant 16 : i32
        %mul3A_897 = arith.muli %add3A_895, %mul3A_896 : i32
        %get3A_898 = arith.index_cast %mul3A_897 : i32 to index
        %get3A_899 = tpu.vector_load %arg6[%get3A_898] {strides = array<i32>} : memref<32768xf32, #tpu.memory_space<vmem>>, vector<16xf32>,
        %get3A_900 = arith.index_cast %mul3A_897 : i32 to index
        %get3A_901 = tpu.vector_load %arg7[%get3A_900] {strides = array<i32>} : memref<32768xf32, #tpu.memory_space<vmem>>, vector<16xf32>,
        %sub3A_902 = arith.subf %get3A_901, %get3A_899 : vector<16xf32>
        %abs3A_903 = math.absf %sub3A_902 : vector<16xf32>
        %bitcast3A_904 = vector.bitcast %abs3A_903 : vector<16xf32> to vector<16xi32>
        %max3A_905 = arith.maxsi %max3A_891, %bitcast3A_904 : vector<16xi32>
        %mul3A_906 = arith.constant 16 : i32
        %mul3A_907 = arith.muli %scan3A_696, %mul3A_906 : i32
        %add3A_908 = arith.constant 15 : i32
        %add3A_909 = arith.addi %mul3A_907, %add3A_908 : i32
        %mul3A_910 = arith.constant 16 : i32
        %mul3A_911 = arith.muli %add3A_909, %mul3A_910 : i32
        %get3A_912 = arith.index_cast %mul3A_911 : i32 to index
        %get3A_913 = tpu.vector_load %arg6[%get3A_912] {strides = array<i32>} : memref<32768xf32, #tpu.memory_space<vmem>>, vector<16xf32>,
        %get3A_914 = arith.index_cast %mul3A_911 : i32 to index
        %get3A_915 = tpu.vector_load %arg7[%get3A_914] {strides = array<i32>} : memref<32768xf32, #tpu.memory_space<vmem>>, vector<16xf32>,
        %sub3A_916 = arith.subf %get3A_915, %get3A_913 : vector<16xf32>
        %abs3A_917 = math.absf %sub3A_916 : vector<16xf32>
        %bitcast3A_918 = vector.bitcast %abs3A_917 : vector<16xf32> to vector<16xi32>
        %max3A_919 = arith.maxsi %max3A_905, %bitcast3A_918 : vector<16xi32>
        %mul3A_920 = arith.constant 16 : i32
        %mul3A_921 = arith.muli %scan3A_696, %mul3A_920 : i32
        %swap3A_922 = arith.index_cast %mul3A_921 : i32 to index
        %swap3A_923 = tpu.vector_load %arg9[%swap3A_922] {strides = array<i32>} : memref<2064xi32, #tpu.memory_space<vmem>>, vector<16xi32>,
        tpu.vector_store %arg9[%swap3A_922], %max3A_919 {strides = array<i32>} : memref<2064xi32, #tpu.memory_space<vmem>>, vector<16xi32>,
        %max3A_924 = arith.maxsi %scan3A_697, %max3A_919 : vector<16xi32>
        scf.yield %max3A_924 : vector<16xi32>
      }
      %scan3A_51 = arith.constant 128 : i32
      %reduce_max3A = arith.constant true
      %reduce_max3A_52 = vector.broadcast %reduce_max3A : i1 to vector<16xi1>
      %reduce_max3A_53 = arith.constant -2147483648 : i32
      %reduce_max3A_54 = vector.broadcast %reduce_max3A_53 : i32 to vector<16xi32>
      %reduce_max3A_55 = arith.xori %scan3A_50, %reduce_max3A_54 : vector<16xi32>
      %reduce_max3A_56 = tpu.scan <max>, %reduce_max3A_55 masked %reduce_max3A_52 : vector<16xi32>, vector<16xi1> -> vector<16xi32>
      %reduce_max3A_57 = arith.xori %reduce_max3A_56, %reduce_max3A_54 : vector<16xi32>
      %reduce_max3A_58 = vector.extract %reduce_max3A_57[15] : i32 from vector<16xi32>
      %shift_right_arithmetic3A = arith.constant 18 : i32
      %shift_right_arithmetic3A_59 = arith.shrsi %reduce_max3A_58, %shift_right_arithmetic3A : i32
      %scan3A_60 = arith.constant 0 : i32
      %scan3A_61 = arith.constant 0 : i32
      %scan3A_62 = arith.constant 32 : i32
      %scan3A_63 = arith.addi %scan3A_61, %scan3A_62 : i32
      %scan3A_64 = arith.constant 1 : i32
      %scan3A_65 = scf.for %scan3A_696 = %scan3A_61 to %scan3A_63 step %scan3A_64 iter_args(%scan3A_697 = %scan3A_60) -> (i32)  : i32 {
        %mul3A_698 = arith.constant 4 : i32
        %mul3A_699 = arith.muli %scan3A_696, %mul3A_698 : i32
        %add3A_700 = arith.constant 0 : i32
        %add3A_701 = arith.addi %mul3A_699, %add3A_700 : i32
        %mul3A_702 = arith.constant 16 : i32
        %mul3A_703 = arith.muli %add3A_701, %mul3A_702 : i32
        %get3A_704 = arith.index_cast %mul3A_703 : i32 to index
        %get3A_705 = tpu.vector_load %arg9[%get3A_704] {strides = array<i32>} : memref<2064xi32, #tpu.memory_space<vmem>>, vector<16xi32>,
        %shift_right_arithmetic3A_706 = arith.constant 18 : i32
        %shift_right_arithmetic3A_707 = vector.broadcast %shift_right_arithmetic3A_706 : i32 to vector<16xi32>
        %shift_right_arithmetic3A_708 = arith.shrsi %get3A_705, %shift_right_arithmetic3A_707 : vector<16xi32>
        tpu.vector_store_idx %arg8[%shift_right_arithmetic3A_708], %broadcast_in_dim3A_1 {add = true} : memref<8192xi32, #tpu.memory_space<vmem>>[vector<16xi32>], vector<16xi32>,
        %mul3A_709 = arith.constant 4 : i32
        %mul3A_710 = arith.muli %scan3A_696, %mul3A_709 : i32
        %add3A_711 = arith.constant 1 : i32
        %add3A_712 = arith.addi %mul3A_710, %add3A_711 : i32
        %mul3A_713 = arith.constant 16 : i32
        %mul3A_714 = arith.muli %add3A_712, %mul3A_713 : i32
        %get3A_715 = arith.index_cast %mul3A_714 : i32 to index
        %get3A_716 = tpu.vector_load %arg9[%get3A_715] {strides = array<i32>} : memref<2064xi32, #tpu.memory_space<vmem>>, vector<16xi32>,
        %shift_right_arithmetic3A_717 = arith.constant 18 : i32
        %shift_right_arithmetic3A_718 = vector.broadcast %shift_right_arithmetic3A_717 : i32 to vector<16xi32>
        %shift_right_arithmetic3A_719 = arith.shrsi %get3A_716, %shift_right_arithmetic3A_718 : vector<16xi32>
        tpu.vector_store_idx %arg8[%shift_right_arithmetic3A_719], %broadcast_in_dim3A_1 {add = true} : memref<8192xi32, #tpu.memory_space<vmem>>[vector<16xi32>], vector<16xi32>,
        %mul3A_720 = arith.constant 4 : i32
        %mul3A_721 = arith.muli %scan3A_696, %mul3A_720 : i32
        %add3A_722 = arith.constant 2 : i32
        %add3A_723 = arith.addi %mul3A_721, %add3A_722 : i32
        %mul3A_724 = arith.constant 16 : i32
        %mul3A_725 = arith.muli %add3A_723, %mul3A_724 : i32
        %get3A_726 = arith.index_cast %mul3A_725 : i32 to index
        %get3A_727 = tpu.vector_load %arg9[%get3A_726] {strides = array<i32>} : memref<2064xi32, #tpu.memory_space<vmem>>, vector<16xi32>,
        %shift_right_arithmetic3A_728 = arith.constant 18 : i32
        %shift_right_arithmetic3A_729 = vector.broadcast %shift_right_arithmetic3A_728 : i32 to vector<16xi32>
        %shift_right_arithmetic3A_730 = arith.shrsi %get3A_727, %shift_right_arithmetic3A_729 : vector<16xi32>
        tpu.vector_store_idx %arg8[%shift_right_arithmetic3A_730], %broadcast_in_dim3A_1 {add = true} : memref<8192xi32, #tpu.memory_space<vmem>>[vector<16xi32>], vector<16xi32>,
        %mul3A_731 = arith.constant 4 : i32
        %mul3A_732 = arith.muli %scan3A_696, %mul3A_731 : i32
        %add3A_733 = arith.constant 3 : i32
        %add3A_734 = arith.addi %mul3A_732, %add3A_733 : i32
        %mul3A_735 = arith.constant 16 : i32
        %mul3A_736 = arith.muli %add3A_734, %mul3A_735 : i32
        %get3A_737 = arith.index_cast %mul3A_736 : i32 to index
        %get3A_738 = tpu.vector_load %arg9[%get3A_737] {strides = array<i32>} : memref<2064xi32, #tpu.memory_space<vmem>>, vector<16xi32>,
        %shift_right_arithmetic3A_739 = arith.constant 18 : i32
        %shift_right_arithmetic3A_740 = vector.broadcast %shift_right_arithmetic3A_739 : i32 to vector<16xi32>
        %shift_right_arithmetic3A_741 = arith.shrsi %get3A_738, %shift_right_arithmetic3A_740 : vector<16xi32>
        tpu.vector_store_idx %arg8[%shift_right_arithmetic3A_741], %broadcast_in_dim3A_1 {add = true} : memref<8192xi32, #tpu.memory_space<vmem>>[vector<16xi32>], vector<16xi32>,
        %scan3A_742 = arith.constant 0 : i32
        scf.yield %scan3A_742 : i32
      }
      %scan3A_66 = arith.constant 32 : i32
      %scan3A_67 = arith.constant 0 : i32
      %scan3A_68 = arith.constant 0 : i32
      %scan3A_69 = arith.constant 0 : i32
      %scan3A_70 = arith.constant 0 : i32
      %scan3A_71 = arith.constant 24 : i32
      %scan3A_72 = arith.addi %scan3A_70, %scan3A_71 : i32
      %scan3A_73 = arith.constant 1 : i32
      %scan3A_74:3 = scf.for %scan3A_696 = %scan3A_70 to %scan3A_72 step %scan3A_73 iter_args(%scan3A_697 = %scan3A_67, %scan3A_698 = %scan3A_68, %scan3A_699 = %scan3A_69) -> (i32, i32, i32)  : i32 {
        %mul3A_700 = arith.constant 16 : i32
        %mul3A_701 = arith.muli %mul3A_700, %scan3A_696 : i32
        %sub3A_702 = arith.subi %shift_right_arithmetic3A_59, %mul3A_701 : i32
        %sub3A_703 = arith.constant 15 : i32
        %sub3A_704 = arith.subi %sub3A_702, %sub3A_703 : i32
        %max3A_705 = arith.constant 0 : i32
        %max3A_706 = arith.maxsi %sub3A_704, %max3A_705 : i32
        %get3A_707 = arith.index_cast %max3A_706 : i32 to index
        %get3A_708 = tpu.vector_load %arg8[%get3A_707] {strides = array<i32>} : memref<8192xi32, #tpu.memory_space<vmem>>, vector<16xi32>,
        %add3A_709 = vector.broadcast %max3A_706 : i32 to vector<16xi32>
        %add3A_710 = arith.addi %add3A_709, %iota3A : vector<16xi32>
        %le3A_711 = vector.broadcast %sub3A_702 : i32 to vector<16xi32>
        %le3A_712 = arith.cmpi sle, %add3A_710, %le3A_711 : vector<16xi32>
        %sub3A_713 = arith.constant 15 : i32
        %sub3A_714 = arith.subi %sub3A_702, %sub3A_713 : i32
        %ge3A_715 = vector.broadcast %sub3A_714 : i32 to vector<16xi32>
        %ge3A_716 = arith.cmpi sge, %add3A_710, %ge3A_715 : vector<16xi32>
        %and3A_717 = arith.andi %le3A_712, %ge3A_716 : vector<16xi1>
        %jit3A_718 = arith.constant 0 : i32
        %broadcast_in_dim3A_719 = vector.broadcast %jit3A_718 : i32 to vector<16xi32>
        %select_n3A_720 = arith.select %and3A_717, %get3A_708, %broadcast_in_dim3A_719 : vector<16xi1>, vector<16xi32>
        %reduce_sum3A_721 = arith.constant true
        %reduce_sum3A_722 = vector.broadcast %reduce_sum3A_721 : i1 to vector<16xi1>
        %reduce_sum3A_723 = tpu.scan <sum>, %select_n3A_720 masked %reduce_sum3A_722 : vector<16xi32>, vector<16xi1> -> vector<16xi32>
        %reduce_sum3A_724 = vector.extract %reduce_sum3A_723[15] : i32 from vector<16xi32>
        %add3A_725 = arith.addi %scan3A_697, %reduce_sum3A_724 : i32
        %ge3A_726 = arith.constant 50 : i32
        %ge3A_727 = arith.cmpi sge, %add3A_725, %ge3A_726 : i32
        %lt3A_728 = arith.constant 50 : i32
        %lt3A_729 = arith.cmpi slt, %scan3A_697, %lt3A_728 : i32
        %and3A_730 = arith.andi %ge3A_727, %lt3A_729 : i1
        %select_n3A_731 = arith.select %and3A_730, %max3A_706, %scan3A_698 : i32
        %select_n3A_732 = arith.select %and3A_730, %scan3A_697, %scan3A_699 : i32
        scf.yield %add3A_725, %select_n3A_731, %select_n3A_732 : i32, i32, i32
      }
      %scan3A_75 = arith.constant 24 : i32
      %get3A = arith.index_cast %scan3A_74#1 : i32 to index
      %get3A_76 = tpu.vector_load %arg8[%get3A] {strides = array<i32>} : memref<8192xi32, #tpu.memory_space<vmem>>, vector<16xi32>,
      %slice3A = vector.extract_strided_slice %get3A_76 {offsets = [15], sizes = [1], strides = [1]} : vector<16xi32> to vector<1xi32>
      %squeeze3A = vector.extract %slice3A[0] : i32 from vector<1xi32>
      %add3A_77 = arith.constant 0 : i32
      %add3A_78 = arith.addi %add3A_77, %squeeze3A : i32
      %add3A_79 = arith.addi %scan3A_74#2, %add3A_78 : i32
      %ge3A = arith.constant 50 : i32
      %ge3A_80 = arith.cmpi sge, %add3A_79, %ge3A : i32
      %lt3A = arith.constant -1 : i32
      %lt3A_81 = arith.constant 0 : i32
      %lt3A_82 = arith.cmpi slt, %lt3A, %lt3A_81 : i32
      %and3A = arith.andi %ge3A_80, %lt3A_82 : i1
      %add3A_83 = arith.constant 15 : i32
      %add3A_84 = arith.addi %scan3A_74#1, %add3A_83 : i32
      %jit3A = arith.constant -1 : i32
      %select_n3A = arith.select %and3A, %add3A_84, %jit3A : i32
      %slice3A_85 = vector.extract_strided_slice %get3A_76 {offsets = [14], sizes = [1], strides = [1]} : vector<16xi32> to vector<1xi32>
      %squeeze3A_86 = vector.extract %slice3A_85[0] : i32 from vector<1xi32>
      %add3A_87 = arith.addi %add3A_78, %squeeze3A_86 : i32
      %add3A_88 = arith.addi %scan3A_74#2, %add3A_87 : i32
      %ge3A_89 = arith.constant 50 : i32
      %ge3A_90 = arith.cmpi sge, %add3A_88, %ge3A_89 : i32
      %lt3A_91 = arith.constant 0 : i32
      %lt3A_92 = arith.cmpi slt, %select_n3A, %lt3A_91 : i32
      %and3A_93 = arith.andi %ge3A_90, %lt3A_92 : i1
      %add3A_94 = arith.constant 14 : i32
      %add3A_95 = arith.addi %scan3A_74#1, %add3A_94 : i32
      %select_n3A_96 = arith.select %and3A_93, %add3A_95, %select_n3A : i32
      %slice3A_97 = vector.extract_strided_slice %get3A_76 {offsets = [13], sizes = [1], strides = [1]} : vector<16xi32> to vector<1xi32>
      %squeeze3A_98 = vector.extract %slice3A_97[0] : i32 from vector<1xi32>
      %add3A_99 = arith.addi %add3A_87, %squeeze3A_98 : i32
      %add3A_100 = arith.addi %scan3A_74#2, %add3A_99 : i32
      %ge3A_101 = arith.constant 50 : i32
      %ge3A_102 = arith.cmpi sge, %add3A_100, %ge3A_101 : i32
      %lt3A_103 = arith.constant 0 : i32
      %lt3A_104 = arith.cmpi slt, %select_n3A_96, %lt3A_103 : i32
      %and3A_105 = arith.andi %ge3A_102, %lt3A_104 : i1
      %add3A_106 = arith.constant 13 : i32
      %add3A_107 = arith.addi %scan3A_74#1, %add3A_106 : i32
      %select_n3A_108 = arith.select %and3A_105, %add3A_107, %select_n3A_96 : i32
      %slice3A_109 = vector.extract_strided_slice %get3A_76 {offsets = [12], sizes = [1], strides = [1]} : vector<16xi32> to vector<1xi32>
      %squeeze3A_110 = vector.extract %slice3A_109[0] : i32 from vector<1xi32>
      %add3A_111 = arith.addi %add3A_99, %squeeze3A_110 : i32
      %add3A_112 = arith.addi %scan3A_74#2, %add3A_111 : i32
      %ge3A_113 = arith.constant 50 : i32
      %ge3A_114 = arith.cmpi sge, %add3A_112, %ge3A_113 : i32
      %lt3A_115 = arith.constant 0 : i32
      %lt3A_116 = arith.cmpi slt, %select_n3A_108, %lt3A_115 : i32
      %and3A_117 = arith.andi %ge3A_114, %lt3A_116 : i1
      %add3A_118 = arith.constant 12 : i32
      %add3A_119 = arith.addi %scan3A_74#1, %add3A_118 : i32
      %select_n3A_120 = arith.select %and3A_117, %add3A_119, %select_n3A_108 : i32
      %slice3A_121 = vector.extract_strided_slice %get3A_76 {offsets = [11], sizes = [1], strides = [1]} : vector<16xi32> to vector<1xi32>
      %squeeze3A_122 = vector.extract %slice3A_121[0] : i32 from vector<1xi32>
      %add3A_123 = arith.addi %add3A_111, %squeeze3A_122 : i32
      %add3A_124 = arith.addi %scan3A_74#2, %add3A_123 : i32
      %ge3A_125 = arith.constant 50 : i32
      %ge3A_126 = arith.cmpi sge, %add3A_124, %ge3A_125 : i32
      %lt3A_127 = arith.constant 0 : i32
      %lt3A_128 = arith.cmpi slt, %select_n3A_120, %lt3A_127 : i32
      %and3A_129 = arith.andi %ge3A_126, %lt3A_128 : i1
      %add3A_130 = arith.constant 11 : i32
      %add3A_131 = arith.addi %scan3A_74#1, %add3A_130 : i32
      %select_n3A_132 = arith.select %and3A_129, %add3A_131, %select_n3A_120 : i32
      %slice3A_133 = vector.extract_strided_slice %get3A_76 {offsets = [10], sizes = [1], strides = [1]} : vector<16xi32> to vector<1xi32>
      %squeeze3A_134 = vector.extract %slice3A_133[0] : i32 from vector<1xi32>
      %add3A_135 = arith.addi %add3A_123, %squeeze3A_134 : i32
      %add3A_136 = arith.addi %scan3A_74#2, %add3A_135 : i32
      %ge3A_137 = arith.constant 50 : i32
      %ge3A_138 = arith.cmpi sge, %add3A_136, %ge3A_137 : i32
      %lt3A_139 = arith.constant 0 : i32
      %lt3A_140 = arith.cmpi slt, %select_n3A_132, %lt3A_139 : i32
      %and3A_141 = arith.andi %ge3A_138, %lt3A_140 : i1
      %add3A_142 = arith.constant 10 : i32
      %add3A_143 = arith.addi %scan3A_74#1, %add3A_142 : i32
      %select_n3A_144 = arith.select %and3A_141, %add3A_143, %select_n3A_132 : i32
      %slice3A_145 = vector.extract_strided_slice %get3A_76 {offsets = [9], sizes = [1], strides = [1]} : vector<16xi32> to vector<1xi32>
      %squeeze3A_146 = vector.extract %slice3A_145[0] : i32 from vector<1xi32>
      %add3A_147 = arith.addi %add3A_135, %squeeze3A_146 : i32
      %add3A_148 = arith.addi %scan3A_74#2, %add3A_147 : i32
      %ge3A_149 = arith.constant 50 : i32
      %ge3A_150 = arith.cmpi sge, %add3A_148, %ge3A_149 : i32
      %lt3A_151 = arith.constant 0 : i32
      %lt3A_152 = arith.cmpi slt, %select_n3A_144, %lt3A_151 : i32
      %and3A_153 = arith.andi %ge3A_150, %lt3A_152 : i1
      %add3A_154 = arith.constant 9 : i32
      %add3A_155 = arith.addi %scan3A_74#1, %add3A_154 : i32
      %select_n3A_156 = arith.select %and3A_153, %add3A_155, %select_n3A_144 : i32
      %slice3A_157 = vector.extract_strided_slice %get3A_76 {offsets = [8], sizes = [1], strides = [1]} : vector<16xi32> to vector<1xi32>
      %squeeze3A_158 = vector.extract %slice3A_157[0] : i32 from vector<1xi32>
      %add3A_159 = arith.addi %add3A_147, %squeeze3A_158 : i32
      %add3A_160 = arith.addi %scan3A_74#2, %add3A_159 : i32
      %ge3A_161 = arith.constant 50 : i32
      %ge3A_162 = arith.cmpi sge, %add3A_160, %ge3A_161 : i32
      %lt3A_163 = arith.constant 0 : i32
      %lt3A_164 = arith.cmpi slt, %select_n3A_156, %lt3A_163 : i32
      %and3A_165 = arith.andi %ge3A_162, %lt3A_164 : i1
      %add3A_166 = arith.constant 8 : i32
      %add3A_167 = arith.addi %scan3A_74#1, %add3A_166 : i32
      %select_n3A_168 = arith.select %and3A_165, %add3A_167, %select_n3A_156 : i32
      %slice3A_169 = vector.extract_strided_slice %get3A_76 {offsets = [7], sizes = [1], strides = [1]} : vector<16xi32> to vector<1xi32>
      %squeeze3A_170 = vector.extract %slice3A_169[0] : i32 from vector<1xi32>
      %add3A_171 = arith.addi %add3A_159, %squeeze3A_170 : i32
      %add3A_172 = arith.addi %scan3A_74#2, %add3A_171 : i32
      %ge3A_173 = arith.constant 50 : i32
      %ge3A_174 = arith.cmpi sge, %add3A_172, %ge3A_173 : i32
      %lt3A_175 = arith.constant 0 : i32
      %lt3A_176 = arith.cmpi slt, %select_n3A_168, %lt3A_175 : i32
      %and3A_177 = arith.andi %ge3A_174, %lt3A_176 : i1
      %add3A_178 = arith.constant 7 : i32
      %add3A_179 = arith.addi %scan3A_74#1, %add3A_178 : i32
      %select_n3A_180 = arith.select %and3A_177, %add3A_179, %select_n3A_168 : i32
      %slice3A_181 = vector.extract_strided_slice %get3A_76 {offsets = [6], sizes = [1], strides = [1]} : vector<16xi32> to vector<1xi32>
      %squeeze3A_182 = vector.extract %slice3A_181[0] : i32 from vector<1xi32>
      %add3A_183 = arith.addi %add3A_171, %squeeze3A_182 : i32
      %add3A_184 = arith.addi %scan3A_74#2, %add3A_183 : i32
      %ge3A_185 = arith.constant 50 : i32
      %ge3A_186 = arith.cmpi sge, %add3A_184, %ge3A_185 : i32
      %lt3A_187 = arith.constant 0 : i32
      %lt3A_188 = arith.cmpi slt, %select_n3A_180, %lt3A_187 : i32
      %and3A_189 = arith.andi %ge3A_186, %lt3A_188 : i1
      %add3A_190 = arith.constant 6 : i32
      %add3A_191 = arith.addi %scan3A_74#1, %add3A_190 : i32
      %select_n3A_192 = arith.select %and3A_189, %add3A_191, %select_n3A_180 : i32
      %slice3A_193 = vector.extract_strided_slice %get3A_76 {offsets = [5], sizes = [1], strides = [1]} : vector<16xi32> to vector<1xi32>
      %squeeze3A_194 = vector.extract %slice3A_193[0] : i32 from vector<1xi32>
      %add3A_195 = arith.addi %add3A_183, %squeeze3A_194 : i32
      %add3A_196 = arith.addi %scan3A_74#2, %add3A_195 : i32
      %ge3A_197 = arith.constant 50 : i32
      %ge3A_198 = arith.cmpi sge, %add3A_196, %ge3A_197 : i32
      %lt3A_199 = arith.constant 0 : i32
      %lt3A_200 = arith.cmpi slt, %select_n3A_192, %lt3A_199 : i32
      %and3A_201 = arith.andi %ge3A_198, %lt3A_200 : i1
      %add3A_202 = arith.constant 5 : i32
      %add3A_203 = arith.addi %scan3A_74#1, %add3A_202 : i32
      %select_n3A_204 = arith.select %and3A_201, %add3A_203, %select_n3A_192 : i32
      %slice3A_205 = vector.extract_strided_slice %get3A_76 {offsets = [4], sizes = [1], strides = [1]} : vector<16xi32> to vector<1xi32>
      %squeeze3A_206 = vector.extract %slice3A_205[0] : i32 from vector<1xi32>
      %add3A_207 = arith.addi %add3A_195, %squeeze3A_206 : i32
      %add3A_208 = arith.addi %scan3A_74#2, %add3A_207 : i32
      %ge3A_209 = arith.constant 50 : i32
      %ge3A_210 = arith.cmpi sge, %add3A_208, %ge3A_209 : i32
      %lt3A_211 = arith.constant 0 : i32
      %lt3A_212 = arith.cmpi slt, %select_n3A_204, %lt3A_211 : i32
      %and3A_213 = arith.andi %ge3A_210, %lt3A_212 : i1
      %add3A_214 = arith.constant 4 : i32
      %add3A_215 = arith.addi %scan3A_74#1, %add3A_214 : i32
      %select_n3A_216 = arith.select %and3A_213, %add3A_215, %select_n3A_204 : i32
      %slice3A_217 = vector.extract_strided_slice %get3A_76 {offsets = [3], sizes = [1], strides = [1]} : vector<16xi32> to vector<1xi32>
      %squeeze3A_218 = vector.extract %slice3A_217[0] : i32 from vector<1xi32>
      %add3A_219 = arith.addi %add3A_207, %squeeze3A_218 : i32
      %add3A_220 = arith.addi %scan3A_74#2, %add3A_219 : i32
      %ge3A_221 = arith.constant 50 : i32
      %ge3A_222 = arith.cmpi sge, %add3A_220, %ge3A_221 : i32
      %lt3A_223 = arith.constant 0 : i32
      %lt3A_224 = arith.cmpi slt, %select_n3A_216, %lt3A_223 : i32
      %and3A_225 = arith.andi %ge3A_222, %lt3A_224 : i1
      %add3A_226 = arith.constant 3 : i32
      %add3A_227 = arith.addi %scan3A_74#1, %add3A_226 : i32
      %select_n3A_228 = arith.select %and3A_225, %add3A_227, %select_n3A_216 : i32
      %slice3A_229 = vector.extract_strided_slice %get3A_76 {offsets = [2], sizes = [1], strides = [1]} : vector<16xi32> to vector<1xi32>
      %squeeze3A_230 = vector.extract %slice3A_229[0] : i32 from vector<1xi32>
      %add3A_231 = arith.addi %add3A_219, %squeeze3A_230 : i32
      %add3A_232 = arith.addi %scan3A_74#2, %add3A_231 : i32
      %ge3A_233 = arith.constant 50 : i32
      %ge3A_234 = arith.cmpi sge, %add3A_232, %ge3A_233 : i32
      %lt3A_235 = arith.constant 0 : i32
      %lt3A_236 = arith.cmpi slt, %select_n3A_228, %lt3A_235 : i32
      %and3A_237 = arith.andi %ge3A_234, %lt3A_236 : i1
      %add3A_238 = arith.constant 2 : i32
      %add3A_239 = arith.addi %scan3A_74#1, %add3A_238 : i32
      %select_n3A_240 = arith.select %and3A_237, %add3A_239, %select_n3A_228 : i32
      %slice3A_241 = vector.extract_strided_slice %get3A_76 {offsets = [1], sizes = [1], strides = [1]} : vector<16xi32> to vector<1xi32>
      %squeeze3A_242 = vector.extract %slice3A_241[0] : i32 from vector<1xi32>
      %add3A_243 = arith.addi %add3A_231, %squeeze3A_242 : i32
      %add3A_244 = arith.addi %scan3A_74#2, %add3A_243 : i32
      %ge3A_245 = arith.constant 50 : i32
      %ge3A_246 = arith.cmpi sge, %add3A_244, %ge3A_245 : i32
      %lt3A_247 = arith.constant 0 : i32
      %lt3A_248 = arith.cmpi slt, %select_n3A_240, %lt3A_247 : i32
      %and3A_249 = arith.andi %ge3A_246, %lt3A_248 : i1
      %add3A_250 = arith.constant 1 : i32
      %add3A_251 = arith.addi %scan3A_74#1, %add3A_250 : i32
      %select_n3A_252 = arith.select %and3A_249, %add3A_251, %select_n3A_240 : i32
      %slice3A_253 = vector.extract_strided_slice %get3A_76 {offsets = [0], sizes = [1], strides = [1]} : vector<16xi32> to vector<1xi32>
      %squeeze3A_254 = vector.extract %slice3A_253[0] : i32 from vector<1xi32>
      %add3A_255 = arith.addi %add3A_243, %squeeze3A_254 : i32
      %add3A_256 = arith.addi %scan3A_74#2, %add3A_255 : i32
      %ge3A_257 = arith.constant 50 : i32
      %ge3A_258 = arith.cmpi sge, %add3A_256, %ge3A_257 : i32
      %lt3A_259 = arith.constant 0 : i32
      %lt3A_260 = arith.cmpi slt, %select_n3A_252, %lt3A_259 : i32
      %and3A_261 = arith.andi %ge3A_258, %lt3A_260 : i1
      %add3A_262 = arith.constant 0 : i32
      %add3A_263 = arith.addi %scan3A_74#1, %add3A_262 : i32
      %select_n3A_264 = arith.select %and3A_261, %add3A_263, %select_n3A_252 : i32
      %max3A = arith.constant 0 : i32
      %max3A_265 = arith.maxsi %select_n3A_264, %max3A : i32
      %shift_left3A = arith.constant 18 : i32
      %shift_left3A_266 = arith.shli %max3A_265, %shift_left3A : i32
      %scan3A_267 = arith.constant 0 : i32
      %scan3A_268 = arith.constant 0 : i32
      %scan3A_269 = arith.constant 32 : i32
      %scan3A_270 = arith.addi %scan3A_268, %scan3A_269 : i32
      %scan3A_271 = arith.constant 1 : i32
      %scan3A_272 = scf.for %scan3A_696 = %scan3A_268 to %scan3A_270 step %scan3A_271 iter_args(%scan3A_697 = %scan3A_267) -> (i32)  : i32 {
        %mul3A_698 = arith.constant 4 : i32
        %mul3A_699 = arith.muli %scan3A_696, %mul3A_698 : i32
        %add3A_700 = arith.constant 0 : i32
        %add3A_701 = arith.addi %mul3A_699, %add3A_700 : i32
        %mul3A_702 = arith.constant 16 : i32
        %mul3A_703 = arith.muli %add3A_701, %mul3A_702 : i32
        %get3A_704 = arith.index_cast %mul3A_703 : i32 to index
        %get3A_705 = tpu.vector_load %arg9[%get3A_704] {strides = array<i32>} : memref<2064xi32, #tpu.memory_space<vmem>>, vector<16xi32>,
        %ge3A_706 = vector.broadcast %shift_left3A_266 : i32 to vector<16xi32>
        %ge3A_707 = arith.cmpi sge, %get3A_705, %ge3A_706 : vector<16xi32>
        %min3A_708 = arith.constant 256 : i32
        %min3A_709 = arith.minsi %scan3A_697, %min3A_708 : i32
        %add3A_710 = vector.broadcast %mul3A_703 : i32 to vector<16xi32>
        %add3A_711 = arith.addi %add3A_710, %iota3A : vector<16xi32>
        %swap3A_712 = arith.index_cast %min3A_709 : i32 to index
        %swap3A_713 = tpu.vector_load %arg10[%swap3A_712] masked %ge3A_707 {strides = array<i32>} : memref<272xi32, #tpu.memory_space<vmem>>, vector<16xi32>, vector<16xi1>
        tpu.vector_store %arg10[%swap3A_712], %add3A_711 masked %ge3A_707 {strides = array<i32>} : memref<272xi32, #tpu.memory_space<vmem>>, vector<16xi32>, vector<16xi1>
        %all_reduce_population_count3A_714 = tpu.all_reduce %ge3A_707 {dim = 0 : i64, kind = #tpu.reduction_kind<sum>} : vector<16xi1> -> vector<16xi32>
        %slice3A_715 = vector.extract_strided_slice %all_reduce_population_count3A_714 {offsets = [0], sizes = [1], strides = [1]} : vector<16xi32> to vector<1xi32>
        %squeeze3A_716 = vector.extract %slice3A_715[0] : i32 from vector<1xi32>
        %add3A_717 = arith.addi %scan3A_697, %squeeze3A_716 : i32
        %mul3A_718 = arith.constant 4 : i32
        %mul3A_719 = arith.muli %scan3A_696, %mul3A_718 : i32
        %add3A_720 = arith.constant 1 : i32
        %add3A_721 = arith.addi %mul3A_719, %add3A_720 : i32
        %mul3A_722 = arith.constant 16 : i32
        %mul3A_723 = arith.muli %add3A_721, %mul3A_722 : i32
        %get3A_724 = arith.index_cast %mul3A_723 : i32 to index
        %get3A_725 = tpu.vector_load %arg9[%get3A_724] {strides = array<i32>} : memref<2064xi32, #tpu.memory_space<vmem>>, vector<16xi32>,
        %ge3A_726 = vector.broadcast %shift_left3A_266 : i32 to vector<16xi32>
        %ge3A_727 = arith.cmpi sge, %get3A_725, %ge3A_726 : vector<16xi32>
        %min3A_728 = arith.constant 256 : i32
        %min3A_729 = arith.minsi %add3A_717, %min3A_728 : i32
        %add3A_730 = vector.broadcast %mul3A_723 : i32 to vector<16xi32>
        %add3A_731 = arith.addi %add3A_730, %iota3A : vector<16xi32>
        %swap3A_732 = arith.index_cast %min3A_729 : i32 to index
        %swap3A_733 = tpu.vector_load %arg10[%swap3A_732] masked %ge3A_727 {strides = array<i32>} : memref<272xi32, #tpu.memory_space<vmem>>, vector<16xi32>, vector<16xi1>
        tpu.vector_store %arg10[%swap3A_732], %add3A_731 masked %ge3A_727 {strides = array<i32>} : memref<272xi32, #tpu.memory_space<vmem>>, vector<16xi32>, vector<16xi1>
        %all_reduce_population_count3A_734 = tpu.all_reduce %ge3A_727 {dim = 0 : i64, kind = #tpu.reduction_kind<sum>} : vector<16xi1> -> vector<16xi32>
        %slice3A_735 = vector.extract_strided_slice %all_reduce_population_count3A_734 {offsets = [0], sizes = [1], strides = [1]} : vector<16xi32> to vector<1xi32>
        %squeeze3A_736 = vector.extract %slice3A_735[0] : i32 from vector<1xi32>
        %add3A_737 = arith.addi %add3A_717, %squeeze3A_736 : i32
        %mul3A_738 = arith.constant 4 : i32
        %mul3A_739 = arith.muli %scan3A_696, %mul3A_738 : i32
        %add3A_740 = arith.constant 2 : i32
        %add3A_741 = arith.addi %mul3A_739, %add3A_740 : i32
        %mul3A_742 = arith.constant 16 : i32
        %mul3A_743 = arith.muli %add3A_741, %mul3A_742 : i32
        %get3A_744 = arith.index_cast %mul3A_743 : i32 to index
        %get3A_745 = tpu.vector_load %arg9[%get3A_744] {strides = array<i32>} : memref<2064xi32, #tpu.memory_space<vmem>>, vector<16xi32>,
        %ge3A_746 = vector.broadcast %shift_left3A_266 : i32 to vector<16xi32>
        %ge3A_747 = arith.cmpi sge, %get3A_745, %ge3A_746 : vector<16xi32>
        %min3A_748 = arith.constant 256 : i32
        %min3A_749 = arith.minsi %add3A_737, %min3A_748 : i32
        %add3A_750 = vector.broadcast %mul3A_743 : i32 to vector<16xi32>
        %add3A_751 = arith.addi %add3A_750, %iota3A : vector<16xi32>
        %swap3A_752 = arith.index_cast %min3A_749 : i32 to index
        %swap3A_753 = tpu.vector_load %arg10[%swap3A_752] masked %ge3A_747 {strides = array<i32>} : memref<272xi32, #tpu.memory_space<vmem>>, vector<16xi32>, vector<16xi1>
        tpu.vector_store %arg10[%swap3A_752], %add3A_751 masked %ge3A_747 {strides = array<i32>} : memref<272xi32, #tpu.memory_space<vmem>>, vector<16xi32>, vector<16xi1>
        %all_reduce_population_count3A_754 = tpu.all_reduce %ge3A_747 {dim = 0 : i64, kind = #tpu.reduction_kind<sum>} : vector<16xi1> -> vector<16xi32>
        %slice3A_755 = vector.extract_strided_slice %all_reduce_population_count3A_754 {offsets = [0], sizes = [1], strides = [1]} : vector<16xi32> to vector<1xi32>
        %squeeze3A_756 = vector.extract %slice3A_755[0] : i32 from vector<1xi32>
        %add3A_757 = arith.addi %add3A_737, %squeeze3A_756 : i32
        %mul3A_758 = arith.constant 4 : i32
        %mul3A_759 = arith.muli %scan3A_696, %mul3A_758 : i32
        %add3A_760 = arith.constant 3 : i32
        %add3A_761 = arith.addi %mul3A_759, %add3A_760 : i32
        %mul3A_762 = arith.constant 16 : i32
        %mul3A_763 = arith.muli %add3A_761, %mul3A_762 : i32
        %get3A_764 = arith.index_cast %mul3A_763 : i32 to index
        %get3A_765 = tpu.vector_load %arg9[%get3A_764] {strides = array<i32>} : memref<2064xi32, #tpu.memory_space<vmem>>, vector<16xi32>,
        %ge3A_766 = vector.broadcast %shift_left3A_266 : i32 to vector<16xi32>
        %ge3A_767 = arith.cmpi sge, %get3A_765, %ge3A_766 : vector<16xi32>
        %min3A_768 = arith.constant 256 : i32
        %min3A_769 = arith.minsi %add3A_757, %min3A_768 : i32
        %add3A_770 = vector.broadcast %mul3A_763 : i32 to vector<16xi32>
        %add3A_771 = arith.addi %add3A_770, %iota3A : vector<16xi32>
        %swap3A_772 = arith.index_cast %min3A_769 : i32 to index
        %swap3A_773 = tpu.vector_load %arg10[%swap3A_772] masked %ge3A_767 {strides = array<i32>} : memref<272xi32, #tpu.memory_space<vmem>>, vector<16xi32>, vector<16xi1>
        tpu.vector_store %arg10[%swap3A_772], %add3A_771 masked %ge3A_767 {strides = array<i32>} : memref<272xi32, #tpu.memory_space<vmem>>, vector<16xi32>, vector<16xi1>
        %all_reduce_population_count3A_774 = tpu.all_reduce %ge3A_767 {dim = 0 : i64, kind = #tpu.reduction_kind<sum>} : vector<16xi1> -> vector<16xi32>
        %slice3A_775 = vector.extract_strided_slice %all_reduce_population_count3A_774 {offsets = [0], sizes = [1], strides = [1]} : vector<16xi32> to vector<1xi32>
        %squeeze3A_776 = vector.extract %slice3A_775[0] : i32 from vector<1xi32>
        %add3A_777 = arith.addi %add3A_757, %squeeze3A_776 : i32
        scf.yield %add3A_777 : i32
      }
      %scan3A_273 = arith.constant 32 : i32
      %min3A = arith.constant 256 : i32
      %min3A_274 = arith.minsi %scan3A_272, %min3A : i32
      %sub3A = arith.constant 1 : i32
      %sub3A_275 = vector.broadcast %sub3A : i32 to vector<16xi32>
      %sub3A_276 = arith.subi %broadcast_in_dim3A_3, %sub3A_275 : vector<16xi32>
      %swap3A = arith.constant 0 : index
      %swap3A_277 = tpu.vector_load %arg11[%swap3A] {strides = array<i32>} : memref<160xi32, #tpu.memory_space<vmem>>, vector<16xi32>,
      tpu.vector_store %arg11[%swap3A], %sub3A_276 {strides = array<i32>} : memref<160xi32, #tpu.memory_space<vmem>>, vector<16xi32>,
      %swap3A_278 = arith.constant 0 : index
      %swap3A_279 = tpu.vector_load %arg12[%swap3A_278] {strides = array<i32>} : memref<160xi32, #tpu.memory_space<vmem>>, vector<16xi32>,
      tpu.vector_store %arg12[%swap3A_278], %broadcast_in_dim3A_3 {strides = array<i32>} : memref<160xi32, #tpu.memory_space<vmem>>, vector<16xi32>,
      %sub3A_280 = arith.constant 1 : i32
      %sub3A_281 = vector.broadcast %sub3A_280 : i32 to vector<16xi32>
      %sub3A_282 = arith.subi %broadcast_in_dim3A_3, %sub3A_281 : vector<16xi32>
      %swap3A_283 = arith.constant 16 : index
      %swap3A_284 = tpu.vector_load %arg11[%swap3A_283] {strides = array<i32>} : memref<160xi32, #tpu.memory_space<vmem>>, vector<16xi32>,
      tpu.vector_store %arg11[%swap3A_283], %sub3A_282 {strides = array<i32>} : memref<160xi32, #tpu.memory_space<vmem>>, vector<16xi32>,
      %swap3A_285 = arith.constant 16 : index
      %swap3A_286 = tpu.vector_load %arg12[%swap3A_285] {strides = array<i32>} : memref<160xi32, #tpu.memory_space<vmem>>, vector<16xi32>,
      tpu.vector_store %arg12[%swap3A_285], %broadcast_in_dim3A_3 {strides = array<i32>} : memref<160xi32, #tpu.memory_space<vmem>>, vector<16xi32>,
      %sub3A_287 = arith.constant 1 : i32
      %sub3A_288 = vector.broadcast %sub3A_287 : i32 to vector<16xi32>
      %sub3A_289 = arith.subi %broadcast_in_dim3A_3, %sub3A_288 : vector<16xi32>
      %swap3A_290 = arith.constant 32 : index
      %swap3A_291 = tpu.vector_load %arg11[%swap3A_290] {strides = array<i32>} : memref<160xi32, #tpu.memory_space<vmem>>, vector<16xi32>,
      tpu.vector_store %arg11[%swap3A_290], %sub3A_289 {strides = array<i32>} : memref<160xi32, #tpu.memory_space<vmem>>, vector<16xi32>,
      %swap3A_292 = arith.constant 32 : index
      %swap3A_293 = tpu.vector_load %arg12[%swap3A_292] {strides = array<i32>} : memref<160xi32, #tpu.memory_space<vmem>>, vector<16xi32>,
      tpu.vector_store %arg12[%swap3A_292], %broadcast_in_dim3A_3 {strides = array<i32>} : memref<160xi32, #tpu.memory_space<vmem>>, vector<16xi32>,
      %sub3A_294 = arith.constant 1 : i32
      %sub3A_295 = vector.broadcast %sub3A_294 : i32 to vector<16xi32>
      %sub3A_296 = arith.subi %broadcast_in_dim3A_3, %sub3A_295 : vector<16xi32>
      %swap3A_297 = arith.constant 48 : index
      %swap3A_298 = tpu.vector_load %arg11[%swap3A_297] {strides = array<i32>} : memref<160xi32, #tpu.memory_space<vmem>>, vector<16xi32>,
      tpu.vector_store %arg11[%swap3A_297], %sub3A_296 {strides = array<i32>} : memref<160xi32, #tpu.memory_space<vmem>>, vector<16xi32>,
      %swap3A_299 = arith.constant 48 : index
      %swap3A_300 = tpu.vector_load %arg12[%swap3A_299] {strides = array<i32>} : memref<160xi32, #tpu.memory_space<vmem>>, vector<16xi32>,
      tpu.vector_store %arg12[%swap3A_299], %broadcast_in_dim3A_3 {strides = array<i32>} : memref<160xi32, #tpu.memory_space<vmem>>, vector<16xi32>,
      %sub3A_301 = arith.constant 1 : i32
      %sub3A_302 = vector.broadcast %sub3A_301 : i32 to vector<16xi32>
      %sub3A_303 = arith.subi %broadcast_in_dim3A_3, %sub3A_302 : vector<16xi32>
      %swap3A_304 = arith.constant 64 : index
      %swap3A_305 = tpu.vector_load %arg11[%swap3A_304] {strides = array<i32>} : memref<160xi32, #tpu.memory_space<vmem>>, vector<16xi32>,
      tpu.vector_store %arg11[%swap3A_304], %sub3A_303 {strides = array<i32>} : memref<160xi32, #tpu.memory_space<vmem>>, vector<16xi32>,
      %swap3A_306 = arith.constant 64 : index
      %swap3A_307 = tpu.vector_load %arg12[%swap3A_306] {strides = array<i32>} : memref<160xi32, #tpu.memory_space<vmem>>, vector<16xi32>,
      tpu.vector_store %arg12[%swap3A_306], %broadcast_in_dim3A_3 {strides = array<i32>} : memref<160xi32, #tpu.memory_space<vmem>>, vector<16xi32>,
      %sub3A_308 = arith.constant 1 : i32
      %sub3A_309 = vector.broadcast %sub3A_308 : i32 to vector<16xi32>
      %sub3A_310 = arith.subi %broadcast_in_dim3A_3, %sub3A_309 : vector<16xi32>
      %swap3A_311 = arith.constant 80 : index
      %swap3A_312 = tpu.vector_load %arg11[%swap3A_311] {strides = array<i32>} : memref<160xi32, #tpu.memory_space<vmem>>, vector<16xi32>,
      tpu.vector_store %arg11[%swap3A_311], %sub3A_310 {strides = array<i32>} : memref<160xi32, #tpu.memory_space<vmem>>, vector<16xi32>,
      %swap3A_313 = arith.constant 80 : index
      %swap3A_314 = tpu.vector_load %arg12[%swap3A_313] {strides = array<i32>} : memref<160xi32, #tpu.memory_space<vmem>>, vector<16xi32>,
      tpu.vector_store %arg12[%swap3A_313], %broadcast_in_dim3A_3 {strides = array<i32>} : memref<160xi32, #tpu.memory_space<vmem>>, vector<16xi32>,
      %sub3A_315 = arith.constant 1 : i32
      %sub3A_316 = vector.broadcast %sub3A_315 : i32 to vector<16xi32>
      %sub3A_317 = arith.subi %broadcast_in_dim3A_3, %sub3A_316 : vector<16xi32>
      %swap3A_318 = arith.constant 96 : index
      %swap3A_319 = tpu.vector_load %arg11[%swap3A_318] {strides = array<i32>} : memref<160xi32, #tpu.memory_space<vmem>>, vector<16xi32>,
      tpu.vector_store %arg11[%swap3A_318], %sub3A_317 {strides = array<i32>} : memref<160xi32, #tpu.memory_space<vmem>>, vector<16xi32>,
      %swap3A_320 = arith.constant 96 : index
      %swap3A_321 = tpu.vector_load %arg12[%swap3A_320] {strides = array<i32>} : memref<160xi32, #tpu.memory_space<vmem>>, vector<16xi32>,
      tpu.vector_store %arg12[%swap3A_320], %broadcast_in_dim3A_3 {strides = array<i32>} : memref<160xi32, #tpu.memory_space<vmem>>, vector<16xi32>,
      %sub3A_322 = arith.constant 1 : i32
      %sub3A_323 = vector.broadcast %sub3A_322 : i32 to vector<16xi32>
      %sub3A_324 = arith.subi %broadcast_in_dim3A_3, %sub3A_323 : vector<16xi32>
      %swap3A_325 = arith.constant 112 : index
      %swap3A_326 = tpu.vector_load %arg11[%swap3A_325] {strides = array<i32>} : memref<160xi32, #tpu.memory_space<vmem>>, vector<16xi32>,
      tpu.vector_store %arg11[%swap3A_325], %sub3A_324 {strides = array<i32>} : memref<160xi32, #tpu.memory_space<vmem>>, vector<16xi32>,
      %swap3A_327 = arith.constant 112 : index
      %swap3A_328 = tpu.vector_load %arg12[%swap3A_327] {strides = array<i32>} : memref<160xi32, #tpu.memory_space<vmem>>, vector<16xi32>,
      tpu.vector_store %arg12[%swap3A_327], %broadcast_in_dim3A_3 {strides = array<i32>} : memref<160xi32, #tpu.memory_space<vmem>>, vector<16xi32>,
      %sub3A_329 = arith.constant 1 : i32
      %sub3A_330 = vector.broadcast %sub3A_329 : i32 to vector<16xi32>
      %sub3A_331 = arith.subi %broadcast_in_dim3A_3, %sub3A_330 : vector<16xi32>
      %swap3A_332 = arith.constant 128 : index
      %swap3A_333 = tpu.vector_load %arg11[%swap3A_332] {strides = array<i32>} : memref<160xi32, #tpu.memory_space<vmem>>, vector<16xi32>,
      tpu.vector_store %arg11[%swap3A_332], %sub3A_331 {strides = array<i32>} : memref<160xi32, #tpu.memory_space<vmem>>, vector<16xi32>,
      %swap3A_334 = arith.constant 128 : index
      %swap3A_335 = tpu.vector_load %arg12[%swap3A_334] {strides = array<i32>} : memref<160xi32, #tpu.memory_space<vmem>>, vector<16xi32>,
      tpu.vector_store %arg12[%swap3A_334], %broadcast_in_dim3A_3 {strides = array<i32>} : memref<160xi32, #tpu.memory_space<vmem>>, vector<16xi32>,
      %sub3A_336 = arith.constant 1 : i32
      %sub3A_337 = vector.broadcast %sub3A_336 : i32 to vector<16xi32>
      %sub3A_338 = arith.subi %broadcast_in_dim3A_3, %sub3A_337 : vector<16xi32>
      %swap3A_339 = arith.constant 144 : index
      %swap3A_340 = tpu.vector_load %arg11[%swap3A_339] {strides = array<i32>} : memref<160xi32, #tpu.memory_space<vmem>>, vector<16xi32>,
      tpu.vector_store %arg11[%swap3A_339], %sub3A_338 {strides = array<i32>} : memref<160xi32, #tpu.memory_space<vmem>>, vector<16xi32>,
      %swap3A_341 = arith.constant 144 : index
      %swap3A_342 = tpu.vector_load %arg12[%swap3A_341] {strides = array<i32>} : memref<160xi32, #tpu.memory_space<vmem>>, vector<16xi32>,
      tpu.vector_store %arg12[%swap3A_341], %broadcast_in_dim3A_3 {strides = array<i32>} : memref<160xi32, #tpu.memory_space<vmem>>, vector<16xi32>,
      %while3A = arith.constant 0 : i32
      %while3A_343 = arith.constant 0 : i32
      %while3A_344 = arith.subi %min3A_274, %while3A : i32
      %while3A_345 = arith.addi %while3A, %while3A_344 : i32
      %while3A_346 = arith.constant 1 : i32
      %while3A_347 = arith.divsi %while3A_344, %while3A_346 : i32
      %while3A_348 = arith.muli %while3A_347, %while3A_346 : i32
      %while3A_349 = arith.addi %while3A, %while3A_348 : i32
      %while3A_350 = arith.constant 1 : i32
      %while3A_351 = scf.for %while3A_696 = %while3A to %while3A_349 step %while3A_350 iter_args(%while3A_697 = %while3A_343) -> (i32)  : i32 {
        %get3A_698 = arith.index_cast %while3A_696 : i32 to index
        %get3A_699 = tpu.vector_load %arg10[%get3A_698] {strides = array<i32>} : memref<272xi32, #tpu.memory_space<vmem>>, vector<16xi32>,
        %slice3A_700 = vector.extract_strided_slice %get3A_699 {offsets = [0], sizes = [1], strides = [1]} : vector<16xi32> to vector<1xi32>
        %squeeze3A_701 = vector.extract %slice3A_700[0] : i32 from vector<1xi32>
        %jit3A_702 = arith.constant 0 : i32
        %jit3A_703 = arith.constant 2047 : i32
        %max3A_704 = arith.maxsi %jit3A_702, %squeeze3A_701 : i32
        %min3A_705 = arith.minsi %jit3A_703, %max3A_704 : i32
        %shift_right_arithmetic3A_706 = arith.constant 4 : i32
        %shift_right_arithmetic3A_707 = arith.shrsi %min3A_705, %shift_right_arithmetic3A_706 : i32
        %shift_left3A_708 = arith.constant 8 : i32
        %shift_left3A_709 = arith.shli %shift_right_arithmetic3A_707, %shift_left3A_708 : i32
        %shift_left3A_710 = arith.constant 4 : i32
        %shift_left3A_711 = vector.broadcast %shift_left3A_710 : i32 to vector<16xi32>
        %shift_left3A_712 = arith.shli %iota3A, %shift_left3A_711 : vector<16xi32>
        %add3A_713 = vector.broadcast %shift_left3A_709 : i32 to vector<16xi32>
        %add3A_714 = arith.addi %add3A_713, %shift_left3A_712 : vector<16xi32>
        %and3A_715 = arith.constant 15 : i32
        %and3A_716 = arith.andi %min3A_705, %and3A_715 : i32
        %add3A_717 = vector.broadcast %and3A_716 : i32 to vector<16xi32>
        %add3A_718 = arith.addi %add3A_714, %add3A_717 : vector<16xi32>
        %gather3A = tpu.vector_load_idx %arg6[%add3A_718] : memref<32768xf32, #tpu.memory_space<vmem>>[vector<16xi32>], vector<16xf32>,
        %gather3A_719 = tpu.vector_load_idx %arg7[%add3A_718] : memref<32768xf32, #tpu.memory_space<vmem>>[vector<16xi32>], vector<16xf32>,
        %sub3A_720 = arith.subf %gather3A_719, %gather3A : vector<16xf32>
        %abs3A = math.absf %sub3A_720 : vector<16xf32>
        %bitcast3A = vector.bitcast %abs3A : vector<16xf32> to vector<16xi32>
        %ge3A_721 = vector.broadcast %shift_left3A_266 : i32 to vector<16xi32>
        %ge3A_722 = arith.cmpi sge, %bitcast3A, %ge3A_721 : vector<16xi32>
        %min3A_723 = arith.constant 144 : i32
        %min3A_724 = arith.minsi %while3A_697, %min3A_723 : i32
        %swap3A_725 = arith.index_cast %min3A_724 : i32 to index
        %swap3A_726 = tpu.vector_load %arg11[%swap3A_725] masked %ge3A_722 {strides = array<i32>} : memref<160xi32, #tpu.memory_space<vmem>>, vector<16xi32>, vector<16xi1>
        tpu.vector_store %arg11[%swap3A_725], %bitcast3A masked %ge3A_722 {strides = array<i32>} : memref<160xi32, #tpu.memory_space<vmem>>, vector<16xi32>, vector<16xi1>
        %swap3A_727 = arith.index_cast %min3A_724 : i32 to index
        %swap3A_728 = tpu.vector_load %arg12[%swap3A_727] masked %ge3A_722 {strides = array<i32>} : memref<160xi32, #tpu.memory_space<vmem>>, vector<16xi32>, vector<16xi1>
        tpu.vector_store %arg12[%swap3A_727], %add3A_718 masked %ge3A_722 {strides = array<i32>} : memref<160xi32, #tpu.memory_space<vmem>>, vector<16xi32>, vector<16xi1>
        %swap3A_729 = arith.index_cast %min3A_724 : i32 to index
        %swap3A_730 = tpu.vector_load %arg13[%swap3A_729] masked %ge3A_722 {strides = array<i32>} : memref<160xf32, #tpu.memory_space<vmem>>, vector<16xf32>, vector<16xi1>
        tpu.vector_store %arg13[%swap3A_729], %gather3A masked %ge3A_722 {strides = array<i32>} : memref<160xf32, #tpu.memory_space<vmem>>, vector<16xf32>, vector<16xi1>
        %swap3A_731 = arith.index_cast %min3A_724 : i32 to index
        %swap3A_732 = tpu.vector_load %arg14[%swap3A_731] masked %ge3A_722 {strides = array<i32>} : memref<160xf32, #tpu.memory_space<vmem>>, vector<16xf32>, vector<16xi1>
        tpu.vector_store %arg14[%swap3A_731], %gather3A_719 masked %ge3A_722 {strides = array<i32>} : memref<160xf32, #tpu.memory_space<vmem>>, vector<16xf32>, vector<16xi1>
        %all_reduce_population_count3A_733 = tpu.all_reduce %ge3A_722 {dim = 0 : i64, kind = #tpu.reduction_kind<sum>} : vector<16xi1> -> vector<16xi32>
        %slice3A_734 = vector.extract_strided_slice %all_reduce_population_count3A_733 {offsets = [0], sizes = [1], strides = [1]} : vector<16xi32> to vector<1xi32>
        %squeeze3A_735 = vector.extract %slice3A_734[0] : i32 from vector<1xi32>
        %add3A_736 = arith.addi %while3A_697, %squeeze3A_735 : i32
        scf.yield %add3A_736 : i32
      }
      %while3A_352 = arith.constant 1 : i32
      %while3A_353 = scf.for %while3A_696 = %while3A_349 to %while3A_345 step %while3A_352 iter_args(%while3A_697 = %while3A_351) -> (i32)  : i32 {
        %get3A_698 = arith.index_cast %while3A_696 : i32 to index
        %get3A_699 = tpu.vector_load %arg10[%get3A_698] {strides = array<i32>} : memref<272xi32, #tpu.memory_space<vmem>>, vector<16xi32>,
        %slice3A_700 = vector.extract_strided_slice %get3A_699 {offsets = [0], sizes = [1], strides = [1]} : vector<16xi32> to vector<1xi32>
        %squeeze3A_701 = vector.extract %slice3A_700[0] : i32 from vector<1xi32>
        %jit3A_702 = arith.constant 0 : i32
        %jit3A_703 = arith.constant 2047 : i32
        %max3A_704 = arith.maxsi %jit3A_702, %squeeze3A_701 : i32
        %min3A_705 = arith.minsi %jit3A_703, %max3A_704 : i32
        %shift_right_arithmetic3A_706 = arith.constant 4 : i32
        %shift_right_arithmetic3A_707 = arith.shrsi %min3A_705, %shift_right_arithmetic3A_706 : i32
        %shift_left3A_708 = arith.constant 8 : i32
        %shift_left3A_709 = arith.shli %shift_right_arithmetic3A_707, %shift_left3A_708 : i32
        %shift_left3A_710 = arith.constant 4 : i32
        %shift_left3A_711 = vector.broadcast %shift_left3A_710 : i32 to vector<16xi32>
        %shift_left3A_712 = arith.shli %iota3A, %shift_left3A_711 : vector<16xi32>
        %add3A_713 = vector.broadcast %shift_left3A_709 : i32 to vector<16xi32>
        %add3A_714 = arith.addi %add3A_713, %shift_left3A_712 : vector<16xi32>
        %and3A_715 = arith.constant 15 : i32
        %and3A_716 = arith.andi %min3A_705, %and3A_715 : i32
        %add3A_717 = vector.broadcast %and3A_716 : i32 to vector<16xi32>
        %add3A_718 = arith.addi %add3A_714, %add3A_717 : vector<16xi32>
        %gather3A = tpu.vector_load_idx %arg6[%add3A_718] : memref<32768xf32, #tpu.memory_space<vmem>>[vector<16xi32>], vector<16xf32>,
        %gather3A_719 = tpu.vector_load_idx %arg7[%add3A_718] : memref<32768xf32, #tpu.memory_space<vmem>>[vector<16xi32>], vector<16xf32>,
        %sub3A_720 = arith.subf %gather3A_719, %gather3A : vector<16xf32>
        %abs3A = math.absf %sub3A_720 : vector<16xf32>
        %bitcast3A = vector.bitcast %abs3A : vector<16xf32> to vector<16xi32>
        %ge3A_721 = vector.broadcast %shift_left3A_266 : i32 to vector<16xi32>
        %ge3A_722 = arith.cmpi sge, %bitcast3A, %ge3A_721 : vector<16xi32>
        %min3A_723 = arith.constant 144 : i32
        %min3A_724 = arith.minsi %while3A_697, %min3A_723 : i32
        %swap3A_725 = arith.index_cast %min3A_724 : i32 to index
        %swap3A_726 = tpu.vector_load %arg11[%swap3A_725] masked %ge3A_722 {strides = array<i32>} : memref<160xi32, #tpu.memory_space<vmem>>, vector<16xi32>, vector<16xi1>
        tpu.vector_store %arg11[%swap3A_725], %bitcast3A masked %ge3A_722 {strides = array<i32>} : memref<160xi32, #tpu.memory_space<vmem>>, vector<16xi32>, vector<16xi1>
        %swap3A_727 = arith.index_cast %min3A_724 : i32 to index
        %swap3A_728 = tpu.vector_load %arg12[%swap3A_727] masked %ge3A_722 {strides = array<i32>} : memref<160xi32, #tpu.memory_space<vmem>>, vector<16xi32>, vector<16xi1>
        tpu.vector_store %arg12[%swap3A_727], %add3A_718 masked %ge3A_722 {strides = array<i32>} : memref<160xi32, #tpu.memory_space<vmem>>, vector<16xi32>, vector<16xi1>
        %swap3A_729 = arith.index_cast %min3A_724 : i32 to index
        %swap3A_730 = tpu.vector_load %arg13[%swap3A_729] masked %ge3A_722 {strides = array<i32>} : memref<160xf32, #tpu.memory_space<vmem>>, vector<16xf32>, vector<16xi1>
        tpu.vector_store %arg13[%swap3A_729], %gather3A masked %ge3A_722 {strides = array<i32>} : memref<160xf32, #tpu.memory_space<vmem>>, vector<16xf32>, vector<16xi1>
        %swap3A_731 = arith.index_cast %min3A_724 : i32 to index
        %swap3A_732 = tpu.vector_load %arg14[%swap3A_731] masked %ge3A_722 {strides = array<i32>} : memref<160xf32, #tpu.memory_space<vmem>>, vector<16xf32>, vector<16xi1>
        tpu.vector_store %arg14[%swap3A_731], %gather3A_719 masked %ge3A_722 {strides = array<i32>} : memref<160xf32, #tpu.memory_space<vmem>>, vector<16xf32>, vector<16xi1>
        %all_reduce_population_count3A_733 = tpu.all_reduce %ge3A_722 {dim = 0 : i64, kind = #tpu.reduction_kind<sum>} : vector<16xi1> -> vector<16xi32>
        %slice3A_734 = vector.extract_strided_slice %all_reduce_population_count3A_733 {offsets = [0], sizes = [1], strides = [1]} : vector<16xi32> to vector<1xi32>
        %squeeze3A_735 = vector.extract %slice3A_734[0] : i32 from vector<1xi32>
        %add3A_736 = arith.addi %while3A_697, %squeeze3A_735 : i32
        scf.yield %add3A_736 : i32
      }
      %lt3A_354 = arith.constant 11 : i32
      %lt3A_355 = arith.cmpi slt, %scan3A_23, %lt3A_354 : i32
      %convert_element_type3A = arith.extui %lt3A_355 : i1 to i32
      %cond3A = arith.constant 0 : i32
      %cond3A_356 = arith.cmpi ne, %convert_element_type3A, %cond3A : i32
      scf.if %cond3A_356 {
        %add3A_696 = arith.constant 1 : i32
        %add3A_697 = arith.addi %add3A_27, %add3A_696 : i32
        %dma_start3A_698 = arith.constant 0 : i32
        %dma_start3A_699 = tpu.memref_slice %arg2[%add3A_697, %dma_start3A_698] : memref<384x32768xf32, #tpu.memory_space<hbm>> -> memref<1x32768xf32, #tpu.memory_space<hbm>>
        %dma_start3A_700 = tpu.memref_squeeze %dma_start3A_699 : memref<1x32768xf32, #tpu.memory_space<hbm>> -> memref<32768xf32, #tpu.memory_space<hbm>>
        %dma_start3A_701 = arith.constant 0 : i32
        %dma_start3A_702 = tpu.memref_slice %arg2[%add3A_697, %dma_start3A_701] : memref<384x32768xf32, #tpu.memory_space<hbm>> -> memref<1x32768xf32, #tpu.memory_space<hbm>>
        %dma_start3A_703 = tpu.memref_squeeze %dma_start3A_702 : memref<1x32768xf32, #tpu.memory_space<hbm>> -> memref<32768xf32, #tpu.memory_space<hbm>>
        tpu.enqueue_dma source(%dma_start3A_703 : memref<32768xf32, #tpu.memory_space<hbm>>) target(%arg6 : memref<32768xf32, #tpu.memory_space<vmem>>) target_semaphore(%arg17 : memref<!tpu.dma_semaphore, #tpu.memory_space<semaphore_mem>>)
        %add3A_704 = arith.constant 1 : i32
        %add3A_705 = arith.addi %add3A_27, %add3A_704 : i32
        %dma_start3A_706 = arith.constant 0 : i32
        %dma_start3A_707 = tpu.memref_slice %arg3[%add3A_705, %dma_start3A_706] : memref<384x32768xf32, #tpu.memory_space<hbm>> -> memref<1x32768xf32, #tpu.memory_space<hbm>>
        %dma_start3A_708 = tpu.memref_squeeze %dma_start3A_707 : memref<1x32768xf32, #tpu.memory_space<hbm>> -> memref<32768xf32, #tpu.memory_space<hbm>>
        %dma_start3A_709 = arith.constant 0 : i32
        %dma_start3A_710 = tpu.memref_slice %arg3[%add3A_705, %dma_start3A_709] : memref<384x32768xf32, #tpu.memory_space<hbm>> -> memref<1x32768xf32, #tpu.memory_space<hbm>>
        %dma_start3A_711 = tpu.memref_squeeze %dma_start3A_710 : memref<1x32768xf32, #tpu.memory_space<hbm>> -> memref<32768xf32, #tpu.memory_space<hbm>>
        tpu.enqueue_dma source(%dma_start3A_711 : memref<32768xf32, #tpu.memory_space<hbm>>) target(%arg7 : memref<32768xf32, #tpu.memory_space<vmem>>) target_semaphore(%arg18 : memref<!tpu.dma_semaphore, #tpu.memory_space<semaphore_mem>>)
      } else {
      }
      %broadcast_in_dim3A_357 = vector.broadcast %shift_left3A_266 : i32 to vector<16xi32>
      %broadcast_in_dim3A_358 = vector.broadcast %reduce_max3A_58 : i32 to vector<16xi32>
      %scan3A_359 = arith.constant 0 : i32
      %scan3A_360 = arith.constant 28 : i32
      %scan3A_361 = arith.addi %scan3A_359, %scan3A_360 : i32
      %scan3A_362 = arith.constant 1 : i32
      %scan3A_363:2 = scf.for %scan3A_696 = %scan3A_359 to %scan3A_361 step %scan3A_362 iter_args(%scan3A_697 = %broadcast_in_dim3A_357, %scan3A_698 = %broadcast_in_dim3A_358) -> (vector<16xi32>, vector<16xi32>)  : i32 {
        %sub3A_699 = arith.subi %scan3A_698, %scan3A_697 : vector<16xi32>
        %add3A_700 = arith.constant 1 : i32
        %add3A_701 = vector.broadcast %add3A_700 : i32 to vector<16xi32>
        %add3A_702 = arith.addi %sub3A_699, %add3A_701 : vector<16xi32>
        %shift_right_logical3A = arith.constant 1 : i32
        %shift_right_logical3A_703 = vector.broadcast %shift_right_logical3A : i32 to vector<16xi32>
        %shift_right_logical3A_704 = arith.shrui %add3A_702, %shift_right_logical3A_703 : vector<16xi32>
        %add3A_705 = arith.addi %scan3A_697, %shift_right_logical3A_704 : vector<16xi32>
        %get3A_706 = arith.constant 0 : index
        %get3A_707 = tpu.vector_load %arg11[%get3A_706] {strides = array<i32>} : memref<160xi32, #tpu.memory_space<vmem>>, vector<16xi32>,
        %ge3A_708 = arith.cmpi sge, %get3A_707, %add3A_705 : vector<16xi32>
        %convert_element_type3A_709 = arith.extui %ge3A_708 : vector<16xi1> to vector<16xi32>
        %add3A_710 = arith.addi %broadcast_in_dim3A_3, %convert_element_type3A_709 : vector<16xi32>
        %get3A_711 = arith.constant 16 : index
        %get3A_712 = tpu.vector_load %arg11[%get3A_711] {strides = array<i32>} : memref<160xi32, #tpu.memory_space<vmem>>, vector<16xi32>,
        %ge3A_713 = arith.cmpi sge, %get3A_712, %add3A_705 : vector<16xi32>
        %convert_element_type3A_714 = arith.extui %ge3A_713 : vector<16xi1> to vector<16xi32>
        %add3A_715 = arith.addi %add3A_710, %convert_element_type3A_714 : vector<16xi32>
        %get3A_716 = arith.constant 32 : index
        %get3A_717 = tpu.vector_load %arg11[%get3A_716] {strides = array<i32>} : memref<160xi32, #tpu.memory_space<vmem>>, vector<16xi32>,
        %ge3A_718 = arith.cmpi sge, %get3A_717, %add3A_705 : vector<16xi32>
        %convert_element_type3A_719 = arith.extui %ge3A_718 : vector<16xi1> to vector<16xi32>
        %add3A_720 = arith.addi %add3A_715, %convert_element_type3A_719 : vector<16xi32>
        %get3A_721 = arith.constant 48 : index
        %get3A_722 = tpu.vector_load %arg11[%get3A_721] {strides = array<i32>} : memref<160xi32, #tpu.memory_space<vmem>>, vector<16xi32>,
        %ge3A_723 = arith.cmpi sge, %get3A_722, %add3A_705 : vector<16xi32>
        %convert_element_type3A_724 = arith.extui %ge3A_723 : vector<16xi1> to vector<16xi32>
        %add3A_725 = arith.addi %add3A_720, %convert_element_type3A_724 : vector<16xi32>
        %get3A_726 = arith.constant 64 : index
        %get3A_727 = tpu.vector_load %arg11[%get3A_726] {strides = array<i32>} : memref<160xi32, #tpu.memory_space<vmem>>, vector<16xi32>,
        %ge3A_728 = arith.cmpi sge, %get3A_727, %add3A_705 : vector<16xi32>
        %convert_element_type3A_729 = arith.extui %ge3A_728 : vector<16xi1> to vector<16xi32>
        %add3A_730 = arith.addi %add3A_725, %convert_element_type3A_729 : vector<16xi32>
        %get3A_731 = arith.constant 80 : index
        %get3A_732 = tpu.vector_load %arg11[%get3A_731] {strides = array<i32>} : memref<160xi32, #tpu.memory_space<vmem>>, vector<16xi32>,
        %ge3A_733 = arith.cmpi sge, %get3A_732, %add3A_705 : vector<16xi32>
        %convert_element_type3A_734 = arith.extui %ge3A_733 : vector<16xi1> to vector<16xi32>
        %add3A_735 = arith.addi %add3A_730, %convert_element_type3A_734 : vector<16xi32>
        %get3A_736 = arith.constant 96 : index
        %get3A_737 = tpu.vector_load %arg11[%get3A_736] {strides = array<i32>} : memref<160xi32, #tpu.memory_space<vmem>>, vector<16xi32>,
        %ge3A_738 = arith.cmpi sge, %get3A_737, %add3A_705 : vector<16xi32>
        %convert_element_type3A_739 = arith.extui %ge3A_738 : vector<16xi1> to vector<16xi32>
        %add3A_740 = arith.addi %add3A_735, %convert_element_type3A_739 : vector<16xi32>
        %get3A_741 = arith.constant 112 : index
        %get3A_742 = tpu.vector_load %arg11[%get3A_741] {strides = array<i32>} : memref<160xi32, #tpu.memory_space<vmem>>, vector<16xi32>,
        %ge3A_743 = arith.cmpi sge, %get3A_742, %add3A_705 : vector<16xi32>
        %convert_element_type3A_744 = arith.extui %ge3A_743 : vector<16xi1> to vector<16xi32>
        %add3A_745 = arith.addi %add3A_740, %convert_element_type3A_744 : vector<16xi32>
        %get3A_746 = arith.constant 128 : index
        %get3A_747 = tpu.vector_load %arg11[%get3A_746] {strides = array<i32>} : memref<160xi32, #tpu.memory_space<vmem>>, vector<16xi32>,
        %ge3A_748 = arith.cmpi sge, %get3A_747, %add3A_705 : vector<16xi32>
        %convert_element_type3A_749 = arith.extui %ge3A_748 : vector<16xi1> to vector<16xi32>
        %add3A_750 = arith.addi %add3A_745, %convert_element_type3A_749 : vector<16xi32>
        %get3A_751 = arith.constant 144 : index
        %get3A_752 = tpu.vector_load %arg11[%get3A_751] {strides = array<i32>} : memref<160xi32, #tpu.memory_space<vmem>>, vector<16xi32>,
        %ge3A_753 = arith.cmpi sge, %get3A_752, %add3A_705 : vector<16xi32>
        %convert_element_type3A_754 = arith.extui %ge3A_753 : vector<16xi1> to vector<16xi32>
        %add3A_755 = arith.addi %add3A_750, %convert_element_type3A_754 : vector<16xi32>
        %reduce_sum3A_756 = arith.constant true
        %reduce_sum3A_757 = vector.broadcast %reduce_sum3A_756 : i1 to vector<16xi1>
        %reduce_sum3A_758 = tpu.scan <sum>, %add3A_755 masked %reduce_sum3A_757 : vector<16xi32>, vector<16xi1> -> vector<16xi32>
        %reduce_sum3A_759 = vector.extract %reduce_sum3A_758[15] : i32 from vector<16xi32>
        %ge3A_760 = arith.constant 50 : i32
        %ge3A_761 = arith.cmpi sge, %reduce_sum3A_759, %ge3A_760 : i32
        %select_n3A_762 = arith.select %ge3A_761, %add3A_705, %scan3A_697 : vector<16xi32>
        %sub3A_763 = arith.constant 1 : i32
        %sub3A_764 = vector.broadcast %sub3A_763 : i32 to vector<16xi32>
        %sub3A_765 = arith.subi %add3A_705, %sub3A_764 : vector<16xi32>
        %select_n3A_766 = arith.select %ge3A_761, %scan3A_698, %sub3A_765 : vector<16xi32>
        scf.yield %select_n3A_762, %select_n3A_766 : vector<16xi32>, vector<16xi32>
      }
      %scan3A_364 = arith.constant 28 : i32
      %get3A_365 = arith.constant 0 : index
      %get3A_366 = tpu.vector_load %arg11[%get3A_365] {strides = array<i32>} : memref<160xi32, #tpu.memory_space<vmem>>, vector<16xi32>,
      %gt3A = arith.cmpi sgt, %get3A_366, %scan3A_363#0 : vector<16xi32>
      %convert_element_type3A_367 = arith.extui %gt3A : vector<16xi1> to vector<16xi32>
      %add3A_368 = arith.addi %broadcast_in_dim3A_3, %convert_element_type3A_367 : vector<16xi32>
      %get3A_369 = arith.constant 16 : index
      %get3A_370 = tpu.vector_load %arg11[%get3A_369] {strides = array<i32>} : memref<160xi32, #tpu.memory_space<vmem>>, vector<16xi32>,
      %gt3A_371 = arith.cmpi sgt, %get3A_370, %scan3A_363#0 : vector<16xi32>
      %convert_element_type3A_372 = arith.extui %gt3A_371 : vector<16xi1> to vector<16xi32>
      %add3A_373 = arith.addi %add3A_368, %convert_element_type3A_372 : vector<16xi32>
      %get3A_374 = arith.constant 32 : index
      %get3A_375 = tpu.vector_load %arg11[%get3A_374] {strides = array<i32>} : memref<160xi32, #tpu.memory_space<vmem>>, vector<16xi32>,
      %gt3A_376 = arith.cmpi sgt, %get3A_375, %scan3A_363#0 : vector<16xi32>
      %convert_element_type3A_377 = arith.extui %gt3A_376 : vector<16xi1> to vector<16xi32>
      %add3A_378 = arith.addi %add3A_373, %convert_element_type3A_377 : vector<16xi32>
      %get3A_379 = arith.constant 48 : index
      %get3A_380 = tpu.vector_load %arg11[%get3A_379] {strides = array<i32>} : memref<160xi32, #tpu.memory_space<vmem>>, vector<16xi32>,
      %gt3A_381 = arith.cmpi sgt, %get3A_380, %scan3A_363#0 : vector<16xi32>
      %convert_element_type3A_382 = arith.extui %gt3A_381 : vector<16xi1> to vector<16xi32>
      %add3A_383 = arith.addi %add3A_378, %convert_element_type3A_382 : vector<16xi32>
      %get3A_384 = arith.constant 64 : index
      %get3A_385 = tpu.vector_load %arg11[%get3A_384] {strides = array<i32>} : memref<160xi32, #tpu.memory_space<vmem>>, vector<16xi32>,
      %gt3A_386 = arith.cmpi sgt, %get3A_385, %scan3A_363#0 : vector<16xi32>
      %convert_element_type3A_387 = arith.extui %gt3A_386 : vector<16xi1> to vector<16xi32>
      %add3A_388 = arith.addi %add3A_383, %convert_element_type3A_387 : vector<16xi32>
      %get3A_389 = arith.constant 80 : index
      %get3A_390 = tpu.vector_load %arg11[%get3A_389] {strides = array<i32>} : memref<160xi32, #tpu.memory_space<vmem>>, vector<16xi32>,
      %gt3A_391 = arith.cmpi sgt, %get3A_390, %scan3A_363#0 : vector<16xi32>
      %convert_element_type3A_392 = arith.extui %gt3A_391 : vector<16xi1> to vector<16xi32>
      %add3A_393 = arith.addi %add3A_388, %convert_element_type3A_392 : vector<16xi32>
      %get3A_394 = arith.constant 96 : index
      %get3A_395 = tpu.vector_load %arg11[%get3A_394] {strides = array<i32>} : memref<160xi32, #tpu.memory_space<vmem>>, vector<16xi32>,
      %gt3A_396 = arith.cmpi sgt, %get3A_395, %scan3A_363#0 : vector<16xi32>
      %convert_element_type3A_397 = arith.extui %gt3A_396 : vector<16xi1> to vector<16xi32>
      %add3A_398 = arith.addi %add3A_393, %convert_element_type3A_397 : vector<16xi32>
      %get3A_399 = arith.constant 112 : index
      %get3A_400 = tpu.vector_load %arg11[%get3A_399] {strides = array<i32>} : memref<160xi32, #tpu.memory_space<vmem>>, vector<16xi32>,
      %gt3A_401 = arith.cmpi sgt, %get3A_400, %scan3A_363#0 : vector<16xi32>
      %convert_element_type3A_402 = arith.extui %gt3A_401 : vector<16xi1> to vector<16xi32>
      %add3A_403 = arith.addi %add3A_398, %convert_element_type3A_402 : vector<16xi32>
      %get3A_404 = arith.constant 128 : index
      %get3A_405 = tpu.vector_load %arg11[%get3A_404] {strides = array<i32>} : memref<160xi32, #tpu.memory_space<vmem>>, vector<16xi32>,
      %gt3A_406 = arith.cmpi sgt, %get3A_405, %scan3A_363#0 : vector<16xi32>
      %convert_element_type3A_407 = arith.extui %gt3A_406 : vector<16xi1> to vector<16xi32>
      %add3A_408 = arith.addi %add3A_403, %convert_element_type3A_407 : vector<16xi32>
      %get3A_409 = arith.constant 144 : index
      %get3A_410 = tpu.vector_load %arg11[%get3A_409] {strides = array<i32>} : memref<160xi32, #tpu.memory_space<vmem>>, vector<16xi32>,
      %gt3A_411 = arith.cmpi sgt, %get3A_410, %scan3A_363#0 : vector<16xi32>
      %convert_element_type3A_412 = arith.extui %gt3A_411 : vector<16xi1> to vector<16xi32>
      %add3A_413 = arith.addi %add3A_408, %convert_element_type3A_412 : vector<16xi32>
      %reduce_sum3A = arith.constant true
      %reduce_sum3A_414 = vector.broadcast %reduce_sum3A : i1 to vector<16xi1>
      %reduce_sum3A_415 = tpu.scan <sum>, %add3A_413 masked %reduce_sum3A_414 : vector<16xi32>, vector<16xi1> -> vector<16xi32>
      %reduce_sum3A_416 = vector.extract %reduce_sum3A_415[15] : i32 from vector<16xi32>
      %sub3A_417 = arith.constant 50 : i32
      %sub3A_418 = arith.subi %sub3A_417, %reduce_sum3A_416 : i32
      %broadcast_in_dim3A_419 = arith.constant 32767 : i32
      %broadcast_in_dim3A_420 = vector.broadcast %broadcast_in_dim3A_419 : i32 to vector<16xi32>
      %scan3A_421 = arith.constant 0 : i32
      %scan3A_422 = arith.constant 15 : i32
      %scan3A_423 = arith.addi %scan3A_421, %scan3A_422 : i32
      %scan3A_424 = arith.constant 1 : i32
      %scan3A_425:2 = scf.for %scan3A_696 = %scan3A_421 to %scan3A_423 step %scan3A_424 iter_args(%scan3A_697 = %broadcast_in_dim3A_3, %scan3A_698 = %broadcast_in_dim3A_420) -> (vector<16xi32>, vector<16xi32>)  : i32 {
        %add3A_699 = arith.addi %scan3A_697, %scan3A_698 : vector<16xi32>
        %shift_right_arithmetic3A_700 = arith.constant 1 : i32
        %shift_right_arithmetic3A_701 = vector.broadcast %shift_right_arithmetic3A_700 : i32 to vector<16xi32>
        %shift_right_arithmetic3A_702 = arith.shrsi %add3A_699, %shift_right_arithmetic3A_701 : vector<16xi32>
        %get3A_703 = arith.constant 0 : index
        %get3A_704 = tpu.vector_load %arg11[%get3A_703] {strides = array<i32>} : memref<160xi32, #tpu.memory_space<vmem>>, vector<16xi32>,
        %get3A_705 = arith.constant 0 : index
        %get3A_706 = tpu.vector_load %arg12[%get3A_705] {strides = array<i32>} : memref<160xi32, #tpu.memory_space<vmem>>, vector<16xi32>,
        %eq3A_707 = arith.cmpi eq, %get3A_704, %scan3A_363#0 : vector<16xi32>
        %le3A_708 = arith.cmpi sle, %get3A_706, %shift_right_arithmetic3A_702 : vector<16xi32>
        %and3A_709 = arith.andi %eq3A_707, %le3A_708 : vector<16xi1>
        %convert_element_type3A_710 = arith.extui %and3A_709 : vector<16xi1> to vector<16xi32>
        %add3A_711 = arith.addi %broadcast_in_dim3A_3, %convert_element_type3A_710 : vector<16xi32>
        %get3A_712 = arith.constant 16 : index
        %get3A_713 = tpu.vector_load %arg11[%get3A_712] {strides = array<i32>} : memref<160xi32, #tpu.memory_space<vmem>>, vector<16xi32>,
        %get3A_714 = arith.constant 16 : index
        %get3A_715 = tpu.vector_load %arg12[%get3A_714] {strides = array<i32>} : memref<160xi32, #tpu.memory_space<vmem>>, vector<16xi32>,
        %eq3A_716 = arith.cmpi eq, %get3A_713, %scan3A_363#0 : vector<16xi32>
        %le3A_717 = arith.cmpi sle, %get3A_715, %shift_right_arithmetic3A_702 : vector<16xi32>
        %and3A_718 = arith.andi %eq3A_716, %le3A_717 : vector<16xi1>
        %convert_element_type3A_719 = arith.extui %and3A_718 : vector<16xi1> to vector<16xi32>
        %add3A_720 = arith.addi %add3A_711, %convert_element_type3A_719 : vector<16xi32>
        %get3A_721 = arith.constant 32 : index
        %get3A_722 = tpu.vector_load %arg11[%get3A_721] {strides = array<i32>} : memref<160xi32, #tpu.memory_space<vmem>>, vector<16xi32>,
        %get3A_723 = arith.constant 32 : index
        %get3A_724 = tpu.vector_load %arg12[%get3A_723] {strides = array<i32>} : memref<160xi32, #tpu.memory_space<vmem>>, vector<16xi32>,
        %eq3A_725 = arith.cmpi eq, %get3A_722, %scan3A_363#0 : vector<16xi32>
        %le3A_726 = arith.cmpi sle, %get3A_724, %shift_right_arithmetic3A_702 : vector<16xi32>
        %and3A_727 = arith.andi %eq3A_725, %le3A_726 : vector<16xi1>
        %convert_element_type3A_728 = arith.extui %and3A_727 : vector<16xi1> to vector<16xi32>
        %add3A_729 = arith.addi %add3A_720, %convert_element_type3A_728 : vector<16xi32>
        %get3A_730 = arith.constant 48 : index
        %get3A_731 = tpu.vector_load %arg11[%get3A_730] {strides = array<i32>} : memref<160xi32, #tpu.memory_space<vmem>>, vector<16xi32>,
        %get3A_732 = arith.constant 48 : index
        %get3A_733 = tpu.vector_load %arg12[%get3A_732] {strides = array<i32>} : memref<160xi32, #tpu.memory_space<vmem>>, vector<16xi32>,
        %eq3A_734 = arith.cmpi eq, %get3A_731, %scan3A_363#0 : vector<16xi32>
        %le3A_735 = arith.cmpi sle, %get3A_733, %shift_right_arithmetic3A_702 : vector<16xi32>
        %and3A_736 = arith.andi %eq3A_734, %le3A_735 : vector<16xi1>
        %convert_element_type3A_737 = arith.extui %and3A_736 : vector<16xi1> to vector<16xi32>
        %add3A_738 = arith.addi %add3A_729, %convert_element_type3A_737 : vector<16xi32>
        %get3A_739 = arith.constant 64 : index
        %get3A_740 = tpu.vector_load %arg11[%get3A_739] {strides = array<i32>} : memref<160xi32, #tpu.memory_space<vmem>>, vector<16xi32>,
        %get3A_741 = arith.constant 64 : index
        %get3A_742 = tpu.vector_load %arg12[%get3A_741] {strides = array<i32>} : memref<160xi32, #tpu.memory_space<vmem>>, vector<16xi32>,
        %eq3A_743 = arith.cmpi eq, %get3A_740, %scan3A_363#0 : vector<16xi32>
        %le3A_744 = arith.cmpi sle, %get3A_742, %shift_right_arithmetic3A_702 : vector<16xi32>
        %and3A_745 = arith.andi %eq3A_743, %le3A_744 : vector<16xi1>
        %convert_element_type3A_746 = arith.extui %and3A_745 : vector<16xi1> to vector<16xi32>
        %add3A_747 = arith.addi %add3A_738, %convert_element_type3A_746 : vector<16xi32>
        %get3A_748 = arith.constant 80 : index
        %get3A_749 = tpu.vector_load %arg11[%get3A_748] {strides = array<i32>} : memref<160xi32, #tpu.memory_space<vmem>>, vector<16xi32>,
        %get3A_750 = arith.constant 80 : index
        %get3A_751 = tpu.vector_load %arg12[%get3A_750] {strides = array<i32>} : memref<160xi32, #tpu.memory_space<vmem>>, vector<16xi32>,
        %eq3A_752 = arith.cmpi eq, %get3A_749, %scan3A_363#0 : vector<16xi32>
        %le3A_753 = arith.cmpi sle, %get3A_751, %shift_right_arithmetic3A_702 : vector<16xi32>
        %and3A_754 = arith.andi %eq3A_752, %le3A_753 : vector<16xi1>
        %convert_element_type3A_755 = arith.extui %and3A_754 : vector<16xi1> to vector<16xi32>
        %add3A_756 = arith.addi %add3A_747, %convert_element_type3A_755 : vector<16xi32>
        %get3A_757 = arith.constant 96 : index
        %get3A_758 = tpu.vector_load %arg11[%get3A_757] {strides = array<i32>} : memref<160xi32, #tpu.memory_space<vmem>>, vector<16xi32>,
        %get3A_759 = arith.constant 96 : index
        %get3A_760 = tpu.vector_load %arg12[%get3A_759] {strides = array<i32>} : memref<160xi32, #tpu.memory_space<vmem>>, vector<16xi32>,
        %eq3A_761 = arith.cmpi eq, %get3A_758, %scan3A_363#0 : vector<16xi32>
        %le3A_762 = arith.cmpi sle, %get3A_760, %shift_right_arithmetic3A_702 : vector<16xi32>
        %and3A_763 = arith.andi %eq3A_761, %le3A_762 : vector<16xi1>
        %convert_element_type3A_764 = arith.extui %and3A_763 : vector<16xi1> to vector<16xi32>
        %add3A_765 = arith.addi %add3A_756, %convert_element_type3A_764 : vector<16xi32>
        %get3A_766 = arith.constant 112 : index
        %get3A_767 = tpu.vector_load %arg11[%get3A_766] {strides = array<i32>} : memref<160xi32, #tpu.memory_space<vmem>>, vector<16xi32>,
        %get3A_768 = arith.constant 112 : index
        %get3A_769 = tpu.vector_load %arg12[%get3A_768] {strides = array<i32>} : memref<160xi32, #tpu.memory_space<vmem>>, vector<16xi32>,
        %eq3A_770 = arith.cmpi eq, %get3A_767, %scan3A_363#0 : vector<16xi32>
        %le3A_771 = arith.cmpi sle, %get3A_769, %shift_right_arithmetic3A_702 : vector<16xi32>
        %and3A_772 = arith.andi %eq3A_770, %le3A_771 : vector<16xi1>
        %convert_element_type3A_773 = arith.extui %and3A_772 : vector<16xi1> to vector<16xi32>
        %add3A_774 = arith.addi %add3A_765, %convert_element_type3A_773 : vector<16xi32>
        %get3A_775 = arith.constant 128 : index
        %get3A_776 = tpu.vector_load %arg11[%get3A_775] {strides = array<i32>} : memref<160xi32, #tpu.memory_space<vmem>>, vector<16xi32>,
        %get3A_777 = arith.constant 128 : index
        %get3A_778 = tpu.vector_load %arg12[%get3A_777] {strides = array<i32>} : memref<160xi32, #tpu.memory_space<vmem>>, vector<16xi32>,
        %eq3A_779 = arith.cmpi eq, %get3A_776, %scan3A_363#0 : vector<16xi32>
        %le3A_780 = arith.cmpi sle, %get3A_778, %shift_right_arithmetic3A_702 : vector<16xi32>
        %and3A_781 = arith.andi %eq3A_779, %le3A_780 : vector<16xi1>
        %convert_element_type3A_782 = arith.extui %and3A_781 : vector<16xi1> to vector<16xi32>
        %add3A_783 = arith.addi %add3A_774, %convert_element_type3A_782 : vector<16xi32>
        %get3A_784 = arith.constant 144 : index
        %get3A_785 = tpu.vector_load %arg11[%get3A_784] {strides = array<i32>} : memref<160xi32, #tpu.memory_space<vmem>>, vector<16xi32>,
        %get3A_786 = arith.constant 144 : index
        %get3A_787 = tpu.vector_load %arg12[%get3A_786] {strides = array<i32>} : memref<160xi32, #tpu.memory_space<vmem>>, vector<16xi32>,
        %eq3A_788 = arith.cmpi eq, %get3A_785, %scan3A_363#0 : vector<16xi32>
        %le3A_789 = arith.cmpi sle, %get3A_787, %shift_right_arithmetic3A_702 : vector<16xi32>
        %and3A_790 = arith.andi %eq3A_788, %le3A_789 : vector<16xi1>
        %convert_element_type3A_791 = arith.extui %and3A_790 : vector<16xi1> to vector<16xi32>
        %add3A_792 = arith.addi %add3A_783, %convert_element_type3A_791 : vector<16xi32>
        %reduce_sum3A_793 = arith.constant true
        %reduce_sum3A_794 = vector.broadcast %reduce_sum3A_793 : i1 to vector<16xi1>
        %reduce_sum3A_795 = tpu.scan <sum>, %add3A_792 masked %reduce_sum3A_794 : vector<16xi32>, vector<16xi1> -> vector<16xi32>
        %reduce_sum3A_796 = vector.extract %reduce_sum3A_795[15] : i32 from vector<16xi32>
        %ge3A_797 = arith.cmpi sge, %reduce_sum3A_796, %sub3A_418 : i32
        %add3A_798 = arith.constant 1 : i32
        %add3A_799 = vector.broadcast %add3A_798 : i32 to vector<16xi32>
        %add3A_800 = arith.addi %shift_right_arithmetic3A_702, %add3A_799 : vector<16xi32>
        %select_n3A_801 = arith.select %ge3A_797, %scan3A_697, %add3A_800 : vector<16xi32>
        %select_n3A_802 = arith.select %ge3A_797, %shift_right_arithmetic3A_702, %scan3A_698 : vector<16xi32>
        scf.yield %select_n3A_801, %select_n3A_802 : vector<16xi32>, vector<16xi32>
      }
      %scan3A_426 = arith.constant 15 : i32
      %broadcast_in_dim3A_427 = arith.constant 0.000000e+00 : f32
      %broadcast_in_dim3A_428 = vector.broadcast %broadcast_in_dim3A_427 : f32 to vector<16xf32>
      %swap3A_429 = arith.constant 0 : index
      %swap3A_430 = tpu.vector_load %arg15[%swap3A_429] {strides = array<i32>} : memref<80xf32, #tpu.memory_space<vmem>>, vector<16xf32>,
      tpu.vector_store %arg15[%swap3A_429], %broadcast_in_dim3A_428 {strides = array<i32>} : memref<80xf32, #tpu.memory_space<vmem>>, vector<16xf32>,
      %broadcast_in_dim3A_431 = arith.constant 0.000000e+00 : f32
      %broadcast_in_dim3A_432 = vector.broadcast %broadcast_in_dim3A_431 : f32 to vector<16xf32>
      %swap3A_433 = arith.constant 0 : index
      %swap3A_434 = tpu.vector_load %arg16[%swap3A_433] {strides = array<i32>} : memref<80xf32, #tpu.memory_space<vmem>>, vector<16xf32>,
      tpu.vector_store %arg16[%swap3A_433], %broadcast_in_dim3A_432 {strides = array<i32>} : memref<80xf32, #tpu.memory_space<vmem>>, vector<16xf32>,
      %broadcast_in_dim3A_435 = arith.constant 0.000000e+00 : f32
      %broadcast_in_dim3A_436 = vector.broadcast %broadcast_in_dim3A_435 : f32 to vector<16xf32>
      %swap3A_437 = arith.constant 16 : index
      %swap3A_438 = tpu.vector_load %arg15[%swap3A_437] {strides = array<i32>} : memref<80xf32, #tpu.memory_space<vmem>>, vector<16xf32>,
      tpu.vector_store %arg15[%swap3A_437], %broadcast_in_dim3A_436 {strides = array<i32>} : memref<80xf32, #tpu.memory_space<vmem>>, vector<16xf32>,
      %broadcast_in_dim3A_439 = arith.constant 0.000000e+00 : f32
      %broadcast_in_dim3A_440 = vector.broadcast %broadcast_in_dim3A_439 : f32 to vector<16xf32>
      %swap3A_441 = arith.constant 16 : index
      %swap3A_442 = tpu.vector_load %arg16[%swap3A_441] {strides = array<i32>} : memref<80xf32, #tpu.memory_space<vmem>>, vector<16xf32>,
      tpu.vector_store %arg16[%swap3A_441], %broadcast_in_dim3A_440 {strides = array<i32>} : memref<80xf32, #tpu.memory_space<vmem>>, vector<16xf32>,
      %broadcast_in_dim3A_443 = arith.constant 0.000000e+00 : f32
      %broadcast_in_dim3A_444 = vector.broadcast %broadcast_in_dim3A_443 : f32 to vector<16xf32>
      %swap3A_445 = arith.constant 32 : index
      %swap3A_446 = tpu.vector_load %arg15[%swap3A_445] {strides = array<i32>} : memref<80xf32, #tpu.memory_space<vmem>>, vector<16xf32>,
      tpu.vector_store %arg15[%swap3A_445], %broadcast_in_dim3A_444 {strides = array<i32>} : memref<80xf32, #tpu.memory_space<vmem>>, vector<16xf32>,
      %broadcast_in_dim3A_447 = arith.constant 0.000000e+00 : f32
      %broadcast_in_dim3A_448 = vector.broadcast %broadcast_in_dim3A_447 : f32 to vector<16xf32>
      %swap3A_449 = arith.constant 32 : index
      %swap3A_450 = tpu.vector_load %arg16[%swap3A_449] {strides = array<i32>} : memref<80xf32, #tpu.memory_space<vmem>>, vector<16xf32>,
      tpu.vector_store %arg16[%swap3A_449], %broadcast_in_dim3A_448 {strides = array<i32>} : memref<80xf32, #tpu.memory_space<vmem>>, vector<16xf32>,
      %broadcast_in_dim3A_451 = arith.constant 0.000000e+00 : f32
      %broadcast_in_dim3A_452 = vector.broadcast %broadcast_in_dim3A_451 : f32 to vector<16xf32>
      %swap3A_453 = arith.constant 48 : index
      %swap3A_454 = tpu.vector_load %arg15[%swap3A_453] {strides = array<i32>} : memref<80xf32, #tpu.memory_space<vmem>>, vector<16xf32>,
      tpu.vector_store %arg15[%swap3A_453], %broadcast_in_dim3A_452 {strides = array<i32>} : memref<80xf32, #tpu.memory_space<vmem>>, vector<16xf32>,
      %broadcast_in_dim3A_455 = arith.constant 0.000000e+00 : f32
      %broadcast_in_dim3A_456 = vector.broadcast %broadcast_in_dim3A_455 : f32 to vector<16xf32>
      %swap3A_457 = arith.constant 48 : index
      %swap3A_458 = tpu.vector_load %arg16[%swap3A_457] {strides = array<i32>} : memref<80xf32, #tpu.memory_space<vmem>>, vector<16xf32>,
      tpu.vector_store %arg16[%swap3A_457], %broadcast_in_dim3A_456 {strides = array<i32>} : memref<80xf32, #tpu.memory_space<vmem>>, vector<16xf32>,
      %broadcast_in_dim3A_459 = arith.constant 0.000000e+00 : f32
      %broadcast_in_dim3A_460 = vector.broadcast %broadcast_in_dim3A_459 : f32 to vector<16xf32>
      %swap3A_461 = arith.constant 64 : index
      %swap3A_462 = tpu.vector_load %arg15[%swap3A_461] {strides = array<i32>} : memref<80xf32, #tpu.memory_space<vmem>>, vector<16xf32>,
      tpu.vector_store %arg15[%swap3A_461], %broadcast_in_dim3A_460 {strides = array<i32>} : memref<80xf32, #tpu.memory_space<vmem>>, vector<16xf32>,
      %broadcast_in_dim3A_463 = arith.constant 0.000000e+00 : f32
      %broadcast_in_dim3A_464 = vector.broadcast %broadcast_in_dim3A_463 : f32 to vector<16xf32>
      %swap3A_465 = arith.constant 64 : index
      %swap3A_466 = tpu.vector_load %arg16[%swap3A_465] {strides = array<i32>} : memref<80xf32, #tpu.memory_space<vmem>>, vector<16xf32>,
      tpu.vector_store %arg16[%swap3A_465], %broadcast_in_dim3A_464 {strides = array<i32>} : memref<80xf32, #tpu.memory_space<vmem>>, vector<16xf32>,
      %get3A_467 = arith.constant 0 : index
      %get3A_468 = tpu.vector_load %arg11[%get3A_467] {strides = array<i32>} : memref<160xi32, #tpu.memory_space<vmem>>, vector<16xi32>,
      %get3A_469 = arith.constant 0 : index
      %get3A_470 = tpu.vector_load %arg12[%get3A_469] {strides = array<i32>} : memref<160xi32, #tpu.memory_space<vmem>>, vector<16xi32>,
      %get3A_471 = arith.constant 0 : index
      %get3A_472 = tpu.vector_load %arg13[%get3A_471] {strides = array<i32>} : memref<160xf32, #tpu.memory_space<vmem>>, vector<16xf32>,
      %get3A_473 = arith.constant 0 : index
      %get3A_474 = tpu.vector_load %arg14[%get3A_473] {strides = array<i32>} : memref<160xf32, #tpu.memory_space<vmem>>, vector<16xf32>,
      %gt3A_475 = arith.cmpi sgt, %get3A_468, %scan3A_363#0 : vector<16xi32>
      %eq3A = arith.cmpi eq, %get3A_468, %scan3A_363#0 : vector<16xi32>
      %le3A = arith.cmpi sle, %get3A_470, %scan3A_425#0 : vector<16xi32>
      %and3A_476 = arith.andi %eq3A, %le3A : vector<16xi1>
      %or3A = arith.ori %gt3A_475, %and3A_476 : vector<16xi1>
      %min3A_477 = arith.constant 0 : i32
      %min3A_478 = arith.constant 64 : i32
      %min3A_479 = arith.minsi %min3A_477, %min3A_478 : i32
      %swap3A_480 = arith.index_cast %min3A_479 : i32 to index
      %swap3A_481 = tpu.vector_load %arg15[%swap3A_480] masked %or3A {strides = array<i32>} : memref<80xf32, #tpu.memory_space<vmem>>, vector<16xf32>, vector<16xi1>
      tpu.vector_store %arg15[%swap3A_480], %get3A_472 masked %or3A {strides = array<i32>} : memref<80xf32, #tpu.memory_space<vmem>>, vector<16xf32>, vector<16xi1>
      %swap3A_482 = arith.index_cast %min3A_479 : i32 to index
      %swap3A_483 = tpu.vector_load %arg16[%swap3A_482] masked %or3A {strides = array<i32>} : memref<80xf32, #tpu.memory_space<vmem>>, vector<16xf32>, vector<16xi1>
      tpu.vector_store %arg16[%swap3A_482], %get3A_474 masked %or3A {strides = array<i32>} : memref<80xf32, #tpu.memory_space<vmem>>, vector<16xf32>, vector<16xi1>
      %all_reduce_population_count3A = tpu.all_reduce %or3A {dim = 0 : i64, kind = #tpu.reduction_kind<sum>} : vector<16xi1> -> vector<16xi32>
      %slice3A_484 = vector.extract_strided_slice %all_reduce_population_count3A {offsets = [0], sizes = [1], strides = [1]} : vector<16xi32> to vector<1xi32>
      %squeeze3A_485 = vector.extract %slice3A_484[0] : i32 from vector<1xi32>
      %add3A_486 = arith.constant 0 : i32
      %add3A_487 = arith.addi %add3A_486, %squeeze3A_485 : i32
      %get3A_488 = arith.constant 16 : index
      %get3A_489 = tpu.vector_load %arg11[%get3A_488] {strides = array<i32>} : memref<160xi32, #tpu.memory_space<vmem>>, vector<16xi32>,
      %get3A_490 = arith.constant 16 : index
      %get3A_491 = tpu.vector_load %arg12[%get3A_490] {strides = array<i32>} : memref<160xi32, #tpu.memory_space<vmem>>, vector<16xi32>,
      %get3A_492 = arith.constant 16 : index
      %get3A_493 = tpu.vector_load %arg13[%get3A_492] {strides = array<i32>} : memref<160xf32, #tpu.memory_space<vmem>>, vector<16xf32>,
      %get3A_494 = arith.constant 16 : index
      %get3A_495 = tpu.vector_load %arg14[%get3A_494] {strides = array<i32>} : memref<160xf32, #tpu.memory_space<vmem>>, vector<16xf32>,
      %gt3A_496 = arith.cmpi sgt, %get3A_489, %scan3A_363#0 : vector<16xi32>
      %eq3A_497 = arith.cmpi eq, %get3A_489, %scan3A_363#0 : vector<16xi32>
      %le3A_498 = arith.cmpi sle, %get3A_491, %scan3A_425#0 : vector<16xi32>
      %and3A_499 = arith.andi %eq3A_497, %le3A_498 : vector<16xi1>
      %or3A_500 = arith.ori %gt3A_496, %and3A_499 : vector<16xi1>
      %min3A_501 = arith.constant 64 : i32
      %min3A_502 = arith.minsi %add3A_487, %min3A_501 : i32
      %swap3A_503 = arith.index_cast %min3A_502 : i32 to index
      %swap3A_504 = tpu.vector_load %arg15[%swap3A_503] masked %or3A_500 {strides = array<i32>} : memref<80xf32, #tpu.memory_space<vmem>>, vector<16xf32>, vector<16xi1>
      tpu.vector_store %arg15[%swap3A_503], %get3A_493 masked %or3A_500 {strides = array<i32>} : memref<80xf32, #tpu.memory_space<vmem>>, vector<16xf32>, vector<16xi1>
      %swap3A_505 = arith.index_cast %min3A_502 : i32 to index
      %swap3A_506 = tpu.vector_load %arg16[%swap3A_505] masked %or3A_500 {strides = array<i32>} : memref<80xf32, #tpu.memory_space<vmem>>, vector<16xf32>, vector<16xi1>
      tpu.vector_store %arg16[%swap3A_505], %get3A_495 masked %or3A_500 {strides = array<i32>} : memref<80xf32, #tpu.memory_space<vmem>>, vector<16xf32>, vector<16xi1>
      %all_reduce_population_count3A_507 = tpu.all_reduce %or3A_500 {dim = 0 : i64, kind = #tpu.reduction_kind<sum>} : vector<16xi1> -> vector<16xi32>
      %slice3A_508 = vector.extract_strided_slice %all_reduce_population_count3A_507 {offsets = [0], sizes = [1], strides = [1]} : vector<16xi32> to vector<1xi32>
      %squeeze3A_509 = vector.extract %slice3A_508[0] : i32 from vector<1xi32>
      %add3A_510 = arith.addi %add3A_487, %squeeze3A_509 : i32
      %get3A_511 = arith.constant 32 : index
      %get3A_512 = tpu.vector_load %arg11[%get3A_511] {strides = array<i32>} : memref<160xi32, #tpu.memory_space<vmem>>, vector<16xi32>,
      %get3A_513 = arith.constant 32 : index
      %get3A_514 = tpu.vector_load %arg12[%get3A_513] {strides = array<i32>} : memref<160xi32, #tpu.memory_space<vmem>>, vector<16xi32>,
      %get3A_515 = arith.constant 32 : index
      %get3A_516 = tpu.vector_load %arg13[%get3A_515] {strides = array<i32>} : memref<160xf32, #tpu.memory_space<vmem>>, vector<16xf32>,
      %get3A_517 = arith.constant 32 : index
      %get3A_518 = tpu.vector_load %arg14[%get3A_517] {strides = array<i32>} : memref<160xf32, #tpu.memory_space<vmem>>, vector<16xf32>,
      %gt3A_519 = arith.cmpi sgt, %get3A_512, %scan3A_363#0 : vector<16xi32>
      %eq3A_520 = arith.cmpi eq, %get3A_512, %scan3A_363#0 : vector<16xi32>
      %le3A_521 = arith.cmpi sle, %get3A_514, %scan3A_425#0 : vector<16xi32>
      %and3A_522 = arith.andi %eq3A_520, %le3A_521 : vector<16xi1>
      %or3A_523 = arith.ori %gt3A_519, %and3A_522 : vector<16xi1>
      %min3A_524 = arith.constant 64 : i32
      %min3A_525 = arith.minsi %add3A_510, %min3A_524 : i32
      %swap3A_526 = arith.index_cast %min3A_525 : i32 to index
      %swap3A_527 = tpu.vector_load %arg15[%swap3A_526] masked %or3A_523 {strides = array<i32>} : memref<80xf32, #tpu.memory_space<vmem>>, vector<16xf32>, vector<16xi1>
      tpu.vector_store %arg15[%swap3A_526], %get3A_516 masked %or3A_523 {strides = array<i32>} : memref<80xf32, #tpu.memory_space<vmem>>, vector<16xf32>, vector<16xi1>
      %swap3A_528 = arith.index_cast %min3A_525 : i32 to index
      %swap3A_529 = tpu.vector_load %arg16[%swap3A_528] masked %or3A_523 {strides = array<i32>} : memref<80xf32, #tpu.memory_space<vmem>>, vector<16xf32>, vector<16xi1>
      tpu.vector_store %arg16[%swap3A_528], %get3A_518 masked %or3A_523 {strides = array<i32>} : memref<80xf32, #tpu.memory_space<vmem>>, vector<16xf32>, vector<16xi1>
      %all_reduce_population_count3A_530 = tpu.all_reduce %or3A_523 {dim = 0 : i64, kind = #tpu.reduction_kind<sum>} : vector<16xi1> -> vector<16xi32>
      %slice3A_531 = vector.extract_strided_slice %all_reduce_population_count3A_530 {offsets = [0], sizes = [1], strides = [1]} : vector<16xi32> to vector<1xi32>
      %squeeze3A_532 = vector.extract %slice3A_531[0] : i32 from vector<1xi32>
      %add3A_533 = arith.addi %add3A_510, %squeeze3A_532 : i32
      %get3A_534 = arith.constant 48 : index
      %get3A_535 = tpu.vector_load %arg11[%get3A_534] {strides = array<i32>} : memref<160xi32, #tpu.memory_space<vmem>>, vector<16xi32>,
      %get3A_536 = arith.constant 48 : index
      %get3A_537 = tpu.vector_load %arg12[%get3A_536] {strides = array<i32>} : memref<160xi32, #tpu.memory_space<vmem>>, vector<16xi32>,
      %get3A_538 = arith.constant 48 : index
      %get3A_539 = tpu.vector_load %arg13[%get3A_538] {strides = array<i32>} : memref<160xf32, #tpu.memory_space<vmem>>, vector<16xf32>,
      %get3A_540 = arith.constant 48 : index
      %get3A_541 = tpu.vector_load %arg14[%get3A_540] {strides = array<i32>} : memref<160xf32, #tpu.memory_space<vmem>>, vector<16xf32>,
      %gt3A_542 = arith.cmpi sgt, %get3A_535, %scan3A_363#0 : vector<16xi32>
      %eq3A_543 = arith.cmpi eq, %get3A_535, %scan3A_363#0 : vector<16xi32>
      %le3A_544 = arith.cmpi sle, %get3A_537, %scan3A_425#0 : vector<16xi32>
      %and3A_545 = arith.andi %eq3A_543, %le3A_544 : vector<16xi1>
      %or3A_546 = arith.ori %gt3A_542, %and3A_545 : vector<16xi1>
      %min3A_547 = arith.constant 64 : i32
      %min3A_548 = arith.minsi %add3A_533, %min3A_547 : i32
      %swap3A_549 = arith.index_cast %min3A_548 : i32 to index
      %swap3A_550 = tpu.vector_load %arg15[%swap3A_549] masked %or3A_546 {strides = array<i32>} : memref<80xf32, #tpu.memory_space<vmem>>, vector<16xf32>, vector<16xi1>
      tpu.vector_store %arg15[%swap3A_549], %get3A_539 masked %or3A_546 {strides = array<i32>} : memref<80xf32, #tpu.memory_space<vmem>>, vector<16xf32>, vector<16xi1>
      %swap3A_551 = arith.index_cast %min3A_548 : i32 to index
      %swap3A_552 = tpu.vector_load %arg16[%swap3A_551] masked %or3A_546 {strides = array<i32>} : memref<80xf32, #tpu.memory_space<vmem>>, vector<16xf32>, vector<16xi1>
      tpu.vector_store %arg16[%swap3A_551], %get3A_541 masked %or3A_546 {strides = array<i32>} : memref<80xf32, #tpu.memory_space<vmem>>, vector<16xf32>, vector<16xi1>
      %all_reduce_population_count3A_553 = tpu.all_reduce %or3A_546 {dim = 0 : i64, kind = #tpu.reduction_kind<sum>} : vector<16xi1> -> vector<16xi32>
      %slice3A_554 = vector.extract_strided_slice %all_reduce_population_count3A_553 {offsets = [0], sizes = [1], strides = [1]} : vector<16xi32> to vector<1xi32>
      %squeeze3A_555 = vector.extract %slice3A_554[0] : i32 from vector<1xi32>
      %add3A_556 = arith.addi %add3A_533, %squeeze3A_555 : i32
      %get3A_557 = arith.constant 64 : index
      %get3A_558 = tpu.vector_load %arg11[%get3A_557] {strides = array<i32>} : memref<160xi32, #tpu.memory_space<vmem>>, vector<16xi32>,
      %get3A_559 = arith.constant 64 : index
      %get3A_560 = tpu.vector_load %arg12[%get3A_559] {strides = array<i32>} : memref<160xi32, #tpu.memory_space<vmem>>, vector<16xi32>,
      %get3A_561 = arith.constant 64 : index
      %get3A_562 = tpu.vector_load %arg13[%get3A_561] {strides = array<i32>} : memref<160xf32, #tpu.memory_space<vmem>>, vector<16xf32>,
      %get3A_563 = arith.constant 64 : index
      %get3A_564 = tpu.vector_load %arg14[%get3A_563] {strides = array<i32>} : memref<160xf32, #tpu.memory_space<vmem>>, vector<16xf32>,
      %gt3A_565 = arith.cmpi sgt, %get3A_558, %scan3A_363#0 : vector<16xi32>
      %eq3A_566 = arith.cmpi eq, %get3A_558, %scan3A_363#0 : vector<16xi32>
      %le3A_567 = arith.cmpi sle, %get3A_560, %scan3A_425#0 : vector<16xi32>
      %and3A_568 = arith.andi %eq3A_566, %le3A_567 : vector<16xi1>
      %or3A_569 = arith.ori %gt3A_565, %and3A_568 : vector<16xi1>
      %min3A_570 = arith.constant 64 : i32
      %min3A_571 = arith.minsi %add3A_556, %min3A_570 : i32
      %swap3A_572 = arith.index_cast %min3A_571 : i32 to index
      %swap3A_573 = tpu.vector_load %arg15[%swap3A_572] masked %or3A_569 {strides = array<i32>} : memref<80xf32, #tpu.memory_space<vmem>>, vector<16xf32>, vector<16xi1>
      tpu.vector_store %arg15[%swap3A_572], %get3A_562 masked %or3A_569 {strides = array<i32>} : memref<80xf32, #tpu.memory_space<vmem>>, vector<16xf32>, vector<16xi1>
      %swap3A_574 = arith.index_cast %min3A_571 : i32 to index
      %swap3A_575 = tpu.vector_load %arg16[%swap3A_574] masked %or3A_569 {strides = array<i32>} : memref<80xf32, #tpu.memory_space<vmem>>, vector<16xf32>, vector<16xi1>
      tpu.vector_store %arg16[%swap3A_574], %get3A_564 masked %or3A_569 {strides = array<i32>} : memref<80xf32, #tpu.memory_space<vmem>>, vector<16xf32>, vector<16xi1>
      %all_reduce_population_count3A_576 = tpu.all_reduce %or3A_569 {dim = 0 : i64, kind = #tpu.reduction_kind<sum>} : vector<16xi1> -> vector<16xi32>
      %slice3A_577 = vector.extract_strided_slice %all_reduce_population_count3A_576 {offsets = [0], sizes = [1], strides = [1]} : vector<16xi32> to vector<1xi32>
      %squeeze3A_578 = vector.extract %slice3A_577[0] : i32 from vector<1xi32>
      %add3A_579 = arith.addi %add3A_556, %squeeze3A_578 : i32
      %get3A_580 = arith.constant 80 : index
      %get3A_581 = tpu.vector_load %arg11[%get3A_580] {strides = array<i32>} : memref<160xi32, #tpu.memory_space<vmem>>, vector<16xi32>,
      %get3A_582 = arith.constant 80 : index
      %get3A_583 = tpu.vector_load %arg12[%get3A_582] {strides = array<i32>} : memref<160xi32, #tpu.memory_space<vmem>>, vector<16xi32>,
      %get3A_584 = arith.constant 80 : index
      %get3A_585 = tpu.vector_load %arg13[%get3A_584] {strides = array<i32>} : memref<160xf32, #tpu.memory_space<vmem>>, vector<16xf32>,
      %get3A_586 = arith.constant 80 : index
      %get3A_587 = tpu.vector_load %arg14[%get3A_586] {strides = array<i32>} : memref<160xf32, #tpu.memory_space<vmem>>, vector<16xf32>,
      %gt3A_588 = arith.cmpi sgt, %get3A_581, %scan3A_363#0 : vector<16xi32>
      %eq3A_589 = arith.cmpi eq, %get3A_581, %scan3A_363#0 : vector<16xi32>
      %le3A_590 = arith.cmpi sle, %get3A_583, %scan3A_425#0 : vector<16xi32>
      %and3A_591 = arith.andi %eq3A_589, %le3A_590 : vector<16xi1>
      %or3A_592 = arith.ori %gt3A_588, %and3A_591 : vector<16xi1>
      %min3A_593 = arith.constant 64 : i32
      %min3A_594 = arith.minsi %add3A_579, %min3A_593 : i32
      %swap3A_595 = arith.index_cast %min3A_594 : i32 to index
      %swap3A_596 = tpu.vector_load %arg15[%swap3A_595] masked %or3A_592 {strides = array<i32>} : memref<80xf32, #tpu.memory_space<vmem>>, vector<16xf32>, vector<16xi1>
      tpu.vector_store %arg15[%swap3A_595], %get3A_585 masked %or3A_592 {strides = array<i32>} : memref<80xf32, #tpu.memory_space<vmem>>, vector<16xf32>, vector<16xi1>
      %swap3A_597 = arith.index_cast %min3A_594 : i32 to index
      %swap3A_598 = tpu.vector_load %arg16[%swap3A_597] masked %or3A_592 {strides = array<i32>} : memref<80xf32, #tpu.memory_space<vmem>>, vector<16xf32>, vector<16xi1>
      tpu.vector_store %arg16[%swap3A_597], %get3A_587 masked %or3A_592 {strides = array<i32>} : memref<80xf32, #tpu.memory_space<vmem>>, vector<16xf32>, vector<16xi1>
      %all_reduce_population_count3A_599 = tpu.all_reduce %or3A_592 {dim = 0 : i64, kind = #tpu.reduction_kind<sum>} : vector<16xi1> -> vector<16xi32>
      %slice3A_600 = vector.extract_strided_slice %all_reduce_population_count3A_599 {offsets = [0], sizes = [1], strides = [1]} : vector<16xi32> to vector<1xi32>
      %squeeze3A_601 = vector.extract %slice3A_600[0] : i32 from vector<1xi32>
      %add3A_602 = arith.addi %add3A_579, %squeeze3A_601 : i32
      %get3A_603 = arith.constant 96 : index
      %get3A_604 = tpu.vector_load %arg11[%get3A_603] {strides = array<i32>} : memref<160xi32, #tpu.memory_space<vmem>>, vector<16xi32>,
      %get3A_605 = arith.constant 96 : index
      %get3A_606 = tpu.vector_load %arg12[%get3A_605] {strides = array<i32>} : memref<160xi32, #tpu.memory_space<vmem>>, vector<16xi32>,
      %get3A_607 = arith.constant 96 : index
      %get3A_608 = tpu.vector_load %arg13[%get3A_607] {strides = array<i32>} : memref<160xf32, #tpu.memory_space<vmem>>, vector<16xf32>,
      %get3A_609 = arith.constant 96 : index
      %get3A_610 = tpu.vector_load %arg14[%get3A_609] {strides = array<i32>} : memref<160xf32, #tpu.memory_space<vmem>>, vector<16xf32>,
      %gt3A_611 = arith.cmpi sgt, %get3A_604, %scan3A_363#0 : vector<16xi32>
      %eq3A_612 = arith.cmpi eq, %get3A_604, %scan3A_363#0 : vector<16xi32>
      %le3A_613 = arith.cmpi sle, %get3A_606, %scan3A_425#0 : vector<16xi32>
      %and3A_614 = arith.andi %eq3A_612, %le3A_613 : vector<16xi1>
      %or3A_615 = arith.ori %gt3A_611, %and3A_614 : vector<16xi1>
      %min3A_616 = arith.constant 64 : i32
      %min3A_617 = arith.minsi %add3A_602, %min3A_616 : i32
      %swap3A_618 = arith.index_cast %min3A_617 : i32 to index
      %swap3A_619 = tpu.vector_load %arg15[%swap3A_618] masked %or3A_615 {strides = array<i32>} : memref<80xf32, #tpu.memory_space<vmem>>, vector<16xf32>, vector<16xi1>
      tpu.vector_store %arg15[%swap3A_618], %get3A_608 masked %or3A_615 {strides = array<i32>} : memref<80xf32, #tpu.memory_space<vmem>>, vector<16xf32>, vector<16xi1>
      %swap3A_620 = arith.index_cast %min3A_617 : i32 to index
      %swap3A_621 = tpu.vector_load %arg16[%swap3A_620] masked %or3A_615 {strides = array<i32>} : memref<80xf32, #tpu.memory_space<vmem>>, vector<16xf32>, vector<16xi1>
      tpu.vector_store %arg16[%swap3A_620], %get3A_610 masked %or3A_615 {strides = array<i32>} : memref<80xf32, #tpu.memory_space<vmem>>, vector<16xf32>, vector<16xi1>
      %all_reduce_population_count3A_622 = tpu.all_reduce %or3A_615 {dim = 0 : i64, kind = #tpu.reduction_kind<sum>} : vector<16xi1> -> vector<16xi32>
      %slice3A_623 = vector.extract_strided_slice %all_reduce_population_count3A_622 {offsets = [0], sizes = [1], strides = [1]} : vector<16xi32> to vector<1xi32>
      %squeeze3A_624 = vector.extract %slice3A_623[0] : i32 from vector<1xi32>
      %add3A_625 = arith.addi %add3A_602, %squeeze3A_624 : i32
      %get3A_626 = arith.constant 112 : index
      %get3A_627 = tpu.vector_load %arg11[%get3A_626] {strides = array<i32>} : memref<160xi32, #tpu.memory_space<vmem>>, vector<16xi32>,
      %get3A_628 = arith.constant 112 : index
      %get3A_629 = tpu.vector_load %arg12[%get3A_628] {strides = array<i32>} : memref<160xi32, #tpu.memory_space<vmem>>, vector<16xi32>,
      %get3A_630 = arith.constant 112 : index
      %get3A_631 = tpu.vector_load %arg13[%get3A_630] {strides = array<i32>} : memref<160xf32, #tpu.memory_space<vmem>>, vector<16xf32>,
      %get3A_632 = arith.constant 112 : index
      %get3A_633 = tpu.vector_load %arg14[%get3A_632] {strides = array<i32>} : memref<160xf32, #tpu.memory_space<vmem>>, vector<16xf32>,
      %gt3A_634 = arith.cmpi sgt, %get3A_627, %scan3A_363#0 : vector<16xi32>
      %eq3A_635 = arith.cmpi eq, %get3A_627, %scan3A_363#0 : vector<16xi32>
      %le3A_636 = arith.cmpi sle, %get3A_629, %scan3A_425#0 : vector<16xi32>
      %and3A_637 = arith.andi %eq3A_635, %le3A_636 : vector<16xi1>
      %or3A_638 = arith.ori %gt3A_634, %and3A_637 : vector<16xi1>
      %min3A_639 = arith.constant 64 : i32
      %min3A_640 = arith.minsi %add3A_625, %min3A_639 : i32
      %swap3A_641 = arith.index_cast %min3A_640 : i32 to index
      %swap3A_642 = tpu.vector_load %arg15[%swap3A_641] masked %or3A_638 {strides = array<i32>} : memref<80xf32, #tpu.memory_space<vmem>>, vector<16xf32>, vector<16xi1>
      tpu.vector_store %arg15[%swap3A_641], %get3A_631 masked %or3A_638 {strides = array<i32>} : memref<80xf32, #tpu.memory_space<vmem>>, vector<16xf32>, vector<16xi1>
      %swap3A_643 = arith.index_cast %min3A_640 : i32 to index
      %swap3A_644 = tpu.vector_load %arg16[%swap3A_643] masked %or3A_638 {strides = array<i32>} : memref<80xf32, #tpu.memory_space<vmem>>, vector<16xf32>, vector<16xi1>
      tpu.vector_store %arg16[%swap3A_643], %get3A_633 masked %or3A_638 {strides = array<i32>} : memref<80xf32, #tpu.memory_space<vmem>>, vector<16xf32>, vector<16xi1>
      %all_reduce_population_count3A_645 = tpu.all_reduce %or3A_638 {dim = 0 : i64, kind = #tpu.reduction_kind<sum>} : vector<16xi1> -> vector<16xi32>
      %slice3A_646 = vector.extract_strided_slice %all_reduce_population_count3A_645 {offsets = [0], sizes = [1], strides = [1]} : vector<16xi32> to vector<1xi32>
      %squeeze3A_647 = vector.extract %slice3A_646[0] : i32 from vector<1xi32>
      %add3A_648 = arith.addi %add3A_625, %squeeze3A_647 : i32
      %get3A_649 = arith.constant 128 : index
      %get3A_650 = tpu.vector_load %arg11[%get3A_649] {strides = array<i32>} : memref<160xi32, #tpu.memory_space<vmem>>, vector<16xi32>,
      %get3A_651 = arith.constant 128 : index
      %get3A_652 = tpu.vector_load %arg12[%get3A_651] {strides = array<i32>} : memref<160xi32, #tpu.memory_space<vmem>>, vector<16xi32>,
      %get3A_653 = arith.constant 128 : index
      %get3A_654 = tpu.vector_load %arg13[%get3A_653] {strides = array<i32>} : memref<160xf32, #tpu.memory_space<vmem>>, vector<16xf32>,
      %get3A_655 = arith.constant 128 : index
      %get3A_656 = tpu.vector_load %arg14[%get3A_655] {strides = array<i32>} : memref<160xf32, #tpu.memory_space<vmem>>, vector<16xf32>,
      %gt3A_657 = arith.cmpi sgt, %get3A_650, %scan3A_363#0 : vector<16xi32>
      %eq3A_658 = arith.cmpi eq, %get3A_650, %scan3A_363#0 : vector<16xi32>
      %le3A_659 = arith.cmpi sle, %get3A_652, %scan3A_425#0 : vector<16xi32>
      %and3A_660 = arith.andi %eq3A_658, %le3A_659 : vector<16xi1>
      %or3A_661 = arith.ori %gt3A_657, %and3A_660 : vector<16xi1>
      %min3A_662 = arith.constant 64 : i32
      %min3A_663 = arith.minsi %add3A_648, %min3A_662 : i32
      %swap3A_664 = arith.index_cast %min3A_663 : i32 to index
      %swap3A_665 = tpu.vector_load %arg15[%swap3A_664] masked %or3A_661 {strides = array<i32>} : memref<80xf32, #tpu.memory_space<vmem>>, vector<16xf32>, vector<16xi1>
      tpu.vector_store %arg15[%swap3A_664], %get3A_654 masked %or3A_661 {strides = array<i32>} : memref<80xf32, #tpu.memory_space<vmem>>, vector<16xf32>, vector<16xi1>
      %swap3A_666 = arith.index_cast %min3A_663 : i32 to index
      %swap3A_667 = tpu.vector_load %arg16[%swap3A_666] masked %or3A_661 {strides = array<i32>} : memref<80xf32, #tpu.memory_space<vmem>>, vector<16xf32>, vector<16xi1>
      tpu.vector_store %arg16[%swap3A_666], %get3A_656 masked %or3A_661 {strides = array<i32>} : memref<80xf32, #tpu.memory_space<vmem>>, vector<16xf32>, vector<16xi1>
      %all_reduce_population_count3A_668 = tpu.all_reduce %or3A_661 {dim = 0 : i64, kind = #tpu.reduction_kind<sum>} : vector<16xi1> -> vector<16xi32>
      %slice3A_669 = vector.extract_strided_slice %all_reduce_population_count3A_668 {offsets = [0], sizes = [1], strides = [1]} : vector<16xi32> to vector<1xi32>
      %squeeze3A_670 = vector.extract %slice3A_669[0] : i32 from vector<1xi32>
      %add3A_671 = arith.addi %add3A_648, %squeeze3A_670 : i32
      %get3A_672 = arith.constant 144 : index
      %get3A_673 = tpu.vector_load %arg11[%get3A_672] {strides = array<i32>} : memref<160xi32, #tpu.memory_space<vmem>>, vector<16xi32>,
      %get3A_674 = arith.constant 144 : index
      %get3A_675 = tpu.vector_load %arg12[%get3A_674] {strides = array<i32>} : memref<160xi32, #tpu.memory_space<vmem>>, vector<16xi32>,
      %get3A_676 = arith.constant 144 : index
      %get3A_677 = tpu.vector_load %arg13[%get3A_676] {strides = array<i32>} : memref<160xf32, #tpu.memory_space<vmem>>, vector<16xf32>,
      %get3A_678 = arith.constant 144 : index
      %get3A_679 = tpu.vector_load %arg14[%get3A_678] {strides = array<i32>} : memref<160xf32, #tpu.memory_space<vmem>>, vector<16xf32>,
      %gt3A_680 = arith.cmpi sgt, %get3A_673, %scan3A_363#0 : vector<16xi32>
      %eq3A_681 = arith.cmpi eq, %get3A_673, %scan3A_363#0 : vector<16xi32>
      %le3A_682 = arith.cmpi sle, %get3A_675, %scan3A_425#0 : vector<16xi32>
      %and3A_683 = arith.andi %eq3A_681, %le3A_682 : vector<16xi1>
      %or3A_684 = arith.ori %gt3A_680, %and3A_683 : vector<16xi1>
      %min3A_685 = arith.constant 64 : i32
      %min3A_686 = arith.minsi %add3A_671, %min3A_685 : i32
      %swap3A_687 = arith.index_cast %min3A_686 : i32 to index
      %swap3A_688 = tpu.vector_load %arg15[%swap3A_687] masked %or3A_684 {strides = array<i32>} : memref<80xf32, #tpu.memory_space<vmem>>, vector<16xf32>, vector<16xi1>
      tpu.vector_store %arg15[%swap3A_687], %get3A_677 masked %or3A_684 {strides = array<i32>} : memref<80xf32, #tpu.memory_space<vmem>>, vector<16xf32>, vector<16xi1>
      %swap3A_689 = arith.index_cast %min3A_686 : i32 to index
      %swap3A_690 = tpu.vector_load %arg16[%swap3A_689] masked %or3A_684 {strides = array<i32>} : memref<80xf32, #tpu.memory_space<vmem>>, vector<16xf32>, vector<16xi1>
      tpu.vector_store %arg16[%swap3A_689], %get3A_679 masked %or3A_684 {strides = array<i32>} : memref<80xf32, #tpu.memory_space<vmem>>, vector<16xf32>, vector<16xi1>
      %all_reduce_population_count3A_691 = tpu.all_reduce %or3A_684 {dim = 0 : i64, kind = #tpu.reduction_kind<sum>} : vector<16xi1> -> vector<16xi32>
      %slice3A_692 = vector.extract_strided_slice %all_reduce_population_count3A_691 {offsets = [0], sizes = [1], strides = [1]} : vector<16xi32> to vector<1xi32>
      %squeeze3A_693 = vector.extract %slice3A_692[0] : i32 from vector<1xi32>
      %add3A_694 = arith.addi %add3A_671, %squeeze3A_693 : i32
      "tpu.region"() ({
        %run_scoped3A = tpu.sem_alloc : memref<!tpu.dma_semaphore, #tpu.memory_space<semaphore_mem>>
        %dma_start3A_696 = arith.constant 0 : i32
        %dma_start3A_697 = tpu.memref_slice %arg4[%add3A_27, %dma_start3A_696] : memref<384x80xf32, #tpu.memory_space<hbm>> -> memref<1x80xf32, #tpu.memory_space<hbm>>
        %dma_start3A_698 = tpu.memref_squeeze %dma_start3A_697 : memref<1x80xf32, #tpu.memory_space<hbm>> -> memref<80xf32, #tpu.memory_space<hbm>>
        %dma_start3A_699 = arith.constant 0 : i32
        %dma_start3A_700 = tpu.memref_slice %arg4[%add3A_27, %dma_start3A_699] : memref<384x80xf32, #tpu.memory_space<hbm>> -> memref<1x80xf32, #tpu.memory_space<hbm>>
        %dma_start3A_701 = tpu.memref_squeeze %dma_start3A_700 : memref<1x80xf32, #tpu.memory_space<hbm>> -> memref<80xf32, #tpu.memory_space<hbm>>
        tpu.enqueue_dma source(%arg15 : memref<80xf32, #tpu.memory_space<vmem>>) target(%dma_start3A_701 : memref<80xf32, #tpu.memory_space<hbm>>) target_semaphore(%run_scoped3A : memref<!tpu.dma_semaphore, #tpu.memory_space<semaphore_mem>>)
        %dma_wait3A_702 = arith.constant 0 : i32
        %dma_wait3A_703 = tpu.memref_slice %arg4[%add3A_27, %dma_wait3A_702] : memref<384x80xf32, #tpu.memory_space<hbm>> -> memref<1x80xf32, #tpu.memory_space<hbm>>
        %dma_wait3A_704 = tpu.memref_squeeze %dma_wait3A_703 : memref<1x80xf32, #tpu.memory_space<hbm>> -> memref<80xf32, #tpu.memory_space<hbm>>
        %dma_wait3A_705 = arith.constant 0 : i32
        %dma_wait3A_706 = tpu.memref_slice %arg4[%add3A_27, %dma_wait3A_705] : memref<384x80xf32, #tpu.memory_space<hbm>> -> memref<1x80xf32, #tpu.memory_space<hbm>>
        %dma_wait3A_707 = tpu.memref_squeeze %dma_wait3A_706 : memref<1x80xf32, #tpu.memory_space<hbm>> -> memref<80xf32, #tpu.memory_space<hbm>>
        tpu.wait_dma2 semaphore(%run_scoped3A : memref<!tpu.dma_semaphore, #tpu.memory_space<semaphore_mem>>) src(%arg15 : memref<80xf32, #tpu.memory_space<vmem>>) dst(%dma_wait3A_707 : memref<80xf32, #tpu.memory_space<hbm>>)
        tpu.yield
      }) : () -> ()
      "tpu.region"() ({
        %run_scoped3A = tpu.sem_alloc : memref<!tpu.dma_semaphore, #tpu.memory_space<semaphore_mem>>
        %dma_start3A_696 = arith.constant 0 : i32
        %dma_start3A_697 = tpu.memref_slice %arg5[%add3A_27, %dma_start3A_696] : memref<384x80xf32, #tpu.memory_space<hbm>> -> memref<1x80xf32, #tpu.memory_space<hbm>>
        %dma_start3A_698 = tpu.memref_squeeze %dma_start3A_697 : memref<1x80xf32, #tpu.memory_space<hbm>> -> memref<80xf32, #tpu.memory_space<hbm>>
        %dma_start3A_699 = arith.constant 0 : i32
        %dma_start3A_700 = tpu.memref_slice %arg5[%add3A_27, %dma_start3A_699] : memref<384x80xf32, #tpu.memory_space<hbm>> -> memref<1x80xf32, #tpu.memory_space<hbm>>
        %dma_start3A_701 = tpu.memref_squeeze %dma_start3A_700 : memref<1x80xf32, #tpu.memory_space<hbm>> -> memref<80xf32, #tpu.memory_space<hbm>>
        tpu.enqueue_dma source(%arg16 : memref<80xf32, #tpu.memory_space<vmem>>) target(%dma_start3A_701 : memref<80xf32, #tpu.memory_space<hbm>>) target_semaphore(%run_scoped3A : memref<!tpu.dma_semaphore, #tpu.memory_space<semaphore_mem>>)
        %dma_wait3A_702 = arith.constant 0 : i32
        %dma_wait3A_703 = tpu.memref_slice %arg5[%add3A_27, %dma_wait3A_702] : memref<384x80xf32, #tpu.memory_space<hbm>> -> memref<1x80xf32, #tpu.memory_space<hbm>>
        %dma_wait3A_704 = tpu.memref_squeeze %dma_wait3A_703 : memref<1x80xf32, #tpu.memory_space<hbm>> -> memref<80xf32, #tpu.memory_space<hbm>>
        %dma_wait3A_705 = arith.constant 0 : i32
        %dma_wait3A_706 = tpu.memref_slice %arg5[%add3A_27, %dma_wait3A_705] : memref<384x80xf32, #tpu.memory_space<hbm>> -> memref<1x80xf32, #tpu.memory_space<hbm>>
        %dma_wait3A_707 = tpu.memref_squeeze %dma_wait3A_706 : memref<1x80xf32, #tpu.memory_space<hbm>> -> memref<80xf32, #tpu.memory_space<hbm>>
        tpu.wait_dma2 semaphore(%run_scoped3A : memref<!tpu.dma_semaphore, #tpu.memory_space<semaphore_mem>>) src(%arg16 : memref<80xf32, #tpu.memory_space<vmem>>) dst(%dma_wait3A_707 : memref<80xf32, #tpu.memory_space<hbm>>)
        tpu.yield
      }) : () -> ()
      %scan3A_695 = arith.constant 0 : i32
      scf.yield %scan3A_695 : i32
    }
    %scan3A_22 = arith.constant 12 : i32
    return
  }
}

module attributes {stable_mosaic.version = 14 : i64} {
  func.func @_final_kernel(%arg0: memref<128x240xf32, #tpu.memory_space<vmem>>, %arg1: memref<128x240xf32, #tpu.memory_space<vmem>>, %arg2: memref<1x18xf32, #tpu.memory_space<vmem>>, %arg3: memref<1x1xf32, #tpu.memory_space<vmem>>, %arg4: memref<128x1xf32, #tpu.memory_space<vmem>>) attributes {dimension_semantics = [], scalar_prefetch = 0 : i64, scratch_operands = 0 : i64, tpu.core_type = #tpu.core_type<tc>} {
    %get3A = arith.constant 0 : index
    %get3A_0 = arith.constant 0 : index
    %get3A_1 = vector.load %arg0[%get3A, %get3A_0] : memref<128x240xf32, #tpu.memory_space<vmem>>, vector<128x80xf32>
    %get3A_2 = arith.constant 0 : index
    %get3A_3 = arith.constant 0 : index
    %get3A_4 = vector.load %arg1[%get3A_2, %get3A_3] : memref<128x240xf32, #tpu.memory_space<vmem>>, vector<128x80xf32>
    %sub3A = arith.subf %get3A_4, %get3A_1 : vector<128x80xf32>
    %abs3A = math.absf %sub3A : vector<128x80xf32>
    %log1p3A = math.log1p %abs3A : vector<128x80xf32>
    %reduce_sum3A = arith.constant dense<0.000000e+00> : vector<128xf32>
    %reduce_sum3A_5 = vector.multi_reduction <add>, %abs3A, %reduce_sum3A [1] : vector<128x80xf32> to vector<128xf32>
    %mul3A = arith.mulf %get3A_1, %abs3A : vector<128x80xf32>
    %reduce_sum3A_6 = arith.constant dense<0.000000e+00> : vector<128xf32>
    %reduce_sum3A_7 = vector.multi_reduction <add>, %mul3A, %reduce_sum3A_6 [1] : vector<128x80xf32> to vector<128xf32>
    %mul3A_8 = arith.mulf %get3A_4, %abs3A : vector<128x80xf32>
    %reduce_sum3A_9 = arith.constant dense<0.000000e+00> : vector<128xf32>
    %reduce_sum3A_10 = vector.multi_reduction <add>, %mul3A_8, %reduce_sum3A_9 [1] : vector<128x80xf32> to vector<128xf32>
    %mul3A_11 = arith.mulf %get3A_1, %log1p3A : vector<128x80xf32>
    %reduce_sum3A_12 = arith.constant dense<0.000000e+00> : vector<128xf32>
    %reduce_sum3A_13 = vector.multi_reduction <add>, %mul3A_11, %reduce_sum3A_12 [1] : vector<128x80xf32> to vector<128xf32>
    %mul3A_14 = arith.mulf %get3A_4, %log1p3A : vector<128x80xf32>
    %reduce_sum3A_15 = arith.constant dense<0.000000e+00> : vector<128xf32>
    %reduce_sum3A_16 = vector.multi_reduction <add>, %mul3A_14, %reduce_sum3A_15 [1] : vector<128x80xf32> to vector<128xf32>
    %gt3A = arith.constant 0.000000e+00 : f32
    %gt3A_17 = vector.broadcast %gt3A : f32 to vector<128x80xf32>
    %gt3A_18 = arith.cmpf ogt, %abs3A, %gt3A_17 : vector<128x80xf32>
    %sub3A_19 = arith.constant 1.000000e+00 : f32
    %sub3A_20 = vector.broadcast %sub3A_19 : f32 to vector<128x80xf32>
    %sub3A_21 = arith.subf %abs3A, %sub3A_20 : vector<128x80xf32>
    %exp3A = math.exp %sub3A_21 : vector<128x80xf32>
    %jit3A = arith.constant 0.000000e+00 : f32
    %broadcast_in_dim3A = vector.broadcast %jit3A : f32 to vector<128x80xf32>
    %select_n3A = arith.select %gt3A_18, %exp3A, %broadcast_in_dim3A : vector<128x80xi1>, vector<128x80xf32>
    %reduce_sum3A_22 = arith.constant dense<0.000000e+00> : vector<128xf32>
    %reduce_sum3A_23 = vector.multi_reduction <add>, %select_n3A, %reduce_sum3A_22 [1] : vector<128x80xf32> to vector<128xf32>
    %exp3A_24 = arith.constant -1.000000e+00 : f32
    %exp3A_25 = math.exp %exp3A_24 : f32
    %add3A = vector.broadcast %exp3A_25 : f32 to vector<128xf32>
    %add3A_26 = arith.addf %add3A, %reduce_sum3A_23 : vector<128xf32>
    %log3A = math.log %add3A_26 : vector<128xf32>
    %add3A_27 = arith.constant 1.000000e+00 : f32
    %add3A_28 = vector.broadcast %add3A_27 : f32 to vector<128xf32>
    %add3A_29 = arith.addf %log3A, %add3A_28 : vector<128xf32>
    %stack3A = vector.shape_cast %reduce_sum3A_5 : vector<128xf32> to vector<128x1xf32>
    %stack3A_30 = vector.shape_cast %reduce_sum3A_7 : vector<128xf32> to vector<128x1xf32>
    %stack3A_31 = vector.shape_cast %reduce_sum3A_10 : vector<128xf32> to vector<128x1xf32>
    %stack3A_32 = vector.shape_cast %reduce_sum3A_13 : vector<128xf32> to vector<128x1xf32>
    %stack3A_33 = vector.shape_cast %reduce_sum3A_16 : vector<128xf32> to vector<128x1xf32>
    %stack3A_34 = vector.shape_cast %add3A_29 : vector<128xf32> to vector<128x1xf32>
    %stack3A_35 = tpu.concatenate %stack3A, %stack3A_30, %stack3A_31, %stack3A_32, %stack3A_33, %stack3A_34 in 1 : vector<128x1xf32>, vector<128x1xf32>, vector<128x1xf32>, vector<128x1xf32>, vector<128x1xf32>, vector<128x1xf32> -> vector<128x6xf32>
    %get3A_36 = arith.constant 0 : index
    %get3A_37 = arith.constant 80 : index
    %get3A_38 = vector.load %arg0[%get3A_36, %get3A_37] : memref<128x240xf32, #tpu.memory_space<vmem>>, vector<128x80xf32>
    %get3A_39 = arith.constant 0 : index
    %get3A_40 = arith.constant 80 : index
    %get3A_41 = vector.load %arg1[%get3A_39, %get3A_40] : memref<128x240xf32, #tpu.memory_space<vmem>>, vector<128x80xf32>
    %sub3A_42 = arith.subf %get3A_41, %get3A_38 : vector<128x80xf32>
    %abs3A_43 = math.absf %sub3A_42 : vector<128x80xf32>
    %log1p3A_44 = math.log1p %abs3A_43 : vector<128x80xf32>
    %reduce_sum3A_45 = arith.constant dense<0.000000e+00> : vector<128xf32>
    %reduce_sum3A_46 = vector.multi_reduction <add>, %abs3A_43, %reduce_sum3A_45 [1] : vector<128x80xf32> to vector<128xf32>
    %mul3A_47 = arith.mulf %get3A_38, %abs3A_43 : vector<128x80xf32>
    %reduce_sum3A_48 = arith.constant dense<0.000000e+00> : vector<128xf32>
    %reduce_sum3A_49 = vector.multi_reduction <add>, %mul3A_47, %reduce_sum3A_48 [1] : vector<128x80xf32> to vector<128xf32>
    %mul3A_50 = arith.mulf %get3A_41, %abs3A_43 : vector<128x80xf32>
    %reduce_sum3A_51 = arith.constant dense<0.000000e+00> : vector<128xf32>
    %reduce_sum3A_52 = vector.multi_reduction <add>, %mul3A_50, %reduce_sum3A_51 [1] : vector<128x80xf32> to vector<128xf32>
    %mul3A_53 = arith.mulf %get3A_38, %log1p3A_44 : vector<128x80xf32>
    %reduce_sum3A_54 = arith.constant dense<0.000000e+00> : vector<128xf32>
    %reduce_sum3A_55 = vector.multi_reduction <add>, %mul3A_53, %reduce_sum3A_54 [1] : vector<128x80xf32> to vector<128xf32>
    %mul3A_56 = arith.mulf %get3A_41, %log1p3A_44 : vector<128x80xf32>
    %reduce_sum3A_57 = arith.constant dense<0.000000e+00> : vector<128xf32>
    %reduce_sum3A_58 = vector.multi_reduction <add>, %mul3A_56, %reduce_sum3A_57 [1] : vector<128x80xf32> to vector<128xf32>
    %gt3A_59 = arith.constant 0.000000e+00 : f32
    %gt3A_60 = vector.broadcast %gt3A_59 : f32 to vector<128x80xf32>
    %gt3A_61 = arith.cmpf ogt, %abs3A_43, %gt3A_60 : vector<128x80xf32>
    %sub3A_62 = arith.constant 1.000000e+00 : f32
    %sub3A_63 = vector.broadcast %sub3A_62 : f32 to vector<128x80xf32>
    %sub3A_64 = arith.subf %abs3A_43, %sub3A_63 : vector<128x80xf32>
    %exp3A_65 = math.exp %sub3A_64 : vector<128x80xf32>
    %jit3A_66 = arith.constant 0.000000e+00 : f32
    %broadcast_in_dim3A_67 = vector.broadcast %jit3A_66 : f32 to vector<128x80xf32>
    %select_n3A_68 = arith.select %gt3A_61, %exp3A_65, %broadcast_in_dim3A_67 : vector<128x80xi1>, vector<128x80xf32>
    %reduce_sum3A_69 = arith.constant dense<0.000000e+00> : vector<128xf32>
    %reduce_sum3A_70 = vector.multi_reduction <add>, %select_n3A_68, %reduce_sum3A_69 [1] : vector<128x80xf32> to vector<128xf32>
    %exp3A_71 = arith.constant -1.000000e+00 : f32
    %exp3A_72 = math.exp %exp3A_71 : f32
    %add3A_73 = vector.broadcast %exp3A_72 : f32 to vector<128xf32>
    %add3A_74 = arith.addf %add3A_73, %reduce_sum3A_70 : vector<128xf32>
    %log3A_75 = math.log %add3A_74 : vector<128xf32>
    %add3A_76 = arith.constant 1.000000e+00 : f32
    %add3A_77 = vector.broadcast %add3A_76 : f32 to vector<128xf32>
    %add3A_78 = arith.addf %log3A_75, %add3A_77 : vector<128xf32>
    %stack3A_79 = vector.shape_cast %reduce_sum3A_46 : vector<128xf32> to vector<128x1xf32>
    %stack3A_80 = vector.shape_cast %reduce_sum3A_49 : vector<128xf32> to vector<128x1xf32>
    %stack3A_81 = vector.shape_cast %reduce_sum3A_52 : vector<128xf32> to vector<128x1xf32>
    %stack3A_82 = vector.shape_cast %reduce_sum3A_55 : vector<128xf32> to vector<128x1xf32>
    %stack3A_83 = vector.shape_cast %reduce_sum3A_58 : vector<128xf32> to vector<128x1xf32>
    %stack3A_84 = vector.shape_cast %add3A_78 : vector<128xf32> to vector<128x1xf32>
    %stack3A_85 = tpu.concatenate %stack3A_79, %stack3A_80, %stack3A_81, %stack3A_82, %stack3A_83, %stack3A_84 in 1 : vector<128x1xf32>, vector<128x1xf32>, vector<128x1xf32>, vector<128x1xf32>, vector<128x1xf32>, vector<128x1xf32> -> vector<128x6xf32>
    %get3A_86 = arith.constant 0 : index
    %get3A_87 = arith.constant 160 : index
    %get3A_88 = vector.load %arg0[%get3A_86, %get3A_87] : memref<128x240xf32, #tpu.memory_space<vmem>>, vector<128x80xf32>
    %get3A_89 = arith.constant 0 : index
    %get3A_90 = arith.constant 160 : index
    %get3A_91 = vector.load %arg1[%get3A_89, %get3A_90] : memref<128x240xf32, #tpu.memory_space<vmem>>, vector<128x80xf32>
    %sub3A_92 = arith.subf %get3A_91, %get3A_88 : vector<128x80xf32>
    %abs3A_93 = math.absf %sub3A_92 : vector<128x80xf32>
    %log1p3A_94 = math.log1p %abs3A_93 : vector<128x80xf32>
    %reduce_sum3A_95 = arith.constant dense<0.000000e+00> : vector<128xf32>
    %reduce_sum3A_96 = vector.multi_reduction <add>, %abs3A_93, %reduce_sum3A_95 [1] : vector<128x80xf32> to vector<128xf32>
    %mul3A_97 = arith.mulf %get3A_88, %abs3A_93 : vector<128x80xf32>
    %reduce_sum3A_98 = arith.constant dense<0.000000e+00> : vector<128xf32>
    %reduce_sum3A_99 = vector.multi_reduction <add>, %mul3A_97, %reduce_sum3A_98 [1] : vector<128x80xf32> to vector<128xf32>
    %mul3A_100 = arith.mulf %get3A_91, %abs3A_93 : vector<128x80xf32>
    %reduce_sum3A_101 = arith.constant dense<0.000000e+00> : vector<128xf32>
    %reduce_sum3A_102 = vector.multi_reduction <add>, %mul3A_100, %reduce_sum3A_101 [1] : vector<128x80xf32> to vector<128xf32>
    %mul3A_103 = arith.mulf %get3A_88, %log1p3A_94 : vector<128x80xf32>
    %reduce_sum3A_104 = arith.constant dense<0.000000e+00> : vector<128xf32>
    %reduce_sum3A_105 = vector.multi_reduction <add>, %mul3A_103, %reduce_sum3A_104 [1] : vector<128x80xf32> to vector<128xf32>
    %mul3A_106 = arith.mulf %get3A_91, %log1p3A_94 : vector<128x80xf32>
    %reduce_sum3A_107 = arith.constant dense<0.000000e+00> : vector<128xf32>
    %reduce_sum3A_108 = vector.multi_reduction <add>, %mul3A_106, %reduce_sum3A_107 [1] : vector<128x80xf32> to vector<128xf32>
    %gt3A_109 = arith.constant 0.000000e+00 : f32
    %gt3A_110 = vector.broadcast %gt3A_109 : f32 to vector<128x80xf32>
    %gt3A_111 = arith.cmpf ogt, %abs3A_93, %gt3A_110 : vector<128x80xf32>
    %sub3A_112 = arith.constant 1.000000e+00 : f32
    %sub3A_113 = vector.broadcast %sub3A_112 : f32 to vector<128x80xf32>
    %sub3A_114 = arith.subf %abs3A_93, %sub3A_113 : vector<128x80xf32>
    %exp3A_115 = math.exp %sub3A_114 : vector<128x80xf32>
    %jit3A_116 = arith.constant 0.000000e+00 : f32
    %broadcast_in_dim3A_117 = vector.broadcast %jit3A_116 : f32 to vector<128x80xf32>
    %select_n3A_118 = arith.select %gt3A_111, %exp3A_115, %broadcast_in_dim3A_117 : vector<128x80xi1>, vector<128x80xf32>
    %reduce_sum3A_119 = arith.constant dense<0.000000e+00> : vector<128xf32>
    %reduce_sum3A_120 = vector.multi_reduction <add>, %select_n3A_118, %reduce_sum3A_119 [1] : vector<128x80xf32> to vector<128xf32>
    %exp3A_121 = arith.constant -1.000000e+00 : f32
    %exp3A_122 = math.exp %exp3A_121 : f32
    %add3A_123 = vector.broadcast %exp3A_122 : f32 to vector<128xf32>
    %add3A_124 = arith.addf %add3A_123, %reduce_sum3A_120 : vector<128xf32>
    %log3A_125 = math.log %add3A_124 : vector<128xf32>
    %add3A_126 = arith.constant 1.000000e+00 : f32
    %add3A_127 = vector.broadcast %add3A_126 : f32 to vector<128xf32>
    %add3A_128 = arith.addf %log3A_125, %add3A_127 : vector<128xf32>
    %stack3A_129 = vector.shape_cast %reduce_sum3A_96 : vector<128xf32> to vector<128x1xf32>
    %stack3A_130 = vector.shape_cast %reduce_sum3A_99 : vector<128xf32> to vector<128x1xf32>
    %stack3A_131 = vector.shape_cast %reduce_sum3A_102 : vector<128xf32> to vector<128x1xf32>
    %stack3A_132 = vector.shape_cast %reduce_sum3A_105 : vector<128xf32> to vector<128x1xf32>
    %stack3A_133 = vector.shape_cast %reduce_sum3A_108 : vector<128xf32> to vector<128x1xf32>
    %stack3A_134 = vector.shape_cast %add3A_128 : vector<128xf32> to vector<128x1xf32>
    %stack3A_135 = tpu.concatenate %stack3A_129, %stack3A_130, %stack3A_131, %stack3A_132, %stack3A_133, %stack3A_134 in 1 : vector<128x1xf32>, vector<128x1xf32>, vector<128x1xf32>, vector<128x1xf32>, vector<128x1xf32>, vector<128x1xf32> -> vector<128x6xf32>
    %concatenate3A = tpu.concatenate %stack3A_35, %stack3A_85, %stack3A_135 in 1 : vector<128x6xf32>, vector<128x6xf32>, vector<128x6xf32> -> vector<128x18xf32>
    %reduce_sum3A_136 = arith.constant dense<0.000000e+00> : vector<18xf32>
    %reduce_sum3A_137 = vector.multi_reduction <add>, %concatenate3A, %reduce_sum3A_136 [0] : vector<128x18xf32> to vector<18xf32>
    %broadcast_in_dim3A_138 = vector.shape_cast %reduce_sum3A_137 : vector<18xf32> to vector<1x18xf32>
    %div3A = arith.constant 1.280000e+02 : f32
    %div3A_139 = vector.broadcast %div3A : f32 to vector<1x18xf32>
    %div3A_140 = arith.divf %broadcast_in_dim3A_138, %div3A_139 : vector<1x18xf32>
    %sub3A_141 = vector.broadcast %div3A_140 : vector<1x18xf32> to vector<128x18xf32>
    %sub3A_142 = arith.subf %concatenate3A, %sub3A_141 : vector<128x18xf32>
    %integer_pow3A = arith.mulf %sub3A_142, %sub3A_142 : vector<128x18xf32>
    %reduce_sum3A_143 = arith.constant dense<0.000000e+00> : vector<18xf32>
    %reduce_sum3A_144 = vector.multi_reduction <add>, %integer_pow3A, %reduce_sum3A_143 [0] : vector<128x18xf32> to vector<18xf32>
    %broadcast_in_dim3A_145 = vector.shape_cast %reduce_sum3A_144 : vector<18xf32> to vector<1x18xf32>
    %div3A_146 = arith.constant 1.280000e+02 : f32
    %div3A_147 = vector.broadcast %div3A_146 : f32 to vector<1x18xf32>
    %div3A_148 = arith.divf %broadcast_in_dim3A_145, %div3A_147 : vector<1x18xf32>
    %sub3A_149 = vector.broadcast %div3A_140 : vector<1x18xf32> to vector<128x18xf32>
    %sub3A_150 = arith.subf %concatenate3A, %sub3A_149 : vector<128x18xf32>
    %add3A_151 = arith.constant 9.99999974E-6 : f32
    %add3A_152 = vector.broadcast %add3A_151 : f32 to vector<1x18xf32>
    %add3A_153 = arith.addf %div3A_148, %add3A_152 : vector<1x18xf32>
    %sqrt3A = math.sqrt %add3A_153 : vector<1x18xf32>
    %div3A_154 = vector.broadcast %sqrt3A : vector<1x18xf32> to vector<128x18xf32>
    %div3A_155 = arith.divf %sub3A_150, %div3A_154 : vector<128x18xf32>
    %get3A_156 = arith.constant 0 : index
    %get3A_157 = arith.constant 0 : index
    %get3A_158 = vector.load %arg2[%get3A_156, %get3A_157] : memref<1x18xf32, #tpu.memory_space<vmem>>, vector<1x18xf32>
    %reshape3A = vector.shape_cast %get3A_158 : vector<1x18xf32> to vector<18x1xf32>
    %dot_general3A = arith.constant dense<0.000000e+00> : vector<128x1xf32>
    %dot_general3A_159 = tpu.matmul %div3A_155, %reshape3A, %dot_general3A {dimension_numbers = #tpu.dot_dimension_numbers<[1], [0], [0], [1], [0, 0, 1, 1], [], []>, transpose_lhs_hint = false} : vector<128x18xf32>, vector<18x1xf32>, vector<128x1xf32> -> vector<128x1xf32>
    %get3A_160 = arith.constant 0 : index
    %get3A_161 = arith.constant 0 : index
    %get3A_162 = vector.load %arg3[%get3A_160, %get3A_161] : memref<1x1xf32, #tpu.memory_space<vmem>>, vector<1x1xf32>
    %get3A_163 = vector.extract %get3A_162[0, 0] : f32 from vector<1x1xf32>
    %add3A_164 = vector.broadcast %get3A_163 : f32 to vector<128x1xf32>
    %add3A_165 = arith.addf %dot_general3A_159, %add3A_164 : vector<128x1xf32>
    %swap3A = arith.constant 0 : index
    %swap3A_166 = arith.constant 0 : index
    %swap3A_167 = vector.load %arg4[%swap3A, %swap3A_166] : memref<128x1xf32, #tpu.memory_space<vmem>>, vector<128x1xf32>
    tpu.vector_store %arg4[%swap3A, %swap3A_166], %add3A_165 {strides = array<i32>} : memref<128x1xf32, #tpu.memory_space<vmem>>, vector<128x1xf32>,
    return
  }
}

</mosaic_0001>

<sc_bundles>
// kernel: _run.4.cloned.1.call-start
scs
__scs_entry_jumppad:
0x0: {  	(pc) =	sbr.rel $0x88, $3  }
0x1: {  	(tag) =	ssettag $0x0;
	lr =	simm.s32 $0x1  }
0x2: {  	[smem:$0x3F9D] =	sst lr;
	_ =	strace $0xD0000000  }
0x3: {  	_ = 	snop  }
0x4: {  	_ = 	snop  }
0x5: {  	_ = 	snop  }
0x6: {  	_ = 	snop  }
0x7: {  	_ = 	snop  }
__scs_overlays_trampoline_lowered:
0x8: {  	[smem:$0x3FAC] =	sst s0  }
0x9: {  	[smem:$0x3FAD] =	sst s1  }
0xa: {  	[smem:$0x3FAE] =	sst s2  }
0xb: {  	[smem:$0x3FAF] =	sst s3  }
0xc: {  	[smem:$0x3FB0] =	sst s4  }
0xd: {  	[smem:$0x3FB1] =	sst s5  }
0xe: {  	[smem:$0x3FB2] =	sst s6  }
0xf: {  	[smem:$0x3FB3] =	sst s7  }
0x10: {  	[smem:$0x3FB4] =	sst s8  }
0x11: {  	[smem:$0x3FB5] =	sst s9;
	s0 =	simm.s32 @!p0 $0x0  }
0x12: {  	s1 =	sld [smem:$0x3F9B];
	s0 =	simm.s32 @p0 $0x1  }
0x13: {  	[smem:$0x3FB6] =	sst s0;
	s0 =	simm.s32 @!p1 $0x0  }
0x14: {  	s2 =	sld [smem:$0x3F9A];
	s0 =	simm.s32 @p1 $0x1  }
0x15: {  	[smem:$0x3FB7] =	sst s0;
	s0 =	simm.s32 @!p2 $0x0  }
0x16: {  	s3 =	sld [smem:$0x3FDB];
	s0 =	simm.s32 @p2 $0x1  }
0x17: {  	s4 =	simm.s32 $0x1BF5;
	[smem:$0x3FB9] =	sst s0  }
0x18: {  	s0 =	sld [smem:$0x3F9C];
	_ =	swait.ge [sflag:s4], $0x0  }
0x19: {  	s7 =	sld [smem:$0x3F9D]  }
0x1a: {  	s8 =	sadd.s32 $0xFFFFE003, lr  }
0x1b: {  	s9 =	sadd.s32 $0xFFFFFEF7, lr;
	s5 =	simm.s32 $0xFFFFFFFF;
	p2 =	slt.u32 s8, $0xFFFFF086  }
0x1c: {  	p1 =	slt.u32 s9, $0xF7A;
	s5 =	simm.s32 @!p2 $0x0  }
0x1d: {  	s5 =	simm.s32 @p1 $0x1;
	p0 =	seq.s32 s7, s2  }
0x1e: {  	s7 =	smul.u32 @!p0 $0xF7A, s2;
	p2 =	seq.s32 @!p0 s5, $0x0  }
0x1f: {  	s9 =	smul.u32 $0xF7A, s1;
	s8 =	simm.s32 @!p0 $0x1BF5;
	p2 =	por !p2, p0  }
0x20: {  	[sflag:s8] =	ssyncset.s32 @!p0 $0xFFFFF086;
	s6 =	sadd.s32 @!p0 s3, s7;
	s7 =	simm.s32 @!p0 $0x108  }
0x21: {  	s3 =	sadd.s32 s3, s9;
	s6 =	sadd.s32 @!p0 $0x88, s6;
	s7 =	simm.s32 @p2 $0x1082  }
0x22: {  	[simem:s7], [sflag:s8] =	dma.local @!p0 [hbm:s6], $0xF7A  }
0x23: {  	s9 =	sor.u32 $0xD0000000, s2;
	s6 =	simm.s32 $0x108;
	_ =	swait.ge @!p0 [sflag:s8], $0x0  }
0x24: {  	s3 =	sadd.s32 $0x88, s3;
	s6 =	simm.s32 @!p1 $0x1082;
	[sflag:s4] =	ssyncset.s32 $0xFFFFF086  }
0x25: {  	[simem:s6], [sflag:s4] =	dma.local [hbm:s3], $0xF7A  }
0x26: {  	[smem:$0x3F9D] =	sst s1;
	(tag) =	ssettag s2;
	_ =	strace s9  }
0x27: {  	s1 =	sld [smem:$0x3FAD]  }
0x28: {  	s2 =	sld [smem:$0x3FAE]  }
0x29: {  	s4 =	sld [smem:$0x3FB0]  }
0x2a: {  	p0 =	seq.s32 s5, $0x0;
	s5 =	sld [smem:$0x3FB1]  }
0x2b: {  	s6 =	sld [smem:$0x3FB2]  }
0x2c: {  	s7 =	sld [smem:$0x3FB3]  }
0x2d: {  	s3 =	simm.s32 $0x108;
	s8 =	sld [smem:$0x3FB4]  }
0x2e: {  	s3 =	simm.s32 @!p0 $0x1082;
	s9 =	sld [smem:$0x3FB5]  }
0x2f: {  	lr =	sadd.s32 s0, s3;
	s0 =	sld [smem:$0x3FAC]  }
0x30: {  	s3 =	sld [smem:$0x3FAF]  }
0x31: {  	[smem:$0x3FB8] =	sst s10  }
0x32: {  	s10 =	sld [smem:$0x3FB6];
	_ =	sdelay $0x3  }
0x33: {  	p0 =	seq.s32 s10, $0x1;
	s10 =	sld [smem:$0x3FB8];
	_ =	sdelay $0x3  }
0x34: {  	[smem:$0x3FB8] =	sst s10  }
0x35: {  	s10 =	sld [smem:$0x3FB7];
	_ =	sdelay $0x3  }
0x36: {  	p1 =	seq.s32 s10, $0x1;
	s10 =	sld [smem:$0x3FB8];
	_ =	sdelay $0x3  }
0x37: {  	[smem:$0x3FB8] =	sst s10  }
0x38: {  	s10 =	sld [smem:$0x3FB9]  }
0x39: {  	_ = 	snop;
	(pc) =	sbr.ind lr, $3  }
0x3a: {  	_ = 	snop  }
0x3b: {  	_ = 	snop  }
0x3c: {  	p2 =	seq.s32 s10, $0x1;
	s10 =	sld [smem:$0x3FB8]  }
0x3d: {  	_ =	shalt  }
0x3e: {  	_ =	shalt  }
0x3f: {  	_ =	shalt  }
0x40: {  	_ =	shalt  }
0x41: {  	_ =	shalt  }
0x42: {  	_ =	shalt  }
0x43: {  	_ =	shalt  }
0x44: {  	_ =	shalt  }
0x45: {  	_ =	shalt  }
0x46: {  	_ =	shalt  }
0x47: {  	_ =	shalt  }
0x48: {  	_ =	shalt  }
0x49: {  	_ =	shalt  }
0x4a: {  	_ =	shalt  }
0x4b: {  	_ =	shalt  }
0x4c: {  	_ =	shalt  }
0x4d: {  	_ =	shalt  }
0x4e: {  	_ =	shalt  }
0x4f: {  	_ =	shalt  }
0x50: {  	_ =	shalt  }
0x51: {  	_ =	shalt  }
0x52: {  	_ =	shalt  }
0x53: {  	_ =	shalt  }
0x54: {  	_ =	shalt  }
0x55: {  	_ =	shalt  }
0x56: {  	_ =	shalt  }
0x57: {  	_ =	shalt  }
0x58: {  	_ =	shalt  }
0x59: {  	_ =	shalt  }
0x5a: {  	_ =	shalt  }
0x5b: {  	_ =	shalt  }
0x5c: {  	_ =	shalt  }
0x5d: {  	_ =	shalt  }
0x5e: {  	_ =	shalt  }
0x5f: {  	_ =	shalt  }
0x60: {  	_ =	shalt  }
0x61: {  	_ =	shalt  }
0x62: {  	_ =	shalt  }
0x63: {  	_ =	shalt  }
0x64: {  	_ =	shalt  }
0x65: {  	_ =	shalt  }
0x66: {  	_ =	shalt  }
0x67: {  	_ =	shalt  }
0x68: {  	_ =	shalt  }
0x69: {  	_ =	shalt  }
0x6a: {  	_ =	shalt  }
0x6b: {  	_ =	shalt  }
0x6c: {  	_ =	shalt  }
0x6d: {  	_ =	shalt  }
0x6e: {  	_ =	shalt  }
0x6f: {  	_ =	shalt  }
0x70: {  	_ =	shalt  }
0x71: {  	_ =	shalt  }
0x72: {  	_ =	shalt  }
0x73: {  	_ =	shalt  }
0x74: {  	_ =	shalt  }
0x75: {  	_ =	shalt  }
0x76: {  	_ =	shalt  }
0x77: {  	_ =	shalt  }
0x78: {  	_ =	shalt  }
0x79: {  	_ =	shalt  }
0x7a: {  	_ =	shalt  }
0x7b: {  	_ =	shalt  }
0x7c: {  	_ =	shalt  }
0x7d: {  	_ =	shalt  }
0x7e: {  	_ =	shalt  }
0x7f: {  	_ =	shalt  }
0x80: {  	_ =	shalt  }
0x81: {  	_ =	shalt  }
0x82: {  	_ =	shalt  }
0x83: {  	_ =	shalt  }
0x84: {  	_ =	shalt  }
0x85: {  	_ =	shalt  }
0x86: {  	_ =	shalt  }
0x87: {  	_ =	shalt  }
.Lfunc_end0:
.L_simem_size_0:
called_computation_lowered:
.L_overlay_start_0:
0x88: {  	s2 =	sld [smem:$0x3FD9]  }
0x89: {  	s3 =	sld [smem:$0x3FFE];
	_ =	sdelay $0x1  }
0x8a: {  	s1 =	srdreg.scid  }
0x8b: {  	s0 =	sand.u32 $0x1, s1  }
0x8c: {  	s17 =	sshll.u32 s0, $0xA;
	s2 =	sadd.s32 s3, s2  }
0x8d: {  	s2 =	sadd.s32 s2, s17  }
0x8e: {  	[smem:$0x3FC4] =	sst s2  }
0x8f: {  	_ = 	snop  }
0x90: {  	s2 =	sld [smem:$0x3FC9]  }
0x91: {  	s18 =	sld [smem:$0x3FC8];
	(tm) =	ssettm $0x1  }
0x92: {  	s4 =	sld [smem:$0x3FFB];
	_ =	sdelay $0x3  }
0x93: {  	_ =	strace s4  }
0x94: {  	s4 =	sld [smem:$0x3FFC];
	_ =	sdelay $0x3  }
0x95: {  	_ =	strace s4  }
0x96: {  	s4 =	sld [smem:$0x3FFD];
	_ =	sdelay $0x3  }
0x97: {  	_ =	strace s4  }
0x98: {  	_ =	strace $0x8FFFFFFF  }
0x99: {  	s19 =	sld [smem:$0x3FDB];
	_ =	sdelay $0x1  }
0x9a: {  	s5 =	simm.s32 $_scs_section_size  }
0x9b: {  	s6 =	simm.s32 $_size__tile_overlayer_lowered;
	s7 =	simm.s32 $_tile_overlayer_lowered  }
0x9c: {  	s22 =	simm.s32 $0x1BFF;
	s21 =	sshll.u32 s7, $0x1;
	s4 =	sadd.s32 s5, s19  }
0x9d: {  	s8 =	simm.s32 $0x0;
	s20 =	sshll.u32 s6, $0x1;
	s6 =	sadd.s32 s21, s4  }
0x9e: {  	[timem:s8], [sflag:s22] =	dma.local [hbm:s6], s20  }
0x9f: {  	_ =	swait.ge [sflag:s22], s20  }
0xa0: {  	s5 =	ssub.s32 $0x0, s20;
	[sflag:s22] =	ssyncset.done $0x0  }
0xa1: {  	[sflag:s22] =	ssyncadd.s32 s5;
	_ =	sdelay $0x1  }
0xa2: {  	s23 =	simm.s32 $0x1B8B  }
0xa3: {  	_ =	swait.ge [sflag:s23], $0x1  }
0xa4: {  	[sflag:s23] =	ssyncset.done $0x0  }
0xa5: {  	s25 =	simm.s32 $0x1B8E;
	s24 =	sld [smem:$0x3FFE];
	[sflag:s23] =	ssyncadd.s32 $0xFFFFFFFF  }
0xa6: {  	s26 =	simm.s32 $execute0_lowered;
	[smem:$0x3FD2] =	sst s25  }
0xa7: {  	s6 =	sshll.u32 s26, $0x1;
	_ =	strace $0x80000046;
	[dreg:$0x1] =	wrdreg $0xFFFFFFFF  }
0xa8: {  	s28 =	simm.s32 $_size_execute0_lowered;
	s4 =	sadd.s32 s4, s6;
	[dreg:$0x0] =	wrdreg $0x0  }
0xa9: {  	s6 =	sshll.u32 s28, $0x1;
	[dreg:$0x2] =	wrdreg s4  }
0xaa: {  	[dreg:$0x3] =	wrdreg s6  }
0xab: {  	[dreg:$0x4] =	wrdreg $0xC0  }
0xac: {  	_ =	task [dreg:s8], $0x5FFFF  }
0xad: {  	[dreg:$0x1] =	wrdreg $0xFFFFFFFF  }
0xae: {  	[dreg:$0x0] =	wrdreg $0x60  }
0xaf: {  	[dreg:$0x2] =	wrdreg s2  }
0xb0: {  	[dreg:$0x3] =	wrdreg s18  }
0xb1: {  	[dreg:$0x4] =	wrdreg s24  }
0xb2: {  	[dreg:$0x5] =	wrdreg $0x9  }
0xb3: {  	_ =	task.clear_ibuf [dreg:s8], $0x6FFFF;
	_ =	strace $0x90000046  }
0xb4: {  	s29 =	simm.s32 $0x9;
	_ =	strace $0x80000048  }
0xb5: {  	_ =	swait.ge [sflag:s29], $0x1  }
0xb6: {  	[sflag:s29] =	ssyncadd.s32 $0xFFFFFFFF  }
0xb7: {  	_ =	strace $0x90000048  }
0xb8: {  	_ =	sfence  }
0xb9: {  	s30 =	sld [smem:$0x0];
	_ =	sdelay $0x2  }
0xba: {  	s31 =	sshll.u32 s1, $0xD;
	s1 =	sshrl.u32 s1, $0x2  }
0xbb: {  	s3 =	sand.u32 $0x4000, s31;
	s1 =	sadd.s32 s1, s30  }
0xbc: {  	s0 =	sor.u32 s3, s0;
	s1 =	sshll.u32 s1, $0x11  }
0xbd: {  	s0 =	sor.u32 s1, s0  }
0xbe: {  	s0 =	sadd.s32 $0x8F2B, s0  }
0xbf: {  	[sflag:s0] =	ssyncadd.remote.s32 $0x1  }
0xc0: {  	_ =	sfence.sel $0xFFFF  }
0xc1: {  	[dreg:$0x0] =	wrdreg $0xFFFFFFFF;
	(pc) =	sbr.abs _section_cstart, $3  }
0xc2: {  	[dreg:$0x1] =	wrdreg $0xFFFFFFFF  }
0xc3: {  	_ =	task.clear_ibuf [dreg:s8], $0x2FFFF;
	_ =	strace $0x9FFFFFFF  }
0xc4: {  	(tm) =	ssettm $0x7FFFFFFF  }
0xc5: {  	_ =	shalt  }
tec
execute0_lowered:
.L_overlay_start_1:
0x0: {  	(tag) =	ssettag $0x1  }
0x1: {  	s1 =	rddreg [dreg:$0x0];
	s0 =	srdreg.scid  }
0x2: {  	s2 =	stileid.u32;
	s3 =	rddreg [dreg:$0x1]  }
0x3: {  	s6 =	rddreg [dreg:$0x2];
	s4 =	simm.s32 $0x0;
	s13 =	simm.s32 $0x8000  }
0x4: {  	s14 =	simm.s32 $0x1;
	s0 =	sand.u32 $0x1, s0;
	s2 =	sshll.u32 s2, $0x1  }
0x5: {  	s15 =	simm.s32 $0x2;
	s16 =	simm.s32 $0x10000;
	s2 =	sor.u32 s0, s2  }
0x6: {  	s17 =	simm.s32 $0x12E00;
	s18 =	simm.s32 $0x12E80;
	s5 =	smul.u32 $0x60000, s2  }
0x7: {  	s19 =	simm.s32 $0x3;
	s8 =	sshll.u32 s0, $0x9;
	s0 =	ssub.s32 $0x2, s0  }
0x8: {  	s20 =	simm.s32 $0x0;
	s29 =	sshrl.u32 s0, $0x1;
	s7 =	sand.u32 $0xFC0000, s5  }
.Ltmp0:
0x9: {  	s0 =	ssub.s32 s0, s29;
	s7 =	sor.u32 s8, s7;
	(pc) =	sbr.rel .LBB2_1-.Ltmp0, $4  }
0xa: {  	[smem:$0x7FF] =	sst s4;
	s0 =	smax.u32 s0, $0x1;
	s9 =	sshrl.u32 s7, $0x3  }
0xb: {  	_ =	strace $0x80000047;
	[dreg:$0x6] =	wrdreg s0;
	s30 =	sadd.s32 s1, s9  }
0xc: {  	v0 =	vimm.s32 $0x1;
	v1 =	vlaneseq.u32;
	v2 =	vimm.s32 $0xFFFFFFFF;
	s5 =	sadd.s32 $0xA00, s6;
	s31 =	sadd.s32 s3, s9;
	[dreg:$0x4] =	wrdreg s30  }
0xd: {  	v3 =	vimm.s32 $0x0;
	v5 =	vimm.f32 $0.0e+00;
	v4 =	vmul.u32 $0x10, v1;
	s6 =	sadd.s32 $0x2200, s6;
	s7 =	smul.u32 $0xC, s2;
	[dreg:$0x5] =	wrdreg s31  }
.LBB2_24:
0xe: {  	s20 =	sadd.s32 $0x1, s20;
	s0 =	rddreg [dreg:$0x6]  }
0xf: {  	p0 =	sne.s32 s20, s0  }
.Ltmp1:
0x10: {  	_ = 	snop;
	(pc) =	sbr.rel @!p0 .LBB2_25-.Ltmp1, $1  }
0x11: {  	_ =	sdelay $0x3  }
.LBB2_1:
0x12: {  	s0 =	rddreg [dreg:$0x4];
	s2 =	simm.s32 $0x80;
	s8 =	simm.s32 $0x400  }
0x13: {  	[tilespmem:s4], [sflag:$0x1] =	stream.strided.gather [hbm4b:s0+s2], $0x8000, s8, s2, $0x38;
	[tilespmem:$0x12F00] =	vst v63  }
0x14: {  	s31 =	rddreg [dreg:$0x5];
	s21 =	simm.s32 $0x0  }
0x15: {  	[tilespmem:s13], [sflag:$0x2] =	stream.strided.gather [hbm4b:s31+s2], $0x8000, s8, s2, $0x38;
	[tilespmem:$0x12F00] =	vst v63  }
.LBB2_2:
0x16: {  	_ =	swait.ge [sflag:s14], $0x8000  }
0x17: {  	[sflag:s14] =	ssyncset.done $0x0  }
0x18: {  	[sflag:s14] =	ssyncadd.s32 $0xFFFF8000  }
0x19: {  	_ =	swait.ge [sflag:s15], $0x8000  }
0x1a: {  	[sflag:s15] =	ssyncset.done $0x0  }
0x1b: {  	s0 =	simm.s32 $0x0;
	v6 =	vimm.s32 $0x0;
	s2 =	simm.s32 $0x200;
	[sflag:s15] =	ssyncadd.s32 $0xFFFF8000  }
.LBB2_3:
0x1c: {  	p0 =	sne.s32 s2, $0x7E00;
	[tilespmem:s0+$0x10070] =	vst v6  }
0x1d: {  	[tilespmem:s0+$0x10000] =	vst v6  }
0x1e: {  	[tilespmem:s0+$0x10010] =	vst v6  }
.Ltmp2:
0x1f: {  	[tilespmem:s0+$0x10020] =	vst v6;
	(pc) =	sbr.rel @p0 .LBB2_3-.Ltmp2, $4  }
0x20: {  	[tilespmem:s0+$0x10030] =	vst v6  }
0x21: {  	[tilespmem:s0+$0x10040] =	vst v6  }
0x22: {  	[tilespmem:s0+$0x10050] =	vst v6  }
0x23: {  	[tilespmem:s0+$0x10060] =	vst v6;
	s0 =	sshra.s32 s2, $0x2;
	s2 =	sadd.s32 $0x200, s2  }
0x24: {  	[tilespmem:s0+$0x10070] =	vst v6  }
0x25: {  	[tilespmem:s0+$0x10000] =	vst v6  }
0x26: {  	[tilespmem:s0+$0x10010] =	vst v6  }
0x27: {  	[tilespmem:s0+$0x10020] =	vst v6  }
0x28: {  	[tilespmem:s0+$0x10030] =	vst v6  }
0x29: {  	[tilespmem:s0+$0x10040] =	vst v6  }
0x2a: {  	[tilespmem:s0+$0x10050] =	vst v6  }
0x2b: {  	[tilespmem:s0+$0x10060] =	vst v6;
	s31 =	simm.s32 $0x0  }
0x2c: {  	v7 =	vld [tilespmem:s31+$0xF0]  }
0x2d: {  	v8 =	vld [tilespmem:s31+$0xE0]  }
0x2e: {  	v9 =	vld [tilespmem:s31+$0xD0]  }
0x2f: {  	v10 =	vld [tilespmem:s31+$0xC0]  }
0x30: {  	v11 =	vld [tilespmem:s31+$0xB0]  }
0x31: {  	v12 =	vld [tilespmem:s31+$0xA0]  }
0x32: {  	v13 =	vld [tilespmem:s31+$0x90]  }
0x33: {  	v14 =	vld [tilespmem:s31+$0x80]  }
0x34: {  	v15 =	vld [tilespmem:s31+$0x70]  }
0x35: {  	v16 =	vld [tilespmem:s31+$0x60]  }
0x36: {  	v17 =	vld [tilespmem:s31+$0x50]  }
0x37: {  	v18 =	vld [tilespmem:s31+$0x40]  }
0x38: {  	v19 =	vld [tilespmem:s31+$0x30]  }
0x39: {  	v20 =	vld [tilespmem:s31+$0x20]  }
0x3a: {  	v21 =	vld [tilespmem:s31+$0x8000]  }
0x3b: {  	v22 =	vld [tilespmem:s31+$0x0]  }
0x3c: {  	v23 =	vld [tilespmem:s31+$0x10]  }
0x3d: {  	v24 =	vld [tilespmem:s31+$0x8010]  }
0x3e: {  	v25 =	vld [tilespmem:s31+$0x8020]  }
0x3f: {  	v26 =	vld [tilespmem:s31+$0x8030]  }
0x40: {  	v27 =	vld [tilespmem:s31+$0x8040]  }
0x41: {  	v28 =	vld [tilespmem:s31+$0x8050]  }
0x42: {  	v21 =	vsub.f32 v21, v22;
	v22 =	vsub.f32 v24, v23;
	v23 =	vld [tilespmem:s31+$0x8060]  }
0x43: {  	v62 =	vld [tilespmem:s31+$0x8070];
	v20 =	vsub.f32 v25, v20  }
0x44: {  	v63 =	vld [tilespmem:s31+$0x8080];
	v19 =	vsub.f32 v26, v19;
	v21 =	vand.u32 $0x7FFFFFFF, v21;
	v22 =	vand.u32 $0x7FFFFFFF, v22  }
0x45: {  	v18 =	vsub.f32 v27, v18;
	v20 =	vand.u32 $0x7FFFFFFF, v20;
	v21 =	vmax.u32 v21, v22;
	v22 =	vld [tilespmem:s31+$0x8090]  }
0x46: {  	v17 =	vsub.f32 v28, v17;
	v19 =	vand.u32 $0x7FFFFFFF, v19;
	v20 =	vmax.u32 v21, v20;
	v21 =	vld [tilespmem:s31+$0x80A0]  }
0x47: {  	v18 =	vand.u32 $0x7FFFFFFF, v18;
	v19 =	vmax.u32 v20, v19;
	v16 =	vsub.f32 v23, v16;
	v20 =	vld [tilespmem:s31+$0x80B0]  }
0x48: {  	v15 =	vsub.f32 v62, v15;
	v17 =	vand.u32 $0x7FFFFFFF, v17;
	v18 =	vmax.u32 v19, v18;
	v19 =	vld [tilespmem:s31+$0x80C0]  }
0x49: {  	v14 =	vsub.f32 v63, v14;
	v17 =	vmax.u32 v18, v17;
	v16 =	vand.u32 $0x7FFFFFFF, v16;
	v18 =	vld [tilespmem:s31+$0x80D0]  }
0x4a: {  	v15 =	vand.u32 $0x7FFFFFFF, v15;
	v16 =	vmax.u32 v17, v16;
	v13 =	vsub.f32 v22, v13;
	v17 =	vld [tilespmem:s31+$0x80E0]  }
0x4b: {  	v14 =	vand.u32 $0x7FFFFFFF, v14;
	v15 =	vmax.u32 v16, v15;
	v12 =	vsub.f32 v21, v12;
	v16 =	vld [tilespmem:s31+$0x80F0]  }
0x4c: {  	v14 =	vmax.u32 v15, v14;
	v13 =	vand.u32 $0x7FFFFFFF, v13;
	v11 =	vsub.f32 v20, v11  }
0x4d: {  	v13 =	vmax.u32 v14, v13;
	v12 =	vand.u32 $0x7FFFFFFF, v12;
	v10 =	vsub.f32 v19, v10  }
0x4e: {  	v12 =	vmax.u32 v13, v12;
	v11 =	vand.u32 $0x7FFFFFFF, v11;
	v9 =	vsub.f32 v18, v9  }
0x4f: {  	v11 =	vmax.u32 v12, v11;
	v10 =	vand.u32 $0x7FFFFFFF, v10;
	v8 =	vsub.f32 v17, v8  }
0x50: {  	v10 =	vmax.u32 v11, v10;
	v9 =	vand.u32 $0x7FFFFFFF, v9;
	v7 =	vsub.f32 v16, v7  }
0x51: {  	v9 =	vmax.u32 v10, v9;
	v8 =	vand.u32 $0x7FFFFFFF, v8  }
0x52: {  	v8 =	vmax.u32 v9, v8;
	v7 =	vand.u32 $0x7FFFFFFF, v7  }
0x53: {  	s22 =	simm.s32 $0x12000;
	v22 =	vmax.u32 v8, v7  }
0x54: {  	s23 =	simm.s32 $0x100;
	[tilespmem:s22+$0x0] =	vst v22  }
0x55: {  	v7 =	vld [tilespmem:s23+$0xF0]  }
0x56: {  	v8 =	vld [tilespmem:s23+$0xE0]  }
0x57: {  	v9 =	vld [tilespmem:s23+$0xD0]  }
0x58: {  	v10 =	vld [tilespmem:s23+$0xC0]  }
0x59: {  	v11 =	vld [tilespmem:s23+$0xB0]  }
0x5a: {  	v12 =	vld [tilespmem:s23+$0xA0]  }
0x5b: {  	v13 =	vld [tilespmem:s23+$0x90]  }
0x5c: {  	v14 =	vld [tilespmem:s23+$0x80]  }
0x5d: {  	v15 =	vld [tilespmem:s23+$0x70]  }
0x5e: {  	v16 =	vld [tilespmem:s23+$0x60]  }
0x5f: {  	v17 =	vld [tilespmem:s23+$0x50]  }
0x60: {  	v18 =	vld [tilespmem:s23+$0x40]  }
0x61: {  	v19 =	vld [tilespmem:s23+$0x30]  }
0x62: {  	v20 =	vld [tilespmem:s23+$0x20]  }
0x63: {  	vm0 =	vgt.s32 v6, v22;
	v21 =	vld [tilespmem:s23+$0x8000]  }
0x64: {  	s24 =	simm.s32 $0x800;
	v6 =	vsel vm0, v6, v22;
	v22 =	vld [tilespmem:s23+$0x0]  }
.LBB2_5:
0x65: {  	p0 =	sne.s32 s24, $0x1FC00;
	v23 =	vld [tilespmem:s23+$0x10]  }
0x66: {  	v24 =	vld [tilespmem:s23+$0x8010]  }
0x67: {  	v25 =	vld [tilespmem:s23+$0x8020]  }
0x68: {  	v26 =	vld [tilespmem:s23+$0x8030]  }
0x69: {  	v27 =	vld [tilespmem:s23+$0x8040]  }
0x6a: {  	v28 =	vld [tilespmem:s23+$0x8050]  }
0x6b: {  	v21 =	vsub.f32 v21, v22;
	v22 =	vsub.f32 v24, v23;
	v23 =	vld [tilespmem:s23+$0x8060]  }
0x6c: {  	v20 =	vsub.f32 v25, v20;
	v24 =	vld [tilespmem:s23+$0x8070]  }
0x6d: {  	v21 =	vand.u32 $0x7FFFFFFF, v21;
	v22 =	vand.u32 $0x7FFFFFFF, v22;
	v19 =	vsub.f32 v26, v19;
	v25 =	vld [tilespmem:s23+$0x8080]  }
0x6e: {  	v21 =	vmax.u32 v21, v22;
	v20 =	vand.u32 $0x7FFFFFFF, v20;
	v18 =	vsub.f32 v27, v18;
	v22 =	vld [tilespmem:s23+$0x8090]  }
0x6f: {  	v20 =	vmax.u32 v21, v20;
	v19 =	vand.u32 $0x7FFFFFFF, v19;
	v17 =	vsub.f32 v28, v17;
	v21 =	vld [tilespmem:s23+$0x80A0]  }
0x70: {  	v19 =	vmax.u32 v20, v19;
	v18 =	vand.u32 $0x7FFFFFFF, v18;
	v16 =	vsub.f32 v23, v16;
	v20 =	vld [tilespmem:s23+$0x80B0]  }
0x71: {  	v18 =	vmax.u32 v19, v18;
	v17 =	vand.u32 $0x7FFFFFFF, v17;
	v15 =	vsub.f32 v24, v15;
	v19 =	vld [tilespmem:s23+$0x80C0]  }
0x72: {  	v17 =	vmax.u32 v18, v17;
	v16 =	vand.u32 $0x7FFFFFFF, v16;
	v14 =	vsub.f32 v25, v14;
	v18 =	vld [tilespmem:s23+$0x80D0]  }
0x73: {  	v16 =	vmax.u32 v17, v16;
	v15 =	vand.u32 $0x7FFFFFFF, v15;
	v13 =	vsub.f32 v22, v13;
	v17 =	vld [tilespmem:s23+$0x80E0]  }
0x74: {  	v15 =	vmax.u32 v16, v15;
	v14 =	vand.u32 $0x7FFFFFFF, v14;
	v12 =	vsub.f32 v21, v12;
	v16 =	vld [tilespmem:s23+$0x80F0]  }
0x75: {  	v14 =	vmax.u32 v15, v14;
	v13 =	vand.u32 $0x7FFFFFFF, v13;
	v11 =	vsub.f32 v20, v11  }
0x76: {  	v13 =	vmax.u32 v14, v13;
	v12 =	vand.u32 $0x7FFFFFFF, v12;
	v10 =	vsub.f32 v19, v10  }
0x77: {  	v12 =	vmax.u32 v13, v12;
	v11 =	vand.u32 $0x7FFFFFFF, v11;
	v9 =	vsub.f32 v18, v9  }
0x78: {  	v11 =	vmax.u32 v12, v11;
	v10 =	vand.u32 $0x7FFFFFFF, v10;
	v8 =	vsub.f32 v17, v8  }
0x79: {  	v10 =	vmax.u32 v11, v10;
	v9 =	vand.u32 $0x7FFFFFFF, v9;
	v7 =	vsub.f32 v16, v7  }
0x7a: {  	v9 =	vmax.u32 v10, v9;
	v8 =	vand.u32 $0x7FFFFFFF, v8  }
0x7b: {  	v8 =	vmax.u32 v9, v8;
	v7 =	vand.u32 $0x7FFFFFFF, v7  }
0x7c: {  	s22 =	sadd.s32 $0x10, s22;
	v8 =	vmax.u32 v8, v7  }
0x7d: {  	s23 =	sshra.s32 s24, $0x2;
	[tilespmem:s22+$0x0] =	vst v8;
	vm0 =	vgt.s32 v6, v8  }
0x7e: {  	v7 =	vld [tilespmem:s23+$0xF0];
	v6 =	vsel vm0, v6, v8  }
0x7f: {  	v8 =	vld [tilespmem:s23+$0xE0]  }
0x80: {  	v9 =	vld [tilespmem:s23+$0xD0]  }
0x81: {  	v10 =	vld [tilespmem:s23+$0xC0]  }
0x82: {  	v11 =	vld [tilespmem:s23+$0xB0]  }
0x83: {  	v12 =	vld [tilespmem:s23+$0xA0]  }
0x84: {  	v13 =	vld [tilespmem:s23+$0x90]  }
0x85: {  	v14 =	vld [tilespmem:s23+$0x80]  }
0x86: {  	v15 =	vld [tilespmem:s23+$0x70]  }
0x87: {  	v16 =	vld [tilespmem:s23+$0x60]  }
0x88: {  	v17 =	vld [tilespmem:s23+$0x50]  }
.Ltmp3:
0x89: {  	v18 =	vld [tilespmem:s23+$0x40];
	(pc) =	sbr.rel @p0 .LBB2_5-.Ltmp3, $4  }
0x8a: {  	v19 =	vld [tilespmem:s23+$0x30]  }
0x8b: {  	v20 =	vld [tilespmem:s23+$0x20]  }
0x8c: {  	v21 =	vld [tilespmem:s23+$0x8000]  }
0x8d: {  	s24 =	sadd.s32 $0x400, s24;
	v22 =	vld [tilespmem:s23+$0x0]  }
0x8e: {  	v23 =	vld [tilespmem:s23+$0x10]  }
0x8f: {  	v24 =	vld [tilespmem:s23+$0x8010]  }
0x90: {  	v25 =	vld [tilespmem:s23+$0x8020]  }
0x91: {  	v26 =	vld [tilespmem:s23+$0x8030]  }
0x92: {  	v27 =	vld [tilespmem:s23+$0x8040]  }
0x93: {  	v28 =	vld [tilespmem:s23+$0x8050]  }
0x94: {  	v54 =	vld [tilespmem:s23+$0x8060];
	v21 =	vsub.f32 v21, v22;
	v53 =	vsub.f32 v24, v23  }
0x95: {  	v55 =	vld [tilespmem:s23+$0x8070];
	v20 =	vsub.f32 v25, v20  }
0x96: {  	v56 =	vld [tilespmem:s23+$0x8080];
	v19 =	vsub.f32 v26, v19;
	v21 =	vand.u32 $0x7FFFFFFF, v21;
	v22 =	vand.u32 $0x7FFFFFFF, v53  }
0x97: {  	v57 =	vld [tilespmem:s23+$0x8090];
	v18 =	vsub.f32 v27, v18;
	v20 =	vand.u32 $0x7FFFFFFF, v20;
	v21 =	vmax.u32 v21, v22  }
0x98: {  	v58 =	vld [tilespmem:s23+$0x80A0];
	v17 =	vsub.f32 v28, v17;
	v19 =	vand.u32 $0x7FFFFFFF, v19;
	v20 =	vmax.u32 v21, v20  }
0x99: {  	v59 =	vld [tilespmem:s23+$0x80B0];
	v16 =	vsub.f32 v54, v16;
	v18 =	vand.u32 $0x7FFFFFFF, v18;
	v19 =	vmax.u32 v20, v19  }
0x9a: {  	v60 =	vld [tilespmem:s23+$0x80C0];
	v15 =	vsub.f32 v55, v15;
	v17 =	vand.u32 $0x7FFFFFFF, v17;
	v18 =	vmax.u32 v19, v18  }
0x9b: {  	v61 =	vld [tilespmem:s23+$0x80D0];
	v14 =	vsub.f32 v56, v14;
	v16 =	vand.u32 $0x7FFFFFFF, v16;
	v17 =	vmax.u32 v18, v17  }
0x9c: {  	v62 =	vld [tilespmem:s23+$0x80E0];
	v13 =	vsub.f32 v57, v13;
	v15 =	vand.u32 $0x7FFFFFFF, v15;
	v16 =	vmax.u32 v17, v16  }
0x9d: {  	v63 =	vld [tilespmem:s23+$0x80F0];
	v12 =	vsub.f32 v58, v12;
	v14 =	vand.u32 $0x7FFFFFFF, v14;
	v15 =	vmax.u32 v16, v15  }
0x9e: {  	v11 =	vsub.f32 v59, v11;
	v13 =	vand.u32 $0x7FFFFFFF, v13;
	v14 =	vmax.u32 v15, v14  }
0x9f: {  	v10 =	vsub.f32 v60, v10;
	v12 =	vand.u32 $0x7FFFFFFF, v12;
	v13 =	vmax.u32 v14, v13  }
0xa0: {  	v9 =	vsub.f32 v61, v9;
	v11 =	vand.u32 $0x7FFFFFFF, v11;
	v12 =	vmax.u32 v13, v12  }
0xa1: {  	v8 =	vsub.f32 v62, v8;
	v10 =	vand.u32 $0x7FFFFFFF, v10;
	v11 =	vmax.u32 v12, v11  }
0xa2: {  	v7 =	vsub.f32 v63, v7;
	v9 =	vand.u32 $0x7FFFFFFF, v9;
	v10 =	vmax.u32 v11, v10  }
0xa3: {  	v8 =	vand.u32 $0x7FFFFFFF, v8;
	v9 =	vmax.u32 v10, v9  }
0xa4: {  	v7 =	vand.u32 $0x7FFFFFFF, v7;
	v8 =	vmax.u32 v9, v8  }
0xa5: {  	v7 =	vmax.u32 v8, v7  }
0xa6: {  	s0 =	sadd.s32 $0x10, s22;
	vm0 =	vgt.s32 v6, v7  }
0xa7: {  	[tilespmem:s0+$0x0] =	vst v7;
	s0 =	simm.s32 $0x0;
	v6 =	vsel vm0, v6, v7  }
.LBB2_7:
0xa8: {  	s2 =	sshra.s32 s0, $0x2  }
0xa9: {  	v7 =	vld [tilespmem:s2+$0x12000];
	_ =	sdelay $0x4  }
0xaa: {  	v7 =	vshra.s32 v7, $0x12;
	_ =	sdelay $0x4  }
0xab: {  	[tilespmem:v7+s16+$0x0] =	vst.idx.add.s32.msk $0xffff, v0  }
0xac: {  	v7 =	vld [tilespmem:s2+$0x12010];
	_ =	sdelay $0x4  }
0xad: {  	v7 =	vshra.s32 v7, $0x12;
	_ =	sdelay $0x4  }
0xae: {  	[tilespmem:v7+s16+$0x0] =	vst.idx.add.s32.msk $0xffff, v0  }
0xaf: {  	v7 =	vld [tilespmem:s2+$0x12020];
	_ =	sdelay $0x4  }
0xb0: {  	v7 =	vshra.s32 v7, $0x12;
	_ =	sdelay $0x4  }
0xb1: {  	[tilespmem:v7+s16+$0x0] =	vst.idx.add.s32.msk $0xffff, v0  }
0xb2: {  	v7 =	vld [tilespmem:s2+$0x12030];
	_ =	sdelay $0x4  }
0xb3: {  	p0 =	sne.s32 s0, $0x1F00;
	v7 =	vshra.s32 v7, $0x12  }
.Ltmp4:
0xb4: {  	_ = 	snop;
	(pc) =	sbr.rel @p0 .LBB2_7-.Ltmp4, $2  }
0xb5: {  	_ =	sdelay $0x2  }
0xb6: {  	s0 =	sadd.s32 $0x100, s0;
	[tilespmem:v7+s16+$0x0] =	vst.idx.add.s32.msk $0xffff, v0  }
0xb7: {  	v6 =	vor.u32 $0x80000000, v6  }
0xb8: {  	(xrf0) =	vmax.scan.msk.u32 $0xffff, v6;
	_ =	sdelay $0x5  }
0xb9: {  	v6, _, _ =	vpop (xrf0)  }
0xba: {  	(v2sf) =	vpush v6, $0xF;
	_ =	sdelay $0xe  }
0xbb: {  	s0 =	spop (v2sf)  }
0xbc: {  	s22 =	sxor.u32 $0x80000000, s0  }
0xbd: {  	s31 =	sshra.s32 s22, $0x12  }
0xbe: {  	s26 =	sadd.s32 $0x0, s31  }
0xbf: {  	s2 =	sadd.s32 $0xFFFFFFF1, s26  }
0xc0: {  	p0 =	sgt.s32 s2, $0x0;
	s25 =	smov.u32 s2  }
0xc1: {  	s25 =	simm.s32 @!p0 $0x0  }
0xc2: {  	v6 =	vld [tilespmem:s25+$0x10000];
	_ =	sdelay $0x1  }
0xc3: {  	v7 =	vadd.s32 s25, v1  }
0xc4: {  	vm0 =	vle.s32 v7, s26;
	vm1 =	vge.s32 v7, s2  }
0xc5: {  	vm0 =	vmand vm0, vm1  }
0xc6: {  	v6 =	vnsel vm0, $0x0, v6  }
0xc7: {  	(xrf0) =	vadd.scan.msk.s32 $0xffff, v6;
	_ =	sdelay $0x2  }
0xc8: {  	s8 =	sadd.s32 $0xFFFFFFF0, s31  }
0xc9: {  	s9 =	sadd.s32 $0xFFFFFFF1, s8  }
0xca: {  	s29 =	smov.u32 s9;
	p0 =	sgt.s32 s9, $0x0  }
0xcb: {  	s11 =	sadd.s32 $0xFFFFFFE0, s31;
	s29 =	simm.s32 @!p0 $0x0;
	v6, _, _ =	vpop (xrf0)  }
0xcc: {  	s12 =	sadd.s32 $0xFFFFFFF1, s11;
	(v2sf) =	vpush v6, $0xF;
	v6 =	vld [tilespmem:s29+$0x10000]  }
0xcd: {  	s24 =	smov.u32 s12;
	p0 =	sgt.s32 s12, $0x0  }
0xce: {  	s24 =	simm.s32 @!p0 $0x0;
	v8 =	vadd.s32 s29, v1  }
0xcf: {  	v7 =	vld [tilespmem:s24+$0x10000];
	vm1 =	vge.s32 v8, s9;
	vm0 =	vle.s32 v8, s8  }
0xd0: {  	vm0 =	vmand vm0, vm1  }
0xd1: {  	s10 =	sadd.s32 $0xFFFFFFD0, s31;
	v8 =	vadd.s32 s24, v1;
	v6 =	vnsel vm0, $0x0, v6  }
0xd2: {  	s23 =	sadd.s32 $0xFFFFFFF1, s10;
	vm1 =	vle.s32 v8, s11;
	vm2 =	vge.s32 v8, s12;
	(xrf0) =	vadd.scan.msk.s32 $0xffff, v6  }
0xd3: {  	s28 =	smov.u32 s23;
	p0 =	sgt.s32 s23, $0x0;
	vm0 =	vmand vm1, vm2  }
0xd4: {  	s28 =	simm.s32 @!p0 $0x0;
	v6 =	vnsel vm0, $0x0, v7  }
0xd5: {  	v7 =	vadd.s32 s28, v1;
	(xrf0) =	vadd.scan.msk.s32 $0xffff, v6;
	_ =	sdelay $0x2  }
0xd6: {  	vm0 =	vle.s32 v7, s10;
	vm1 =	vge.s32 v7, s23;
	v7, _, _ =	vpop (xrf0)  }
0xd7: {  	(v2sf) =	vpush v7, $0xF  }
0xd8: {  	v6 =	vld [tilespmem:s28+$0x10000]  }
0xd9: {  	v7, _, _ =	vpop (xrf0)  }
0xda: {  	s26 =	spop (v2sf);
	(v2sf) =	vpush v7, $0xF  }
0xdb: {  	s8 =	sadd.s32 $0xFFFFFFC0, s31  }
0xdc: {  	s9 =	sadd.s32 $0xFFFFFFF1, s8;
	vm0 =	vmand vm0, vm1  }
0xdd: {  	p0 =	sgt.s32 s9, $0x0;
	s30 =	smov.u32 s9;
	v6 =	vnsel vm0, $0x0, v6  }
0xde: {  	s30 =	simm.s32 @!p0 $0x0;
	(xrf0) =	vadd.scan.msk.s32 $0xffff, v6  }
0xdf: {  	p1 =	por $0x1, $0x1;
	s0 =	simm.s32 $0x0;
	v6 =	vld [tilespmem:s30+$0x10000];
	s26 =	sadd.s32 $0x0, s26  }
0xe0: {  	s2 =	simm.s32 $0x0;
	s11 =	sadd.s32 $0xFFFFFFB0, s31;
	v8 =	vadd.s32 s30, v1;
	p6 =	sgt.s32 s26, $0x31  }
0xe1: {  	s12 =	simm.s32 $0xFFFFFFA0;
	s23 =	simm.s32 $0x0;
	vm1 =	vge.s32 v8, s9;
	vm0 =	vle.s32 v8, s8;
	p0 =	por !p1, !p6  }
.LBB2_9:
0xe2: {  	p1 =	sne.s32 s12, $0xFFFFFE90;
	s8 =	sadd.s32 $0xFFFFFFF1, s11  }
0xe3: {  	vm0 =	vmand vm0, vm1;
	p0 =	por !p0, !p0;
	s9 =	smov.u32 s26;
	p2 =	sgt.s32 s8, $0x0  }
0xe4: {  	v6 =	vnsel vm0, $0x0, v6;
	v7, _, _ =	vpop (xrf0);
	s23 =	smov.u32 @p0 s25;
	s2 =	smov.u32 @p0 s0;
	s0 =	smov.u32 s8  }
.Ltmp5:
0xe5: {  	s25 =	smov.u32 s29;
	s0 =	simm.s32 @!p2 $0x0;
	(xrf0) =	vadd.scan.msk.s32 $0xffff, v6;
	(v2sf) =	vpush v7, $0xF;
	(pc) =	sbr.rel @p1 .LBB2_9-.Ltmp5, $4  }
0xe6: {  	s29 =	smov.u32 s24;
	s24 =	smov.u32 s28;
	v6 =	vld [tilespmem:s0+$0x10000];
	s10 =	spop (v2sf)  }
0xe7: {  	s28 =	smov.u32 s30;
	s30 =	smov.u32 s0;
	s26 =	sadd.s32 s26, s10  }
0xe8: {  	p2 =	slt.s32 s9, $0x32;
	s0 =	smov.u32 s9;
	v7 =	vadd.s32 s30, v1;
	p0 =	sgt.s32 s26, $0x31  }
0xe9: {  	vm0 =	vle.s32 v7, s11;
	s11 =	sadd.s32 s12, s31;
	s12 =	sadd.s32 $0xFFFFFFF0, s12;
	vm1 =	vge.s32 v7, s8;
	p0 =	por !p2, !p0  }
0xea: {  	s8 =	sadd.s32 $0xFFFFFFF1, s11  }
0xeb: {  	p1 =	sgt.s32 s8, $0x0;
	s9 =	smov.u32 s8  }
0xec: {  	s9 =	simm.s32 @!p1 $0x0  }
0xed: {  	v7 =	vld [tilespmem:s9+$0x10000];
	_ =	sdelay $0x1  }
0xee: {  	vm0 =	vmand vm0, vm1;
	v8 =	vadd.s32 s9, v1  }
0xef: {  	v6 =	vnsel vm0, $0x0, v6;
	vm10 =	vle.s32 v8, s11;
	vm2 =	vge.s32 v8, s8  }
0xf0: {  	(xrf0) =	vadd.scan.msk.s32 $0xffff, v6;
	vm11 =	vmand vm10, vm2  }
0xf1: {  	v6 =	vnsel vm11, $0x0, v7  }
0xf2: {  	(xrf0) =	vadd.scan.msk.s32 $0xffff, v6;
	_ =	sdelay $0x2  }
0xf3: {  	v6, _, _ =	vpop (xrf0)  }
0xf4: {  	v7, _, _ =	vpop (xrf0);
	(v2sf) =	vpush v6, $0xF  }
0xf5: {  	(v2sf) =	vpush v7, $0xF  }
0xf6: {  	v6, _, _ =	vpop (xrf0)  }
0xf7: {  	(v2sf) =	vpush v6, $0xF;
	_ =	sdelay $0x5  }
0xf8: {  	s12 =	spop (v2sf)  }
0xf9: {  	s8 =	sadd.s32 s26, s12  }
0xfa: {  	p2 =	slt.s32 s26, $0x32;
	p4 =	sgt.s32 s8, $0x31  }
0xfb: {  	p0 =	por !p0, !p0;
	p1 =	por !p2, !p4;
	s10 =	spop (v2sf)  }
0xfc: {  	s23 =	smov.u32 @p0 s25;
	p1 =	por !p1, !p1;
	s10 =	sadd.s32 s8, s10  }
0xfd: {  	p3 =	slt.s32 s8, $0x32;
	s23 =	smov.u32 @p1 s29;
	p5 =	sgt.s32 s10, $0x31  }
0xfe: {  	p2 =	por !p3, !p5;
	p5 =	slt.s32 s10, $0x32;
	s29 =	spop (v2sf)  }
0xff: {  	p2 =	por !p2, !p2;
	s11 =	sadd.s32 s10, s29;
	s12 =	spop (v2sf)  }
0x100: {  	s23 =	smov.u32 @p2 s24;
	s12 =	sadd.s32 s11, s12;
	p6 =	sgt.s32 s11, $0x31  }
0x101: {  	p3 =	por !p5, !p6;
	p5 =	sgt.s32 s12, $0x31;
	s31 =	spop (v2sf)  }
0x102: {  	p6 =	slt.s32 s11, $0x32;
	p3 =	por !p3, !p3;
	s29 =	sadd.s32 s12, s31  }
0x103: {  	p5 =	por !p6, !p5;
	p6 =	slt.s32 s12, $0x32;
	p4 =	sgt.s32 s29, $0x31  }
0x104: {  	s23 =	smov.u32 @p3 s28;
	p5 =	por !p5, !p5;
	p4 =	por !p6, !p4  }
0x105: {  	s23 =	smov.u32 @p5 s30;
	p4 =	por !p4, !p4  }
0x106: {  	s23 =	smov.u32 @p4 s9  }
0x107: {  	v6 =	vld [tilespmem:s23+$0x10000];
	_ =	sdelay $0x4  }
0x108: {  	(v2sf) =	vpush v6, $0xF  }
0x109: {  	(v2sf) =	vpush v6, $0xE;
	_ =	sdelay $0x3  }
0x10a: {  	(v2sf) =	vpush v6, $0xD;
	_ =	sdelay $0x2  }
0x10b: {  	(v2sf) =	vpush v6, $0xC;
	_ =	sdelay $0x1  }
0x10c: {  	s2 =	smov.u32 @p0 s0  }
0x10d: {  	s2 =	smov.u32 @p1 s26;
	(v2sf) =	vpush v6, $0xB  }
0x10e: {  	s2 =	smov.u32 @p2 s8  }
0x10f: {  	s2 =	smov.u32 @p3 s10  }
0x110: {  	s2 =	smov.u32 @p5 s11;
	(v2sf) =	vpush v6, $0xA  }
0x111: {  	s2 =	smov.u32 @p4 s12;
	s30 =	spop (v2sf)  }
0x112: {  	s0 =	sadd.s32 s2, s30;
	s31 =	spop (v2sf)  }
0x113: {  	(v2sf) =	vpush v6, $0x9;
	s2 =	sadd.s32 s31, s0  }
0x114: {  	s8 =	sadd.s32 $0xE, s23;
	p0 =	sgt.s32 s2, $0x31  }
0x115: {  	s24 =	sadd.s32 $0xF, s23;
	p1 =	slt.s32 s0, $0x32;
	s8 =	simm.s32 @!p0 $0xFFFFFFFF  }
0x116: {  	(v2sf) =	vpush v6, $0x8;
	s24 =	smov.u32 @p1 s8;
	s8 =	spop (v2sf)  }
0x117: {  	s0 =	sadd.s32 s8, s2  }
0x118: {  	p0 =	slt.s32 s24, $0x0;
	s2 =	sadd.s32 $0xD, s23;
	s8 =	smov.u32 s24  }
0x119: {  	(v2sf) =	vpush v6, $0x7;
	s9 =	spop (v2sf);
	p1 =	sgt.s32 s0, $0x31;
	s8 =	smov.u32 @p0 s2  }
0x11a: {  	s0 =	sadd.s32 s9, s0;
	s24 =	smov.u32 @p1 s8  }
0x11b: {  	s2 =	sadd.s32 $0xC, s23;
	p0 =	slt.s32 s24, $0x0;
	s8 =	smov.u32 s24  }
0x11c: {  	(v2sf) =	vpush v6, $0x6;
	s10 =	spop (v2sf);
	p1 =	sgt.s32 s0, $0x31;
	s8 =	smov.u32 @p0 s2  }
0x11d: {  	s0 =	sadd.s32 s10, s0;
	s24 =	smov.u32 @p1 s8  }
0x11e: {  	s2 =	sadd.s32 $0xB, s23;
	p0 =	slt.s32 s24, $0x0;
	s8 =	smov.u32 s24  }
0x11f: {  	(v2sf) =	vpush v6, $0x5;
	s11 =	spop (v2sf);
	p1 =	sgt.s32 s0, $0x31;
	s8 =	smov.u32 @p0 s2  }
0x120: {  	s0 =	sadd.s32 s11, s0;
	s24 =	smov.u32 @p1 s8  }
0x121: {  	s2 =	sadd.s32 $0xA, s23;
	p0 =	slt.s32 s24, $0x0;
	s8 =	smov.u32 s24  }
0x122: {  	p1 =	sgt.s32 s0, $0x31;
	s12 =	spop (v2sf);
	(v2sf) =	vpush v6, $0x4;
	s8 =	smov.u32 @p0 s2  }
0x123: {  	s0 =	sadd.s32 s12, s0;
	s24 =	smov.u32 @p1 s8  }
0x124: {  	s2 =	sadd.s32 $0x9, s23;
	p0 =	slt.s32 s24, $0x0;
	s8 =	smov.u32 s24  }
0x125: {  	s25 =	spop (v2sf);
	(v2sf) =	vpush v6, $0x3;
	p1 =	sgt.s32 s0, $0x31;
	s8 =	smov.u32 @p0 s2  }
0x126: {  	s0 =	sadd.s32 s25, s0;
	s24 =	smov.u32 @p1 s8  }
0x127: {  	s2 =	sadd.s32 $0x8, s23;
	p0 =	slt.s32 s24, $0x0;
	s8 =	smov.u32 s24  }
0x128: {  	p1 =	sgt.s32 s0, $0x31;
	s26 =	spop (v2sf);
	(v2sf) =	vpush v6, $0x2;
	s8 =	smov.u32 @p0 s2  }
0x129: {  	s0 =	sadd.s32 s26, s0;
	s24 =	smov.u32 @p1 s8  }
0x12a: {  	s2 =	sadd.s32 $0x7, s23;
	p0 =	slt.s32 s24, $0x0;
	s8 =	smov.u32 s24  }
0x12b: {  	s28 =	spop (v2sf);
	(v2sf) =	vpush v6, $0x1;
	p1 =	sgt.s32 s0, $0x31;
	s8 =	smov.u32 @p0 s2  }
0x12c: {  	s0 =	sadd.s32 s28, s0;
	s24 =	smov.u32 @p1 s8  }
0x12d: {  	s2 =	sadd.s32 $0x6, s23;
	p0 =	slt.s32 s24, $0x0;
	s8 =	smov.u32 s24  }
0x12e: {  	s29 =	spop (v2sf);
	p1 =	sgt.s32 s0, $0x31;
	s8 =	smov.u32 @p0 s2  }
0x12f: {  	s0 =	sadd.s32 s29, s0;
	s24 =	smov.u32 @p1 s8  }
0x130: {  	s2 =	sadd.s32 $0x5, s23;
	p0 =	slt.s32 s24, $0x0;
	s8 =	smov.u32 s24  }
0x131: {  	(v2sf) =	vpush v6, $0x0;
	p1 =	sgt.s32 s0, $0x31;
	s30 =	spop (v2sf);
	s8 =	smov.u32 @p0 s2  }
0x132: {  	s0 =	sadd.s32 s30, s0;
	s24 =	smov.u32 @p1 s8  }
0x133: {  	s2 =	sadd.s32 $0x4, s23;
	p0 =	slt.s32 s24, $0x0;
	s8 =	smov.u32 s24  }
0x134: {  	s31 =	spop (v2sf);
	p1 =	sgt.s32 s0, $0x31;
	s8 =	smov.u32 @p0 s2  }
0x135: {  	s0 =	sadd.s32 s31, s0;
	s24 =	smov.u32 @p1 s8  }
0x136: {  	s2 =	sadd.s32 $0x3, s23;
	p0 =	slt.s32 s24, $0x0;
	s8 =	smov.u32 s24  }
0x137: {  	p1 =	sgt.s32 s0, $0x31;
	s9 =	spop (v2sf);
	s8 =	smov.u32 @p0 s2  }
0x138: {  	s0 =	sadd.s32 s9, s0;
	s24 =	smov.u32 @p1 s8  }
0x139: {  	s2 =	sadd.s32 $0x2, s23;
	p0 =	slt.s32 s24, $0x0;
	s8 =	smov.u32 s24  }
0x13a: {  	s10 =	spop (v2sf);
	p1 =	sgt.s32 s0, $0x31;
	s8 =	smov.u32 @p0 s2  }
0x13b: {  	s0 =	sadd.s32 s10, s0;
	s24 =	smov.u32 @p1 s8  }
0x13c: {  	s2 =	sadd.s32 $0x1, s23;
	p0 =	slt.s32 s24, $0x0;
	s8 =	smov.u32 s24  }
0x13d: {  	p1 =	sgt.s32 s0, $0x31;
	s8 =	smov.u32 @p0 s2  }
0x13e: {  	s24 =	smov.u32 @p1 s8  }
0x13f: {  	s12 =	simm.s32 $0x12020;
	p1 =	sgt.s32 s24, $0x0  }
0x140: {  	s11 =	spop (v2sf);
	p0 =	slt.s32 s24, $0x0;
	s24 =	simm.s32 @!p1 $0x0  }
0x141: {  	v7 =	vld [tilespmem:s12+$0xFFFFFFE0];
	s0 =	sadd.s32 s11, s0;
	s2 =	smov.u32 s24  }
0x142: {  	p1 =	sgt.s32 s0, $0x31;
	s2 =	smov.u32 @p0 s23  }
0x143: {  	s24 =	smov.u32 @p1 s2  }
0x144: {  	s24 =	sshll.u32 s24, $0x12  }
0x145: {  	p0 =	por $0x1, $0x1;
	s2 =	simm.s32 $0x0;
	v6 =	vmov s24  }
0x146: {  	v8 =	vor.u32 s2, v1;
	s2 =	simm.s32 @!p0 $0x100;
	vm12 =	vge.s32 v7, v6  }
0x147: {  	[tilespmem:s2+$0x12880] =	vst.msk vm12, v8;
	v7 =	vmpcnt.ones.xlane vm12  }
0x148: {  	v8 =	vld [tilespmem:s12+$0xFFFFFFF0]  }
0x149: {  	(v2sf) =	vpush v7, $0x0;
	_ =	sdelay $0x3  }
0x14a: {  	vm13 =	vge.s32 v8, v6  }
0x14b: {  	v7 =	vmpcnt.ones.xlane vm13;
	_ =	sdelay $0x1  }
0x14c: {  	(v2sf) =	vpush v7, $0x0;
	_ =	sdelay $0x7  }
0x14d: {  	s25 =	spop (v2sf)  }
0x14e: {  	s0 =	sadd.s32 $0x0, s25  }
0x14f: {  	s26 =	simm.s32 $0x10;
	p0 =	slt.s32 s0, $0x100;
	s9 =	smov.u32 s0  }
0x150: {  	v7 =	vor.u32 s26, v1;
	s9 =	simm.s32 @!p0 $0x100  }
0x151: {  	[tilespmem:s9+$0x12880] =	vst.msk vm13, v7  }
0x152: {  	v7 =	vld [tilespmem:s12+$0x0];
	_ =	sdelay $0x1  }
0x153: {  	s28 =	spop (v2sf)  }
0x154: {  	s0 =	sadd.s32 s0, s28  }
0x155: {  	s29 =	simm.s32 $0x20;
	p0 =	slt.s32 s0, $0x100;
	s9 =	smov.u32 s0  }
0x156: {  	vm14 =	vge.s32 v7, v6;
	s9 =	simm.s32 @!p0 $0x100;
	v7 =	vor.u32 s29, v1  }
0x157: {  	[tilespmem:s9+$0x12880] =	vst.msk vm14, v7  }
0x158: {  	v8 =	vmpcnt.ones.xlane vm14;
	v7 =	vld [tilespmem:s12+$0x10];
	_ =	sdelay $0x1  }
0x159: {  	(v2sf) =	vpush v8, $0x0;
	_ =	sdelay $0x2  }
0x15a: {  	vm15 =	vge.s32 v7, v6  }
0x15b: {  	v7 =	vmpcnt.ones.xlane vm15;
	_ =	sdelay $0x1  }
0x15c: {  	(v2sf) =	vpush v7, $0x0;
	_ =	sdelay $0x8  }
0x15d: {  	s30 =	spop (v2sf)  }
0x15e: {  	s0 =	sadd.s32 s0, s30  }
0x15f: {  	s31 =	simm.s32 $0x30;
	p0 =	slt.s32 s0, $0x100;
	s8 =	smov.u32 s0  }
0x160: {  	v7 =	vor.u32 s31, v1;
	s8 =	simm.s32 @!p0 $0x100  }
0x161: {  	s24 =	simm.s32 $0x12060;
	[tilespmem:s8+$0x12880] =	vst.msk vm15, v7  }
0x162: {  	v7 =	vld [tilespmem:s24+$0xFFFFFFE0]  }
0x163: {  	s23 =	simm.s32 $0x40;
	s2 =	simm.s32 $0x80;
	s11 =	spop (v2sf)  }
.LBB2_11:
0x164: {  	p0 =	sne.s32 s2, $0x7C0  }
0x165: {  	s0 =	sadd.s32 s0, s11;
	s25 =	smov.u32 s2;
	s2 =	sadd.s32 $0x40, s2  }
0x166: {  	p1 =	slt.s32 s0, $0x100;
	s8 =	smov.u32 s0  }
0x167: {  	vm0 =	vge.s32 v7, v6;
	s8 =	simm.s32 @!p1 $0x100;
	v7 =	vor.u32 s23, v1  }
0x168: {  	[tilespmem:s8+$0x12880] =	vst.msk vm0, v7;
	v7 =	vmpcnt.ones.xlane vm0  }
0x169: {  	v8 =	vld [tilespmem:s24+$0xFFFFFFF0]  }
0x16a: {  	(v2sf) =	vpush v7, $0x0;
	_ =	sdelay $0x3  }
0x16b: {  	vm0 =	vge.s32 v8, v6  }
0x16c: {  	v7 =	vmpcnt.ones.xlane vm0;
	_ =	sdelay $0x1  }
0x16d: {  	(v2sf) =	vpush v7, $0x0;
	_ =	sdelay $0x7  }
0x16e: {  	s8 =	spop (v2sf)  }
0x16f: {  	s0 =	sadd.s32 s0, s8  }
0x170: {  	s8 =	sadd.s32 $0x10, s23;
	p1 =	slt.s32 s0, $0x100;
	s9 =	smov.u32 s0  }
0x171: {  	v7 =	vor.u32 s8, v1;
	s9 =	simm.s32 @!p1 $0x100  }
0x172: {  	[tilespmem:s9+$0x12880] =	vst.msk vm0, v7  }
0x173: {  	v7 =	vld [tilespmem:s24+$0x0];
	_ =	sdelay $0x1  }
0x174: {  	s8 =	spop (v2sf)  }
0x175: {  	s0 =	sadd.s32 s0, s8  }
0x176: {  	s8 =	sadd.s32 $0x20, s23;
	p1 =	slt.s32 s0, $0x100;
	s9 =	smov.u32 s0  }
0x177: {  	vm0 =	vge.s32 v7, v6;
	s9 =	simm.s32 @!p1 $0x100;
	v7 =	vor.u32 s8, v1  }
0x178: {  	[tilespmem:s9+$0x12880] =	vst.msk vm0, v7;
	v7 =	vmpcnt.ones.xlane vm0  }
0x179: {  	v8 =	vld [tilespmem:s24+$0x10]  }
0x17a: {  	(v2sf) =	vpush v7, $0x0;
	_ =	sdelay $0x3  }
0x17b: {  	vm0 =	vge.s32 v8, v6  }
0x17c: {  	v7 =	vmpcnt.ones.xlane vm0;
	_ =	sdelay $0x1  }
0x17d: {  	(v2sf) =	vpush v7, $0x0;
	_ =	sdelay $0x7  }
0x17e: {  	s8 =	spop (v2sf)  }
0x17f: {  	s0 =	sadd.s32 s0, s8;
	s8 =	sadd.s32 $0x30, s23  }
0x180: {  	s23 =	smov.u32 s25;
	p1 =	slt.s32 s0, $0x100;
	s9 =	smov.u32 s0  }
.Ltmp6:
0x181: {  	v7 =	vor.u32 s8, v1;
	s9 =	simm.s32 @!p1 $0x100;
	(pc) =	sbr.rel @p0 .LBB2_11-.Ltmp6, $3  }
0x182: {  	s24 =	sadd.s32 $0x40, s24;
	[tilespmem:s9+$0x12880] =	vst.msk vm0, v7  }
0x183: {  	v7 =	vld [tilespmem:s24+$0xFFFFFFE0];
	_ =	sdelay $0x1  }
0x184: {  	s11 =	spop (v2sf)  }
0x185: {  	_ =	sdelay $0x1  }
0x186: {  	vm0 =	vge.s32 v7, v6  }
0x187: {  	v7 =	vmpcnt.ones.xlane vm0;
	_ =	sdelay $0x1  }
0x188: {  	(v2sf) =	vpush v7, $0x0;
	_ =	sdelay $0x8  }
0x189: {  	s0 =	sadd.s32 s0, s11  }
0x18a: {  	p0 =	slt.s32 s0, $0x100;
	s2 =	smov.u32 s0  }
0x18b: {  	s2 =	simm.s32 @!p0 $0x100;
	v7 =	vor.u32 s23, v1  }
0x18c: {  	[tilespmem:s2+$0x12880] =	vst.msk vm0, v7  }
0x18d: {  	v7 =	vld [tilespmem:s24+$0xFFFFFFF0];
	_ =	sdelay $0x1  }
0x18e: {  	s12 =	spop (v2sf)  }
0x18f: {  	s0 =	sadd.s32 s0, s12  }
0x190: {  	s25 =	sadd.s32 $0x10, s23;
	p0 =	slt.s32 s0, $0x100;
	s8 =	smov.u32 s0  }
0x191: {  	vm13 =	vge.s32 v7, v6;
	v7 =	vor.u32 s25, v1;
	s8 =	simm.s32 @!p0 $0x100  }
0x192: {  	[tilespmem:s8+$0x12880] =	vst.msk vm13, v7;
	v7 =	vmpcnt.ones.xlane vm13  }
0x193: {  	v8 =	vld [tilespmem:s24+$0x0]  }
0x194: {  	(v2sf) =	vpush v7, $0x0;
	_ =	sdelay $0x3  }
0x195: {  	vm14 =	vge.s32 v8, v6  }
0x196: {  	v7 =	vmpcnt.ones.xlane vm14;
	_ =	sdelay $0x1  }
0x197: {  	(v2sf) =	vpush v7, $0x0;
	_ =	sdelay $0x7  }
0x198: {  	s26 =	spop (v2sf)  }
0x199: {  	s0 =	sadd.s32 s0, s26  }
0x19a: {  	s28 =	sadd.s32 $0x20, s23;
	p0 =	slt.s32 s0, $0x100;
	s8 =	smov.u32 s0  }
0x19b: {  	v7 =	vor.u32 s28, v1;
	s8 =	simm.s32 @!p0 $0x100  }
0x19c: {  	[tilespmem:s8+$0x12880] =	vst.msk vm14, v7  }
0x19d: {  	v7 =	vld [tilespmem:s24+$0x10];
	_ =	sdelay $0x1  }
0x19e: {  	s29 =	spop (v2sf)  }
0x19f: {  	s0 =	sadd.s32 s0, s29  }
0x1a0: {  	s30 =	sadd.s32 $0x30, s23;
	p0 =	slt.s32 s0, $0x100;
	s8 =	smov.u32 s0  }
0x1a1: {  	vm15 =	vge.s32 v7, v6;
	s8 =	simm.s32 @!p0 $0x100;
	v7 =	vor.u32 s30, v1  }
0x1a2: {  	[tilespmem:s8+$0x12880] =	vst.msk vm15, v7;
	v7 =	vmpcnt.ones.xlane vm15;
	_ =	sdelay $0x1  }
0x1a3: {  	(v2sf) =	vpush v7, $0x0;
	_ =	sdelay $0x2  }
0x1a4: {  	[tilespmem:$0x12A00] =	vst v2  }
0x1a5: {  	[tilespmem:$0x12B00] =	vst v3  }
0x1a6: {  	[tilespmem:$0x12A10] =	vst v2  }
0x1a7: {  	[tilespmem:$0x12B10] =	vst v3  }
0x1a8: {  	[tilespmem:$0x12A20] =	vst v2  }
0x1a9: {  	[tilespmem:$0x12B20] =	vst v3  }
0x1aa: {  	[tilespmem:$0x12A30] =	vst v2  }
0x1ab: {  	[tilespmem:$0x12B30] =	vst v3  }
0x1ac: {  	[tilespmem:$0x12A40] =	vst v2  }
0x1ad: {  	[tilespmem:$0x12B40] =	vst v3  }
0x1ae: {  	[tilespmem:$0x12A50] =	vst v2  }
0x1af: {  	[tilespmem:$0x12B50] =	vst v3  }
0x1b0: {  	[tilespmem:$0x12A60] =	vst v2;
	s31 =	spop (v2sf)  }
0x1b1: {  	[tilespmem:$0x12B60] =	vst v3;
	s0 =	sadd.s32 s0, s31  }
0x1b2: {  	[tilespmem:$0x12A70] =	vst v2;
	p0 =	slt.s32 s0, $0x1  }
.Ltmp7:
0x1b3: {  	[tilespmem:$0x12B70] =	vst v3;
	(pc) =	sbr.rel @p0 .LBB2_19-.Ltmp7, $4  }
0x1b4: {  	[tilespmem:$0x12A80] =	vst v2  }
0x1b5: {  	[tilespmem:$0x12B80] =	vst v3  }
0x1b6: {  	[tilespmem:$0x12A90] =	vst v2  }
0x1b7: {  	[tilespmem:$0x12B90] =	vst v3  }
0x1b8: {  	s0 =	smin.u32 s0, $0x100  }
0x1b9: {  	p1 =	sne.s32 s0, $0x1  }
.Ltmp8:
0x1ba: {  	_ = 	snop;
	(pc) =	sbr.rel @!p1 .LBB2_14-.Ltmp8, $3  }
0x1bb: {  	_ =	sdelay $0x1  }
0x1bc: {  	s2 =	simm.s32 $0x12880  }
0x1bd: {  	s23 =	simm.s32 $0x0;
	p0 =	por $0x0, $0x0;
	v7 =	vld [tilespmem:s2+$0x0];
	s2 =	sadd.s32 $0xFFFFFFFF, s0  }
0x1be: {  	_ =	sdelay $0x3  }
0x1bf: {  	(v2sf) =	vpush v7, $0x0;
	_ =	sdelay $0xe  }
0x1c0: {  	s0 =	spop (v2sf)  }
0x1c1: {  	p0 =	sgt.s32 s0, $0x0  }
0x1c2: {  	s0 =	simm.s32 @!p0 $0x0  }
0x1c3: {  	s0 =	smin.u32 s0, $0x7FF  }
0x1c4: {  	s8 =	sshll.u32 s0, $0x4  }
0x1c5: {  	s0 =	sand.u32 $0xF, s0;
	s8 =	sand.u32 $0x7F00, s8  }
0x1c6: {  	s0 =	sor.u32 s0, s8  }
0x1c7: {  	v7 =	vor.u32 s0, v4;
	_ =	sdelay $0x4  }
0x1c8: {  	v8 =	vld.idx.msk [tilespmem:v7+s4+$0x0], $0xffff  }
0x1c9: {  	v9 =	vld.idx.msk [tilespmem:v7+s13+$0x0], $0xffff;
	_ =	sdelay $0x4  }
0x1ca: {  	v10 =	vsub.f32 v9, v8;
	_ =	sdelay $0x1  }
0x1cb: {  	p0 =	por $0x1, $0x1;
	s0 =	simm.s32 $0x0;
	v10 =	vand.u32 $0x7FFFFFFF, v10  }
0x1cc: {  	s0 =	simm.s32 @!p0 $0x90;
	vm0 =	vle.s32 v6, v10  }
0x1cd: {  	[tilespmem:s0+$0x12A00] =	vst.msk vm0, v10  }
0x1ce: {  	p1 =	sne.s32 s2, $0x1;
	[tilespmem:s0+$0x12B00] =	vst.msk vm0, v7;
	v7 =	vmpcnt.ones.xlane vm0  }
.Ltmp9:
0x1cf: {  	_ = 	snop;
	(pc) =	sbr.rel @!p1 .LBB2_16-.Ltmp9, $4  }
0x1d0: {  	[tilespmem:s0+$0x12C00] =	vst.msk vm0, v8;
	(v2sf) =	vpush v7, $0x0  }
0x1d1: {  	[tilespmem:s0+$0x12D00] =	vst.msk vm0, v9;
	s0 =	simm.s32 $0x12881  }
0x1d2: {  	v7 =	vld [tilespmem:s0+$0x0]  }
0x1d3: {  	s24 =	sadd.s32 $0xFFFFFFFF, s2;
	s2 =	simm.s32 $0x0;
	p0 =	por $0x1, $0x1  }
.LBB2_17:
0x1d4: {  	p1 =	sne.s32 s24, $0x1;
	_ =	sdelay $0x2  }
0x1d5: {  	(v2sf) =	vpush v7, $0x0;
	_ =	sdelay $0x7  }
0x1d6: {  	s8 =	spop (v2sf)  }
0x1d7: {  	s2 =	sadd.s32 s2, s8  }
0x1d8: {  	p2 =	slt.s32 s2, $0x90;
	s8 =	smov.u32 s2  }
0x1d9: {  	s8 =	simm.s32 @!p2 $0x90;
	_ =	sdelay $0x3  }
0x1da: {  	s9 =	spop (v2sf)  }
0x1db: {  	p2 =	sgt.s32 s9, $0x0  }
0x1dc: {  	s9 =	simm.s32 @!p2 $0x0  }
0x1dd: {  	s9 =	smin.u32 s9, $0x7FF  }
0x1de: {  	s10 =	sshll.u32 s9, $0x4  }
0x1df: {  	s9 =	sand.u32 $0xF, s9;
	s10 =	sand.u32 $0x7F00, s10  }
0x1e0: {  	s9 =	sor.u32 s9, s10  }
0x1e1: {  	v7 =	vor.u32 s9, v4;
	_ =	sdelay $0x4  }
0x1e2: {  	v8 =	vld.idx.msk [tilespmem:v7+s4+$0x0], $0xffff  }
0x1e3: {  	v9 =	vld.idx.msk [tilespmem:v7+s13+$0x0], $0xffff;
	_ =	sdelay $0x5  }
0x1e4: {  	v10 =	vsub.f32 v9, v8;
	_ =	sdelay $0x1  }
0x1e5: {  	v10 =	vand.u32 $0x7FFFFFFF, v10  }
0x1e6: {  	vm0 =	vle.s32 v6, v10  }
0x1e7: {  	[tilespmem:s8+$0x12A00] =	vst.msk vm0, v10;
	v10 =	vmpcnt.ones.xlane vm0  }
.Ltmp10:
0x1e8: {  	[tilespmem:s8+$0x12B00] =	vst.msk vm0, v7;
	(pc) =	sbr.rel @p1 .LBB2_17-.Ltmp10, $4  }
0x1e9: {  	[tilespmem:s8+$0x12C00] =	vst.msk vm0, v8;
	(v2sf) =	vpush v10, $0x0  }
0x1ea: {  	s0 =	sadd.s32 $0x1, s0;
	[tilespmem:s8+$0x12D00] =	vst.msk vm0, v9  }
0x1eb: {  	v7 =	vld [tilespmem:s0+$0x0]  }
0x1ec: {  	s24 =	sadd.s32 $0xFFFFFFFF, s24  }
.LBB2_18:
0x1ed: {  	_ =	sdelay $0x2  }
0x1ee: {  	(v2sf) =	vpush v7, $0x0;
	_ =	sdelay $0xd  }
0x1ef: {  	s0 =	spop @p0 (v2sf)  }
0x1f0: {  	s8 =	spop (v2sf)  }
0x1f1: {  	p1 =	sgt.s32 s8, $0x0  }
0x1f2: {  	s8 =	simm.s32 @!p1 $0x0  }
0x1f3: {  	s8 =	smin.u32 s8, $0x7FF  }
0x1f4: {  	s9 =	sshll.u32 s8, $0x4  }
0x1f5: {  	s8 =	sand.u32 $0xF, s8;
	s9 =	sand.u32 $0x7F00, s9  }
0x1f6: {  	s8 =	sor.u32 s8, s9  }
0x1f7: {  	v7 =	vor.u32 s8, v4;
	_ =	sdelay $0x4  }
0x1f8: {  	v8 =	vld.idx.msk [tilespmem:v7+s4+$0x0], $0xffff  }
0x1f9: {  	v9 =	vld.idx.msk [tilespmem:v7+s13+$0x0], $0xffff;
	_ =	sdelay $0x4  }
0x1fa: {  	v10 =	vsub.f32 v9, v8;
	_ =	sdelay $0x1  }
0x1fb: {  	v10 =	vand.u32 $0x7FFFFFFF, v10  }
0x1fc: {  	vm0 =	vle.s32 v6, v10  }
0x1fd: {  	v11 =	vmpcnt.ones.xlane vm0;
	_ =	sdelay $0x1  }
0x1fe: {  	(v2sf) =	vpush v11, $0x0;
	_ =	sdelay $0x7  }
0x1ff: {  	s0 =	sadd.s32 @p0 s2, s0  }
0x200: {  	s23 =	smov.u32 @p0 s0  }
0x201: {  	p0 =	slt.s32 s23, $0x90  }
0x202: {  	s23 =	simm.s32 @!p0 $0x90  }
0x203: {  	[tilespmem:s23+$0x12A00] =	vst.msk vm0, v10  }
0x204: {  	[tilespmem:s23+$0x12B00] =	vst.msk vm0, v7  }
0x205: {  	[tilespmem:s23+$0x12C00] =	vst.msk vm0, v8  }
0x206: {  	[tilespmem:s23+$0x12D00] =	vst.msk vm0, v9;
	s31 =	spop (v2sf)  }
.LBB2_19:
0x207: {  	s0 =	sadd.s32 s7, s21;
	p0 =	seq.s32 s21, $0xB  }
0x208: {  	s2 =	sadd.s32 @!p0 $0x1, s0  }
0x209: {  	s8 =	sshll.u32 @!p0 s2, $0xC;
	s2 =	sshll.u32 @!p0 s2, $0x4  }
0x20a: {  	s8 =	sand.u32 @!p0 $0xFFF8000, s8;
	s2 =	sand.u32 @!p0 $0x70, s2  }
0x20b: {  	s9 =	simm.s32 @!p0 $0x80;
	s2 =	sor.u32 @!p0 s2, s8  }
0x20c: {  	s10 =	simm.s32 @!p0 $0x400;
	s11 =	simm.s32 @!p0 $0x0;
	s8 =	sadd.s32 @!p0 s1, s2  }
0x20d: {  	[tilespmem:s11], [sflag:$0x1] =	stream.strided.gather @!p0 [hbm4b:s8+s9], $0x8000, s10, s9, $0x38;
	[tilespmem:$0x12F00] =	vst v63  }
0x20e: {  	s2 =	sadd.s32 @!p0 s3, s2;
	s8 =	simm.s32 @!p0 $0x8000  }
0x20f: {  	[tilespmem:s8], [sflag:$0x2] =	stream.strided.gather @!p0 [hbm4b:s2+s9], $0x8000, s10, s9, $0x38;
	[tilespmem:$0x12F00] =	vst v63  }
0x210: {  	v7 =	vld [tilespmem:$0x12A00]  }
0x211: {  	v8 =	vld [tilespmem:$0x12A10]  }
0x212: {  	v9 =	vld [tilespmem:$0x12A20]  }
0x213: {  	v10 =	vld [tilespmem:$0x12A30]  }
0x214: {  	v11 =	vld [tilespmem:$0x12A40]  }
0x215: {  	v12 =	vld [tilespmem:$0x12A50]  }
0x216: {  	v13 =	vld [tilespmem:$0x12A60]  }
0x217: {  	v14 =	vld [tilespmem:$0x12A70]  }
0x218: {  	v17 =	vmov s22;
	v15 =	vld [tilespmem:$0x12A80]  }
0x219: {  	s22 =	sshll.u32 s0, $0x4;
	v18 =	vsub.s32 v17, v6;
	s0 =	simm.s32 $0x1B;
	v16 =	vld [tilespmem:$0x12A90]  }
.LBB2_20:
0x21a: {  	p0 =	sne.s32 s0, $0x1;
	v18 =	vadd.s32 $0x1, v18  }
0x21b: {  	v18 =	vshrl.u32 v18, $0x1  }
0x21c: {  	v18 =	vadd.s32 v6, v18  }
0x21d: {  	vm0 =	vge.s32 v7, v18;
	vm1 =	vge.s32 v8, v18  }
0x21e: {  	v19 =	vsel vm0, $0x1, v3;
	v20 =	vsel vm1, $0x1, v3;
	vm0 =	vge.s32 v9, v18  }
0x21f: {  	v19 =	vadd.s32 v19, v20;
	v20 =	vsel vm0, $0x1, v3;
	vm0 =	vge.s32 v10, v18  }
0x220: {  	v19 =	vadd.s32 v20, v19;
	v20 =	vsel vm0, $0x1, v3;
	vm0 =	vge.s32 v11, v18  }
0x221: {  	v19 =	vadd.s32 v20, v19;
	v20 =	vsel vm0, $0x1, v3;
	vm0 =	vge.s32 v12, v18  }
0x222: {  	v19 =	vadd.s32 v20, v19;
	v20 =	vsel vm0, $0x1, v3;
	vm0 =	vge.s32 v13, v18  }
0x223: {  	v19 =	vadd.s32 v20, v19;
	v20 =	vsel vm0, $0x1, v3;
	vm0 =	vge.s32 v14, v18  }
0x224: {  	v19 =	vadd.s32 v20, v19;
	v20 =	vsel vm0, $0x1, v3;
	vm0 =	vge.s32 v15, v18  }
0x225: {  	v19 =	vadd.s32 v20, v19;
	v20 =	vsel vm0, $0x1, v3;
	vm0 =	vge.s32 v16, v18  }
0x226: {  	v19 =	vadd.s32 v20, v19;
	v20 =	vsel vm0, $0x1, v3  }
0x227: {  	v19 =	vadd.s32 v20, v19  }
0x228: {  	(xrf0) =	vadd.scan.msk.s32 $0xffff, v19;
	_ =	sdelay $0x5  }
0x229: {  	v19, _, _ =	vpop (xrf0)  }
0x22a: {  	(v2sf) =	vpush v19, $0xF;
	_ =	sdelay $0xd  }
.Ltmp11:
0x22b: {  	(pc) =	sbr.rel @p0 .LBB2_20-.Ltmp11, $4  }
0x22c: {  	s2 =	spop (v2sf)  }
0x22d: {  	v19 =	vadd.s32 $0xFFFFFFFF, v18;
	p1 =	sgt.s32 s2, $0x31  }
0x22e: {  	v6 =	vpsel p1, v18, v6;
	v17 =	vpsel p1, v17, v19  }
0x22f: {  	s0 =	sadd.s32 $0xFFFFFFFF, s0;
	v18 =	vsub.s32 v17, v6  }
0x230: {  	v17 =	vadd.s32 $0x1, v18  }
0x231: {  	v17 =	vshrl.u32 v17, $0x1  }
0x232: {  	v17 =	vadd.s32 v6, v17  }
0x233: {  	vm0 =	vge.s32 v7, v17;
	vm1 =	vge.s32 v8, v17  }
0x234: {  	v18 =	vsel vm0, $0x1, v3;
	v19 =	vsel vm1, $0x1, v3;
	vm0 =	vge.s32 v9, v17  }
0x235: {  	v18 =	vadd.s32 v18, v19;
	v19 =	vsel vm0, $0x1, v3;
	vm0 =	vge.s32 v10, v17  }
0x236: {  	v18 =	vadd.s32 v19, v18;
	v19 =	vsel vm0, $0x1, v3;
	vm0 =	vge.s32 v11, v17  }
0x237: {  	v18 =	vadd.s32 v19, v18;
	v19 =	vsel vm0, $0x1, v3;
	vm0 =	vge.s32 v12, v17  }
0x238: {  	v18 =	vadd.s32 v19, v18;
	v19 =	vsel vm0, $0x1, v3;
	vm0 =	vge.s32 v13, v17  }
0x239: {  	v18 =	vadd.s32 v19, v18;
	v19 =	vsel vm0, $0x1, v3;
	vm0 =	vge.s32 v14, v17  }
0x23a: {  	v18 =	vadd.s32 v19, v18;
	v19 =	vsel vm0, $0x1, v3;
	vm0 =	vge.s32 v15, v17  }
0x23b: {  	v18 =	vadd.s32 v19, v18;
	v19 =	vsel vm0, $0x1, v3;
	vm0 =	vge.s32 v16, v17  }
0x23c: {  	v18 =	vadd.s32 v19, v18;
	v19 =	vsel vm0, $0x1, v3  }
0x23d: {  	v18 =	vadd.s32 v19, v18  }
0x23e: {  	(xrf0) =	vadd.scan.msk.s32 $0xffff, v18;
	_ =	sdelay $0x5  }
0x23f: {  	v18, _, _ =	vpop (xrf0)  }
0x240: {  	(v2sf) =	vpush v18, $0xF;
	_ =	sdelay $0xe  }
0x241: {  	s0 =	spop (v2sf)  }
0x242: {  	p0 =	sgt.s32 s0, $0x31  }
0x243: {  	v6 =	vpsel p0, v17, v6  }
0x244: {  	vm0 =	vgt.s32 v7, v6;
	vm1 =	vgt.s32 v8, v6  }
0x245: {  	v17 =	vsel vm0, $0x1, v3;
	v18 =	vsel vm1, $0x1, v3;
	vm0 =	vgt.s32 v9, v6  }
0x246: {  	v17 =	vadd.s32 v17, v18;
	v18 =	vsel vm0, $0x1, v3;
	vm0 =	vgt.s32 v10, v6  }
0x247: {  	v17 =	vadd.s32 v18, v17;
	v18 =	vsel vm0, $0x1, v3;
	vm0 =	vgt.s32 v11, v6  }
0x248: {  	v17 =	vadd.s32 v18, v17;
	v18 =	vsel vm0, $0x1, v3;
	vm0 =	vgt.s32 v12, v6  }
0x249: {  	v17 =	vadd.s32 v18, v17;
	v18 =	vsel vm0, $0x1, v3;
	vm0 =	vgt.s32 v13, v6  }
0x24a: {  	v17 =	vadd.s32 v18, v17;
	v18 =	vsel vm0, $0x1, v3;
	vm0 =	vgt.s32 v14, v6  }
0x24b: {  	v17 =	vadd.s32 v18, v17;
	v18 =	vsel vm0, $0x1, v3;
	vm0 =	vgt.s32 v15, v6  }
0x24c: {  	v17 =	vadd.s32 v18, v17;
	v18 =	vsel vm0, $0x1, v3;
	vm0 =	vgt.s32 v16, v6  }
0x24d: {  	v17 =	vadd.s32 v18, v17;
	v18 =	vsel vm0, $0x1, v3  }
0x24e: {  	v17 =	vadd.s32 v18, v17  }
0x24f: {  	(xrf0) =	vadd.scan.msk.s32 $0xffff, v17;
	_ =	sdelay $0x5  }
0x250: {  	v17, _, _ =	vpop (xrf0)  }
0x251: {  	(v2sf) =	vpush v17, $0xF;
	_ =	sdelay $0x5  }
0x252: {  	v21 =	vld [tilespmem:$0x12B70]  }
0x253: {  	v22 =	vld [tilespmem:$0x12B80]  }
0x254: {  	v24 =	vld [tilespmem:$0x12B90];
	vm5 =	veq.s32 v11, v6  }
0x255: {  	v19 =	vld [tilespmem:$0x12B00];
	vm7 =	veq.s32 v9, v6;
	vm0 =	veq.s32 v16, v6;
	v16 =	vimm.s32 $0x0  }
0x256: {  	v9 =	vld [tilespmem:$0x12B50];
	v16 =	vsel vm0, $0xFFFFFFFF, v16;
	vm0 =	veq.s32 v15, v6;
	v15 =	vimm.s32 $0x0  }
0x257: {  	v11 =	vld [tilespmem:$0x12B40];
	v15 =	vsel vm0, $0xFFFFFFFF, v15;
	vm0 =	veq.s32 v14, v6;
	v14 =	vimm.s32 $0x0  }
0x258: {  	v23 =	vimm.s32 $0x7FFF;
	vm4 =	veq.s32 v12, v6;
	v18 =	vld [tilespmem:$0x12B10];
	v14 =	vsel vm0, $0xFFFFFFFF, v14  }
0x259: {  	vm6 =	veq.s32 v10, v6;
	vm8 =	veq.s32 v8, v6;
	[tilespmem:$0x1FFE0] =	vst v14;
	v14 =	vld [tilespmem:$0x12B30];
	v17 =	vimm.s32 $0x0  }
0x25a: {  	v20 =	vld [tilespmem:$0x12B20];
	[tilespmem:$0x1FFC0] =	vst v16;
	vm0 =	veq.s32 v13, v6;
	v13 =	vimm.s32 $0x0;
	v10 =	vadd.s32 v17, v23  }
0x25b: {  	vm9 =	veq.s32 v7, v6;
	[tilespmem:$0x1FFD0] =	vst v15;
	v13 =	vsel vm0, $0xFFFFFFFF, v13;
	v7 =	vshra.s32 v10, $0x1;
	s31 =	spop (v2sf)  }
0x25c: {  	s2 =	simm.s32 $0xE;
	v8 =	vld [tilespmem:$0x12B60];
	[tilespmem:$0x1FFF0] =	vst v13;
	vm12 =	vle.s32 v21, v7;
	vm11 =	vle.s32 v22, v7;
	vm10 =	vle.s32 v24, v7;
	s23 =	ssub.s32 $0x32, s31  }
.LBB2_22:
0x25d: {  	vm13 =	vle.s32 v11, v7;
	vm14 =	vle.s32 v9, v7  }
0x25e: {  	vm0 =	vle.s32 v19, v7;
	vm1 =	vle.s32 v18, v7;
	vm2 =	vle.s32 v14, v7  }
0x25f: {  	vm3 =	vle.s32 v20, v7;
	v13 =	vld [tilespmem:$0x1FFF0];
	vm0 =	vmand vm9, vm0;
	vm1 =	vmand vm8, vm1  }
0x260: {  	v10 =	vsel vm0, $0x1, v3;
	v12 =	vsel vm1, $0x1, v3;
	vm0 =	vmand vm7, vm3  }
0x261: {  	v10 =	vadd.s32 v10, v12;
	v12 =	vsel vm0, $0x1, v3;
	vm0 =	vmand vm6, vm2  }
0x262: {  	v10 =	vadd.s32 v12, v10;
	v12 =	vsel vm0, $0x1, v3;
	vm0 =	vmand vm5, vm13  }
0x263: {  	v10 =	vadd.s32 v12, v10;
	v12 =	vsel vm0, $0x1, v3;
	vm0 =	vmand vm4, vm14  }
0x264: {  	v10 =	vadd.s32 v12, v10;
	v12 =	vsel vm0, $0x1, v3;
	vm0 =	vnez.u8 v13;
	v13 =	vld [tilespmem:$0x1FFE0];
	_ =	sdelay $0x2  }
0x265: {  	vm15 =	vle.s32 v8, v7  }
0x266: {  	vm0 =	vmand vm0, vm15  }
0x267: {  	v10 =	vadd.s32 v12, v10;
	v12 =	vsel vm0, $0x1, v3;
	vm0 =	vnez.u8 v13;
	v13 =	vld [tilespmem:$0x1FFD0];
	_ =	sdelay $0x3  }
0x268: {  	vm0 =	vmand vm0, vm12  }
0x269: {  	v10 =	vadd.s32 v12, v10;
	v12 =	vsel vm0, $0x1, v3;
	vm0 =	vnez.u8 v13;
	v13 =	vld [tilespmem:$0x1FFC0];
	_ =	sdelay $0x3  }
0x26a: {  	vm0 =	vmand vm0, vm11  }
0x26b: {  	v10 =	vadd.s32 v12, v10;
	v12 =	vsel vm0, $0x1, v3;
	vm0 =	vnez.u8 v13  }
0x26c: {  	vm0 =	vmand vm0, vm10  }
0x26d: {  	v10 =	vadd.s32 v12, v10;
	v12 =	vsel vm0, $0x1, v3  }
0x26e: {  	v10 =	vadd.s32 v12, v10  }
0x26f: {  	(xrf0) =	vadd.scan.msk.s32 $0xffff, v10;
	_ =	sdelay $0x5  }
0x270: {  	v10, _, _ =	vpop (xrf0)  }
0x271: {  	(v2sf) =	vpush v10, $0xF;
	_ =	sdelay $0xe  }
0x272: {  	p0 =	sne.s32 s2, $0x1;
	s0 =	spop (v2sf)  }
.Ltmp12:
0x273: {  	v10 =	vadd.s32 $0x1, v7;
	p1 =	slt.s32 s0, s23;
	(pc) =	sbr.rel @p0 .LBB2_22-.Ltmp12, $4  }
0x274: {  	v17 =	vpsel p1, v10, v17;
	v23 =	vpsel p1, v23, v7  }
0x275: {  	v7 =	vadd.s32 v17, v23  }
0x276: {  	v7 =	vshra.s32 v7, $0x1  }
0x277: {  	s2 =	sadd.s32 $0xFFFFFFFF, s2;
	vm12 =	vle.s32 v21, v7;
	vm11 =	vle.s32 v22, v7;
	vm10 =	vle.s32 v24, v7  }
0x278: {  	vm0 =	vle.s32 v19, v7  }
0x279: {  	vm1 =	vle.s32 v18, v7;
	vm15 =	vle.s32 v20, v7;
	vm13 =	vle.s32 v11, v7;
	v25 =	vld [tilespmem:$0x1FFF0]  }
0x27a: {  	v27 =	vld [tilespmem:$0x1FFE0];
	vm0 =	vmand vm9, vm0;
	vm1 =	vmand vm8, vm1;
	vm8 =	vle.s32 v14, v7  }
0x27b: {  	v29 =	vld [tilespmem:$0x1FFD0];
	vm14 =	vmand vm5, vm13;
	vm5 =	vle.s32 v8, v7;
	v10 =	vsel vm0, $0x1, v3  }
0x27c: {  	v31 =	vld [tilespmem:$0x1FFC0];
	v12 =	vsel vm1, $0x1, v3;
	vm0 =	vmand vm7, vm15;
	vm9 =	vmand vm6, vm8  }
0x27d: {  	vm15 =	vle.s32 v9, v7;
	v13 =	vsel vm0, $0x1, v3;
	v10 =	vadd.s32 v10, v12  }
0x27e: {  	v20 =	vsel vm9, $0x1, v3;
	vm0 =	vmand vm4, vm15;
	v22 =	vadd.s32 v13, v10  }
0x27f: {  	v21 =	vsel vm14, $0x1, v3;
	v24 =	vsel vm0, $0x1, v3;
	v23 =	vadd.s32 v20, v22  }
0x280: {  	vm6 =	vnez.u8 v25;
	vm7 =	vnez.u8 v27;
	vm8 =	vnez.u8 v29  }
0x281: {  	vm9 =	vnez.u8 v31;
	vm0 =	vmand vm6, vm5;
	v8 =	vadd.s32 v21, v23  }
0x282: {  	v26 =	vsel vm0, $0x1, v3;
	vm0 =	vmand vm7, vm12;
	v8 =	vadd.s32 v24, v8  }
0x283: {  	v28 =	vsel vm0, $0x1, v3;
	vm0 =	vmand vm8, vm11;
	v8 =	vadd.s32 v26, v8  }
0x284: {  	v30 =	vsel vm0, $0x1, v3;
	v8 =	vadd.s32 v28, v8;
	vm0 =	vmand vm9, vm10  }
0x285: {  	v8 =	vadd.s32 v30, v8;
	v32 =	vsel vm0, $0x1, v3  }
0x286: {  	v8 =	vadd.s32 v32, v8  }
0x287: {  	(xrf0) =	vadd.scan.msk.s32 $0xffff, v8;
	_ =	sdelay $0x5  }
0x288: {  	v8, _, _ =	vpop (xrf0)  }
0x289: {  	(v2sf) =	vpush v8, $0xF;
	_ =	sdelay $0xb  }
0x28a: {  	v33 =	vld [tilespmem:$0x12A00]  }
0x28b: {  	v34 =	vld [tilespmem:$0x12B00];
	_ =	sdelay $0x1  }
0x28c: {  	s0 =	spop (v2sf)  }
0x28d: {  	v7 =	vadd.s32 $0x1, v7;
	p0 =	slt.s32 s0, s23  }
0x28e: {  	v7 =	vpsel p0, v7, v17  }
0x28f: {  	vm10 =	veq.s32 v33, v6;
	vm11 =	vle.s32 v34, v7  }
0x290: {  	vm12 =	vgt.s32 v33, v6;
	vm0 =	vmand vm10, vm11  }
0x291: {  	[tilespmem:$0x12E00] =	vst v5;
	vm0 =	vmor vm12, vm0  }
0x292: {  	[tilespmem:$0x12E80] =	vst v5;
	v35 =	vmpcnt.ones.xlane vm0  }
0x293: {  	[tilespmem:$0x12E10] =	vst v5  }
0x294: {  	[tilespmem:$0x12E90] =	vst v5;
	(v2sf) =	vpush v35, $0x0  }
0x295: {  	[tilespmem:$0x12E20] =	vst v5  }
0x296: {  	[tilespmem:$0x12EA0] =	vst v5;
	v36 =	vld [tilespmem:$0x12C00]  }
0x297: {  	[tilespmem:$0x12E30] =	vst v5;
	v37 =	vld [tilespmem:$0x12D00]  }
0x298: {  	[tilespmem:$0x12EB0] =	vst v5  }
0x299: {  	[tilespmem:$0x12E40] =	vst v5  }
0x29a: {  	[tilespmem:$0x12EC0] =	vst v5  }
0x29b: {  	[tilespmem:s17+$0x0] =	vst.msk vm0, v36  }
0x29c: {  	[tilespmem:s18+$0x0] =	vst.msk vm0, v37  }
0x29d: {  	v8 =	vld [tilespmem:$0x12A10]  }
0x29e: {  	v9 =	vld [tilespmem:$0x12B10];
	_ =	sdelay $0x2  }
0x29f: {  	v38 =	vld [tilespmem:$0x12C10]  }
0x2a0: {  	v39 =	vld [tilespmem:$0x12D10]  }
0x2a1: {  	vm13 =	veq.s32 v8, v6;
	vm14 =	vle.s32 v9, v7;
	s10 =	spop (v2sf)  }
0x2a2: {  	vm15 =	vgt.s32 v8, v6;
	vm0 =	vmand vm13, vm14;
	p0 =	slt.s32 s10, $0x40;
	s2 =	smov.u32 s10  }
0x2a3: {  	vm0 =	vmor vm15, vm0;
	s2 =	simm.s32 @!p0 $0x40  }
0x2a4: {  	v40 =	vmpcnt.ones.xlane vm0;
	[tilespmem:s2+$0x12E00] =	vst.msk vm0, v38  }
0x2a5: {  	[tilespmem:s2+$0x12E80] =	vst.msk vm0, v39  }
0x2a6: {  	(v2sf) =	vpush v40, $0x0;
	v41 =	vld [tilespmem:$0x12A20]  }
0x2a7: {  	v42 =	vld [tilespmem:$0x12B20];
	_ =	sdelay $0x4  }
0x2a8: {  	vm4 =	veq.s32 v41, v6;
	vm5 =	vle.s32 v42, v7  }
0x2a9: {  	vm6 =	vgt.s32 v41, v6;
	vm0 =	vmand vm4, vm5  }
0x2aa: {  	vm0 =	vmor vm6, vm0  }
0x2ab: {  	v43 =	vmpcnt.ones.xlane vm0;
	_ =	sdelay $0x1  }
0x2ac: {  	(v2sf) =	vpush v43, $0x0;
	_ =	sdelay $0x2  }
0x2ad: {  	v44 =	vld [tilespmem:$0x12C20]  }
0x2ae: {  	v45 =	vld [tilespmem:$0x12D20];
	s11 =	spop (v2sf)  }
0x2af: {  	s0 =	sadd.s32 s10, s11  }
0x2b0: {  	p0 =	slt.s32 s0, $0x40;
	s2 =	smov.u32 s0  }
0x2b1: {  	s2 =	simm.s32 @!p0 $0x40  }
0x2b2: {  	[tilespmem:s2+$0x12E00] =	vst.msk vm0, v44  }
0x2b3: {  	[tilespmem:s2+$0x12E80] =	vst.msk vm0, v45  }
0x2b4: {  	v8 =	vld [tilespmem:$0x12A30]  }
0x2b5: {  	v9 =	vld [tilespmem:$0x12B30];
	_ =	sdelay $0x2  }
0x2b6: {  	v10 =	vld [tilespmem:$0x12C30]  }
0x2b7: {  	v11 =	vld [tilespmem:$0x12D30];
	s12 =	spop (v2sf)  }
0x2b8: {  	vm7 =	veq.s32 v8, v6;
	vm8 =	vle.s32 v9, v7;
	s0 =	sadd.s32 s0, s12  }
0x2b9: {  	vm9 =	vgt.s32 v8, v6;
	vm0 =	vmand vm7, vm8;
	p0 =	slt.s32 s0, $0x40;
	s2 =	smov.u32 s0  }
0x2ba: {  	vm0 =	vmor vm9, vm0;
	s2 =	simm.s32 @!p0 $0x40  }
0x2bb: {  	v46 =	vmpcnt.ones.xlane vm0;
	[tilespmem:s2+$0x12E00] =	vst.msk vm0, v10  }
0x2bc: {  	[tilespmem:s2+$0x12E80] =	vst.msk vm0, v11  }
0x2bd: {  	(v2sf) =	vpush v46, $0x0;
	v47 =	vld [tilespmem:$0x12A40]  }
0x2be: {  	v48 =	vld [tilespmem:$0x12B40];
	_ =	sdelay $0x4  }
0x2bf: {  	vm10 =	veq.s32 v47, v6;
	vm11 =	vle.s32 v48, v7  }
0x2c0: {  	vm12 =	vgt.s32 v47, v6;
	vm0 =	vmand vm10, vm11  }
0x2c1: {  	vm0 =	vmor vm12, vm0  }
0x2c2: {  	v49 =	vmpcnt.ones.xlane vm0;
	_ =	sdelay $0x1  }
0x2c3: {  	(v2sf) =	vpush v49, $0x0;
	_ =	sdelay $0x2  }
0x2c4: {  	v50 =	vld [tilespmem:$0x12C40]  }
0x2c5: {  	v51 =	vld [tilespmem:$0x12D40];
	s23 =	spop (v2sf)  }
0x2c6: {  	s0 =	sadd.s32 s0, s23  }
0x2c7: {  	p0 =	slt.s32 s0, $0x40;
	s2 =	smov.u32 s0  }
0x2c8: {  	s2 =	simm.s32 @!p0 $0x40  }
0x2c9: {  	[tilespmem:s2+$0x12E00] =	vst.msk vm0, v50  }
0x2ca: {  	[tilespmem:s2+$0x12E80] =	vst.msk vm0, v51  }
0x2cb: {  	v8 =	vld [tilespmem:$0x12A50]  }
0x2cc: {  	v9 =	vld [tilespmem:$0x12B50];
	_ =	sdelay $0x2  }
0x2cd: {  	v10 =	vld [tilespmem:$0x12C50]  }
0x2ce: {  	v11 =	vld [tilespmem:$0x12D50];
	s24 =	spop (v2sf)  }
0x2cf: {  	vm13 =	veq.s32 v8, v6;
	vm14 =	vle.s32 v9, v7;
	s0 =	sadd.s32 s0, s24  }
0x2d0: {  	vm15 =	vgt.s32 v8, v6;
	vm0 =	vmand vm13, vm14;
	p0 =	slt.s32 s0, $0x40;
	s2 =	smov.u32 s0  }
0x2d1: {  	vm0 =	vmor vm15, vm0;
	s2 =	simm.s32 @!p0 $0x40  }
0x2d2: {  	v52 =	vmpcnt.ones.xlane vm0;
	[tilespmem:s2+$0x12E00] =	vst.msk vm0, v10  }
0x2d3: {  	[tilespmem:s2+$0x12E80] =	vst.msk vm0, v11  }
0x2d4: {  	(v2sf) =	vpush v52, $0x0;
	v53 =	vld [tilespmem:$0x12A60]  }
0x2d5: {  	v54 =	vld [tilespmem:$0x12B60];
	_ =	sdelay $0x4  }
0x2d6: {  	vm4 =	veq.s32 v53, v6;
	vm5 =	vle.s32 v54, v7  }
0x2d7: {  	vm6 =	vgt.s32 v53, v6;
	vm0 =	vmand vm4, vm5  }
0x2d8: {  	vm0 =	vmor vm6, vm0  }
0x2d9: {  	v55 =	vmpcnt.ones.xlane vm0;
	_ =	sdelay $0x1  }
0x2da: {  	(v2sf) =	vpush v55, $0x0;
	_ =	sdelay $0x2  }
0x2db: {  	v56 =	vld [tilespmem:$0x12C60]  }
0x2dc: {  	v57 =	vld [tilespmem:$0x12D60];
	s25 =	spop (v2sf)  }
0x2dd: {  	s0 =	sadd.s32 s0, s25  }
0x2de: {  	p0 =	slt.s32 s0, $0x40;
	s2 =	smov.u32 s0  }
0x2df: {  	s2 =	simm.s32 @!p0 $0x40  }
0x2e0: {  	[tilespmem:s2+$0x12E00] =	vst.msk vm0, v56  }
0x2e1: {  	[tilespmem:s2+$0x12E80] =	vst.msk vm0, v57  }
0x2e2: {  	v8 =	vld [tilespmem:$0x12A70]  }
0x2e3: {  	v9 =	vld [tilespmem:$0x12B70];
	_ =	sdelay $0x2  }
0x2e4: {  	v10 =	vld [tilespmem:$0x12C70]  }
0x2e5: {  	v11 =	vld [tilespmem:$0x12D70];
	s26 =	spop (v2sf)  }
0x2e6: {  	vm7 =	veq.s32 v8, v6;
	vm8 =	vle.s32 v9, v7;
	s0 =	sadd.s32 s0, s26  }
0x2e7: {  	vm9 =	vgt.s32 v8, v6;
	vm0 =	vmand vm7, vm8;
	p0 =	slt.s32 s0, $0x40;
	s2 =	smov.u32 s0  }
0x2e8: {  	vm0 =	vmor vm9, vm0;
	s2 =	simm.s32 @!p0 $0x40  }
0x2e9: {  	v58 =	vmpcnt.ones.xlane vm0;
	[tilespmem:s2+$0x12E00] =	vst.msk vm0, v10  }
0x2ea: {  	[tilespmem:s2+$0x12E80] =	vst.msk vm0, v11  }
0x2eb: {  	(v2sf) =	vpush v58, $0x0;
	v59 =	vld [tilespmem:$0x12A80]  }
0x2ec: {  	v60 =	vld [tilespmem:$0x12B80];
	_ =	sdelay $0x4  }
0x2ed: {  	vm10 =	veq.s32 v59, v6;
	vm11 =	vle.s32 v60, v7  }
0x2ee: {  	vm12 =	vgt.s32 v59, v6;
	vm0 =	vmand vm10, vm11  }
0x2ef: {  	vm0 =	vmor vm12, vm0  }
0x2f0: {  	v61 =	vmpcnt.ones.xlane vm0;
	_ =	sdelay $0x1  }
0x2f1: {  	(v2sf) =	vpush v61, $0x0;
	_ =	sdelay $0x2  }
0x2f2: {  	v62 =	vld [tilespmem:$0x12C80]  }
0x2f3: {  	v63 =	vld [tilespmem:$0x12D80];
	s28 =	spop (v2sf)  }
0x2f4: {  	s0 =	sadd.s32 s0, s28  }
0x2f5: {  	p0 =	slt.s32 s0, $0x40;
	s2 =	smov.u32 s0  }
0x2f6: {  	s2 =	simm.s32 @!p0 $0x40  }
0x2f7: {  	[tilespmem:s2+$0x12E00] =	vst.msk vm0, v62  }
0x2f8: {  	[tilespmem:s2+$0x12E80] =	vst.msk vm0, v63  }
0x2f9: {  	v8 =	vld [tilespmem:$0x12A90]  }
0x2fa: {  	v9 =	vld [tilespmem:$0x12B90];
	_ =	sdelay $0x2  }
0x2fb: {  	v10 =	vld [tilespmem:$0x12C90]  }
0x2fc: {  	v11 =	vld [tilespmem:$0x12D90];
	s29 =	spop (v2sf)  }
0x2fd: {  	vm13 =	veq.s32 v8, v6;
	vm14 =	vle.s32 v9, v7;
	s0 =	sadd.s32 s0, s29  }
0x2fe: {  	vm15 =	vgt.s32 v8, v6;
	vm0 =	vmand vm13, vm14;
	p0 =	slt.s32 s0, $0x40  }
0x2ff: {  	vm0 =	vmor vm15, vm0;
	s0 =	simm.s32 @!p0 $0x40  }
0x300: {  	[tilespmem:s0+$0x12E00] =	vst.msk vm0, v10  }
0x301: {  	s30 =	sadd.s32 s5, s22;
	[tilespmem:s0+$0x12E80] =	vst.msk vm0, v11  }
0x302: {  	[hbm4b:s30+s4] =	stream.linear.scatter [tilespmem:s17], [sflag:$0x3], $0x80, $0x38;
	[tilespmem:$0x12F00] =	vst v63  }
0x303: {  	_ =	swait.ge [sflag:s19], $0x80  }
0x304: {  	s21 =	sadd.s32 $0x1, s21;
	[sflag:s19] =	ssyncset.done $0x0  }
0x305: {  	s31 =	sadd.s32 s6, s22;
	p0 =	sne.s32 s21, $0xC;
	[sflag:s19] =	ssyncadd.s32 $0xFFFFFF80  }
0x306: {  	[hbm4b:s31+s4] =	stream.linear.scatter [tilespmem:s18], [sflag:$0x3], $0x80, $0x38;
	[tilespmem:$0x12F00] =	vst v63  }
.Ltmp13:
0x307: {  	_ = 	snop;
	(pc) =	sbr.rel @p0 .LBB2_2-.Ltmp13, $4  }
.Ltmp14:
0x308: {  	_ = 	snop;
	(pc) =	sbr.rel @!p0 .LBB2_24-.Ltmp14, $4  }
0x309: {  	_ =	swait.ge [sflag:s19], $0x80  }
0x30a: {  	[sflag:s19] =	ssyncset.done $0x0  }
0x30b: {  	[sflag:s19] =	ssyncadd.s32 $0xFFFFFF80  }
0x30c: {  	_ = 	snop  }
.LBB2_14:
.Ltmp15:
0x30d: {  	(pc) =	sbr.rel .LBB2_18-.Ltmp15, $2  }
0x30e: {  	_ =	sdelay $0x2  }
0x30f: {  	s2 =	simm.s32 $0x0  }
.LBB2_16:
.Ltmp16:
0x310: {  	(pc) =	sbr.rel .LBB2_18-.Ltmp16, $2  }
0x311: {  	_ =	sdelay $0x2  }
0x312: {  	s2 =	simm.s32 $0x0  }
.LBB2_25:
0x313: {  	_ =	sfence.sel $0x180000  }
0x314: {  	[bflag:$0x0] =	sbarrier.arrive $0xFFFF  }
0x315: {  	_ =	strace $0x90000047  }
0x316: {  	s0 =	stileid.u32;
	[bflag:$0x2] =	sbarrier.arrive $0xFFFF  }
0x317: {  	p0 =	sne.s32 s0, $0x0;
	s0 =	rddreg [dreg:$0x3]  }
0x318: {  	s0 =	sadd.s32 @!p0 $0x100000, s0  }
0x319: {  	[sflag:s0] =	ssyncadd.tile.s32 @!p0 $0x1;
	_ =	shalt  }
.Lfunc_end2:
_tile_overlayer_lowered:
.L_overlay_start_2:
0x31a: {  	(tag) =	ssettag $0x2  }
0x31b: {  	s0 =	rddreg [dreg:$0x0];
	s2 =	stileid.u32  }
0x31c: {  	s1 =	rddreg [dreg:$0x1];
	p0 =	sne.s32 s2, $0x0  }
0x31d: {  	s3 =	rddreg [dreg:$0x2];
	[bflag:$0x3] =	sbarrier.arrive $0xFFFF;
	s2 =	simm.s32 @!p0 $0x1C03  }
0x31e: {  	[timem:s3], [sflag:s2] =	dma.local @!p0 [hbm:s0], s1  }
0x31f: {  	s0 =	simm.s32 @!p0 $0x3  }
0x320: {  	_ =	swait.ge @!p0 [sflag:s0], s1  }
0x321: {  	s1 =	ssub.s32 @!p0 $0x0, s1;
	[sflag:s0] =	ssyncset.done @!p0 $0x0  }
0x322: {  	[sflag:s0] =	ssyncadd.s32 @!p0 s1  }
0x323: {  	[bflag:$0x3] =	sbarrier.arrive $0xFFFF  }
0x324: {  	_ =	shalt  }

</sc_bundles>
